<compile_context>
chip_gen: v7x
topology: tpu7x:2x2x1
jax: 0.10.2.dev20260603
libtpu: 0.0.44.dev20260713+nightly
codegen_flags: <defaults>
</compile_context>

<pallas_src>
import functools

import jax
import jax.numpy as jnp
from jax import lax
from jax.experimental import pallas as pl
from jax.experimental.pallas import tpu as pltpu
from jax.experimental.pallas import tpu_sc as plsc

T = 12
N = 10000
F = 128
E = 320000
PRED = 3

NC = 2
NS = 16
NW = NC * NS
CH = 128
CHUNKS = 80
ZCH = 64
EPT = CH * CHUNKS
E_PAD = EPT * NW
NACC = 10240
ZROWS = NACC // NS
OROWS = N // NS
DUMMY = N

NBLK = 1000
NJ = N // NBLK
NPAD = NACC
FH = 64

_mesh = lambda: plsc.VectorSubcoreMesh(core_axis_name="c", subcore_axis_name="s")


def _deg_body(dst_hbm, ones_hbm, out_hbm, dstv, onesb, zbuf, acc_sh):
    c = lax.axis_index("c")
    s = lax.axis_index("s")
    w = s * NC + c
    pltpu.sync_copy(dst_hbm.at[w], dstv)
    pltpu.sync_copy(ones_hbm.at[0], onesb)
    pltpu.sync_copy(ones_hbm.at[1, pl.ds(0, ZCH)], zbuf)
    for k in range(ZROWS // ZCH):
        pltpu.sync_copy(zbuf, acc_sh.at[pl.ds(s * ZROWS + k * ZCH, ZCH)])
    plsc.subcore_barrier()

    def ch_body(j, _):
        pltpu.sync_copy(onesb, acc_sh.at[dstv.at[j]], add=True)
        return 0

    lax.fori_loop(0, CHUNKS, ch_body, 0)
    plsc.subcore_barrier()
    pltpu.sync_copy(acc_sh.at[pl.ds(s * ZROWS, ZROWS)],
                    out_hbm.at[c, pl.ds(s * ZROWS, ZROWS)])


def _deg_call(dst_rs, ones_zeros):
    return pl.kernel(
        _deg_body,
        out_type=jax.ShapeDtypeStruct((NC, NACC, F), jnp.float32),
        mesh=_mesh(),
        scratch_types=[
            pltpu.VMEM((CHUNKS, CH), jnp.int32),
            pltpu.VMEM((CH, F), jnp.float32),
            pltpu.VMEM((ZCH, F), jnp.float32),
            pltpu.VMEM_SHARED((NACC, F), jnp.float32),
        ],
    )(dst_rs, ones_zeros)


SUPER = 2
HCHUNKS = CHUNKS // SUPER
PAIRS = HCHUNKS // 2


def _scatter_body(g_hbm, src_hbm, dst_hbm, zeros_hbm, out_hbm,
                  srcv, dstv, buf_a, buf_b, g_sh, acc_sh, sem_a, sem_b):
    c = lax.axis_index("c")
    s = lax.axis_index("s")
    w = s * NC + c
    pltpu.sync_copy(src_hbm.at[w], srcv)
    pltpu.sync_copy(dst_hbm.at[w], dstv)

    def t_body(t, _):
        for h in range(2):
            pltpu.async_copy(
                g_hbm.at[pl.ds(t * NPAD + s * ZROWS, ZROWS), pl.ds(h * FH, FH)],
                g_sh.at[pl.ds(s * ZROWS, ZROWS)], sem_a)
            pltpu.async_copy(zeros_hbm.at[:, pl.ds(0, FH)],
                             acc_sh.at[pl.ds(s * ZROWS, ZROWS)], sem_b)
            pltpu.make_async_copy(
                g_hbm.at[pl.ds(t * NPAD + s * ZROWS, ZROWS), pl.ds(h * FH, FH)],
                g_sh.at[pl.ds(s * ZROWS, ZROWS)], sem_a).wait()
            pltpu.make_async_copy(zeros_hbm.at[:, pl.ds(0, FH)],
                                  acc_sh.at[pl.ds(s * ZROWS, ZROWS)],
                                  sem_b).wait()
            plsc.subcore_barrier()

            pltpu.async_copy(g_sh.at[srcv.at[0]], buf_a, sem_a)

            def pair_body(k, _):
                j0 = 2 * k
                j1 = j0 + 1
                pltpu.async_copy(g_sh.at[srcv.at[j1]], buf_b, sem_b)
                pltpu.make_async_copy(g_sh.at[srcv.at[j0]], buf_a,
                                      sem_a).wait()
                pltpu.sync_copy(buf_a, acc_sh.at[dstv.at[j0]], add=True)

                @pl.when(k < CHUNKS // 2 - 1)
                def _():
                    pltpu.async_copy(g_sh.at[srcv.at[j0 + 2]], buf_a, sem_a)

                pltpu.make_async_copy(g_sh.at[srcv.at[j1]], buf_b,
                                      sem_b).wait()
                pltpu.sync_copy(buf_b, acc_sh.at[dstv.at[j1]], add=True)
                return 0

            lax.fori_loop(0, CHUNKS // 2, pair_body, 0)
            plsc.subcore_barrier()
            pltpu.sync_copy(acc_sh.at[pl.ds(s * ZROWS, ZROWS)],
                            out_hbm.at[c, t, pl.ds(s * ZROWS, ZROWS),
                                       pl.ds(h * FH, FH)])
        return 0

    lax.fori_loop(0, T, t_body, 0)


def _scatter_call(g, src_rs, dst_rs, zeros_z):
    g_flat = g.reshape(T * NPAD, F)
    return pl.kernel(
        _scatter_body,
        out_type=jax.ShapeDtypeStruct((NC, T, NACC, F), jnp.float32),
        mesh=_mesh(),
        compiler_params=pltpu.CompilerParams(use_tc_tiling_on_sc=False),
        scratch_types=[
            pltpu.VMEM((CHUNKS, CH), jnp.int32),
            pltpu.VMEM((CHUNKS, CH), jnp.int32),
            pltpu.VMEM((CH, FH), jnp.float32),
            pltpu.VMEM((CH, FH), jnp.float32),
            pltpu.VMEM_SHARED((NACC, FH), jnp.float32),
            pltpu.VMEM_SHARED((NACC, FH), jnp.float32),
            pltpu.SemaphoreType.DMA,
            pltpu.SemaphoreType.DMA,
        ],
    )(g_flat, src_rs, dst_rs, zeros_z)


def _tc_prep_body(p_ref, out_ref):
    d = p_ref[0, :, :1] + p_ref[1, :, :1] + 1.0
    out_ref[...] = lax.rsqrt(d)


def _tc_prep(deg_parts):
    return pl.pallas_call(
        _tc_prep_body,
        grid=(NJ,),
        in_specs=[pl.BlockSpec((NC, NBLK, F), lambda j: (0, j, 0))],
        out_specs=pl.BlockSpec((NBLK, 1), lambda j: (j, 0)),
        out_shape=jax.ShapeDtypeStruct((N, 1), jnp.float32),
    )(deg_parts)


def _tc_first_body(x_ref, w_ref, dinv_ref, out_ref):
    h = jnp.dot(x_ref[0], w_ref[...], preferred_element_type=jnp.float32)
    out_ref[0] = h * dinv_ref[...]


def _tc_first(x, W1, dinv_col):
    return pl.pallas_call(
        _tc_first_body,
        grid=(T, NJ),
        in_specs=[
            pl.BlockSpec((1, NBLK, F), lambda t, j: (t, j, 0)),
            pl.BlockSpec((F, F), lambda t, j: (0, 0)),
            pl.BlockSpec((NBLK, 1), lambda t, j: (j, 0)),
        ],
        out_specs=pl.BlockSpec((1, NBLK, F), lambda t, j: (t, j, 0)),
        out_shape=jax.ShapeDtypeStruct((T, NPAD, F), jnp.float32),
    )(x, W1, dinv_col)


def _tc_mid_body(s_ref, g_ref, b_ref, dinv_ref, w_ref, out_ref):
    dinv = dinv_ref[...]
    z = dinv * (s_ref[0, 0] + s_ref[1, 0] + g_ref[0]) + b_ref[...]
    z = jnp.maximum(z, 0.0)
    h = jnp.dot(z, w_ref[...], preferred_element_type=jnp.float32)
    out_ref[0] = h * dinv


def _tc_mid(S, g, b_row, dinv_col, W_next):
    return pl.pallas_call(
        _tc_mid_body,
        grid=(T, NJ),
        in_specs=[
            pl.BlockSpec((NC, 1, NBLK, F), lambda t, j: (0, t, j, 0)),
            pl.BlockSpec((1, NBLK, F), lambda t, j: (t, j, 0)),
            pl.BlockSpec((1, F), lambda t, j: (0, 0)),
            pl.BlockSpec((NBLK, 1), lambda t, j: (j, 0)),
            pl.BlockSpec((F, F), lambda t, j: (0, 0)),
        ],
        out_specs=pl.BlockSpec((1, NBLK, F), lambda t, j: (t, j, 0)),
        out_shape=jax.ShapeDtypeStruct((T, NPAD, F), jnp.float32),
    )(S, g, b_row, dinv_col, W_next)


def _tc_final_body(s_ref, g_ref, b_ref, dinv_ref, wout_ref, bout_ref,
                   out_ref, acc_ref):
    t = pl.program_id(1)
    z = dinv_ref[...] * (s_ref[0, 0] + s_ref[1, 0] + g_ref[0]) + b_ref[...]
    z = jnp.maximum(z, 0.0)

    @pl.when(t == 0)
    def _():
        acc_ref[...] = z

    @pl.when(t != 0)
    def _():
        acc_ref[...] = acc_ref[...] + z

    @pl.when(t == T - 1)
    def _():
        m = acc_ref[...] * (1.0 / T)
        out_ref[...] = jnp.dot(m, wout_ref[...],
                               preferred_element_type=jnp.float32) + bout_ref[...]


def _tc_final(S, g, b_row, dinv_col, Wout_pad, bout_pad):
    return pl.pallas_call(
        _tc_final_body,
        grid=(NJ, T),
        in_specs=[
            pl.BlockSpec((NC, 1, NBLK, F), lambda j, t: (0, t, j, 0)),
            pl.BlockSpec((1, NBLK, F), lambda j, t: (t, j, 0)),
            pl.BlockSpec((1, F), lambda j, t: (0, 0)),
            pl.BlockSpec((NBLK, 1), lambda j, t: (j, 0)),
            pl.BlockSpec((F, F), lambda j, t: (0, 0)),
            pl.BlockSpec((1, F), lambda j, t: (0, 0)),
        ],
        out_specs=pl.BlockSpec((NBLK, F), lambda j, t: (j, 0)),
        out_shape=jax.ShapeDtypeStruct((N, F), jnp.float32),
        scratch_shapes=[pltpu.VMEM((NBLK, F), jnp.float32)],
    )(S, g, b_row, dinv_col, Wout_pad, bout_pad)


def kernel(x, edge_index, W1, b1, W2, b2, W3, b3, W_out, b_out):
    src = edge_index[0].astype(jnp.int32)
    dst = edge_index[1].astype(jnp.int32)

    pad = E_PAD - E
    src_p = jnp.concatenate([src, jnp.zeros((pad,), jnp.int32)])
    pad_dst = DUMMY + (jnp.arange(pad, dtype=jnp.int32) % (NACC - N))
    dst_p = jnp.concatenate([dst, pad_dst])
    src_rs = src_p.reshape(NW, CHUNKS, CH)
    dst_rs = dst_p.reshape(NW, CHUNKS, CH)

    ones_zeros = jnp.stack([jnp.ones((CH, F), jnp.float32),
                            jnp.zeros((CH, F), jnp.float32)])
    zeros_z = jnp.zeros((ZROWS, F), jnp.float32)
    deg_parts = _deg_call(dst_rs, ones_zeros)
    dinv_col = _tc_prep(deg_parts)

    b1_row = b1.reshape(1, F)
    b2_row = b2.reshape(1, F)
    b3_row = b3.reshape(1, F)
    Wout_pad = jnp.zeros((F, F), jnp.float32).at[:, :PRED].set(W_out)
    bout_pad = jnp.zeros((1, F), jnp.float32).at[0, :PRED].set(b_out)

    g1 = _tc_first(x, W1, dinv_col)
    S1 = _scatter_call(g1, src_rs, dst_rs, zeros_z)
    g2 = _tc_mid(S1, g1, b1_row, dinv_col, W2)
    S2 = _scatter_call(g2, src_rs, dst_rs, zeros_z)
    g3 = _tc_mid(S2, g2, b2_row, dinv_col, W3)
    S3 = _scatter_call(g3, src_rs, dst_rs, zeros_z)
    y = _tc_final(S3, g3, b3_row, dinv_col, Wout_pad, bout_pad)

    out = y[:, :PRED].reshape(1, N, PRED)
    return tuple(out[:, :, t:t + 1] for t in range(PRED))

# --- scband reference (transcript-rebuilt; emitter-appended) ---
"""Pipeline reference for scband-temporal-gcn-56075093016576 (READ-ONLY COPY).

The authoritative reference and input builder live on the scoring server;
editing this copy changes nothing except your own understanding.
"""

import jax, jax.numpy as jnp
import numpy as np

SEQ_LEN = 12
PRED_LEN = 3
NUM_NODES = 10000
B = 1
IN_CH = 128
HID = 128
OUT_CH = 1
N_EDGES = 320000


def setup_inputs(seed: int = 0) -> dict:
    key = jax.random.key(seed)
    ks = jax.random.split(key, 12)
    x = jax.random.normal(ks[0], (SEQ_LEN, NUM_NODES, IN_CH), dtype=jnp.float32)
    edge_index = jax.random.randint(ks[1], (2, N_EDGES), 0, NUM_NODES)
    W1 = jax.random.normal(ks[2], (IN_CH, HID), dtype=jnp.float32) * 0.05
    b1 = jnp.zeros((HID,), dtype=jnp.float32)
    W2 = jax.random.normal(ks[3], (HID, HID), dtype=jnp.float32) * 0.05
    b2 = jnp.zeros((HID,), dtype=jnp.float32)
    W3 = jax.random.normal(ks[4], (HID, HID), dtype=jnp.float32) * 0.05
    b3 = jnp.zeros((HID,), dtype=jnp.float32)
    W_out = jax.random.normal(ks[5], (HID, PRED_LEN * OUT_CH), dtype=jnp.float32) * 0.05
    b_out = jnp.zeros((PRED_LEN * OUT_CH,), dtype=jnp.float32)
    return {"x": x, "edge_index": edge_index, "W1": W1, "b1": b1, "W2": W2, "b2": b2, "W3": W3, "b3": b3, "W_out": W_out, "b_out": b_out}


def _gcn_conv(xt, W, b, src, dst, norm):
    h = xt @ W
    msg = h[src] * norm[:, None]
    agg = jax.ops.segment_sum(msg, dst, num_segments=NUM_NODES)
    return agg + b


def reference(x, edge_index, W1, b1, W2, b2, W3, b3, W_out, b_out):
    src = edge_index[0]
    dst = edge_index[1]
    loop = jnp.arange(NUM_NODES, dtype=src.dtype)
    src_sl = jnp.concatenate([src, loop])
    dst_sl = jnp.concatenate([dst, loop])
    ones = jnp.ones((src_sl.shape[0],), dtype=x.dtype)
    deg = jax.ops.segment_sum(ones, dst_sl, num_segments=NUM_NODES)
    dinv = jnp.where(deg > 0, jax.lax.rsqrt(jnp.maximum(deg, 1e-12)), 0.0)
    norm = dinv[src_sl] * dinv[dst_sl]

    def step(xt):
        h = jax.nn.relu(_gcn_conv(xt, W1, b1, src_sl, dst_sl, norm))
        h = jax.nn.relu(_gcn_conv(h, W2, b2, src_sl, dst_sl, norm))
        h = jax.nn.relu(_gcn_conv(h, W3, b3, src_sl, dst_sl, norm))
        return h

    embs = jax.vmap(step)(x)  # [seq, N, HID]
    # stack(dim=0).permute(1,2,0) then AdaptiveAvgPool1d(1).squeeze(-1) == mean over seq axis
    x_temporal = jnp.mean(embs, axis=0)  # [N, HID]
    x_temporal = x_temporal.reshape(B, NUM_NODES, HID)
    out = x_temporal @ W_out + b_out  # [B, N, PRED*OUT]
    out = out.reshape(B, NUM_NODES, PRED_LEN, OUT_CH)
    return tuple(out[:, :, t, :] for t in range(PRED_LEN))

if __name__ == "__main__":
    import jax
    _d = setup_inputs()
    print(jax.jit(kernel)(*tuple(_d.values())))

</pallas_src>

<mosaic_0001>
#map = affine_map<(d0, d1) -> (0, 0)>
#map1 = affine_map<(d0, d1) -> (0, 0, 0)>
#map2 = affine_map<(d0, d1) -> (0, 0, 0, 0)>
module attributes {stable_mosaic.version = 14 : i64} {
  func.func @_scatter_body(%arg0: i32, %arg1: i32, %arg2: memref<122880x128xf32, #tpu.memory_space<hbm>>, %arg3: memref<32x80x128xi32, #tpu.memory_space<hbm>>, %arg4: memref<32x80x128xi32, #tpu.memory_space<hbm>>, %arg5: memref<640x128xf32, #tpu.memory_space<hbm>>, %arg6: memref<2x12x10240x128xf32, #tpu.memory_space<hbm>>, %arg7: memref<80x128xi32, #tpu.memory_space<vmem>>, %arg8: memref<80x128xi32, #tpu.memory_space<vmem>>, %arg9: memref<128x64xf32, #tpu.memory_space<vmem>>, %arg10: memref<128x64xf32, #tpu.memory_space<vmem>>, %arg11: memref<10240x64xf32, #tpu.memory_space<vmem_shared>>, %arg12: memref<10240x64xf32, #tpu.memory_space<vmem_shared>>, %arg13: memref<!tpu.dma_semaphore, #tpu.memory_space<semaphore_mem>>, %arg14: memref<!tpu.dma_semaphore, #tpu.memory_space<semaphore_mem>>) attributes {dimension_semantics = [#tpu.dimension_semantics<core_parallel>, #tpu.dimension_semantics<subcore_parallel>], iteration_bounds = array<i64: 2, 16>, scalar_prefetch = 0 : i64, scratch_operands = 8 : i64, tpu.core_type = #tpu.core_type<sc_vector_subcore>, window_params = [{transform_indices = #map}, {transform_indices = #map1}, {transform_indices = #map1}, {transform_indices = #map}, {transform_indices = #map2}]} {
    %mul3A = arith.constant 2 : i32
    %mul3A_0 = arith.muli %arg1, %mul3A : i32
    %add3A = arith.addi %mul3A_0, %arg0 : i32
    "tpu.region"() ({
      %run_scoped3A = tpu.sem_alloc : memref<!tpu.dma_semaphore, #tpu.memory_space<semaphore_mem>>
      %dma_start3A = arith.constant 0 : i32
      %dma_start3A_7 = arith.constant 0 : i32
      %dma_start3A_8 = tpu.memref_slice %arg3[%add3A, %dma_start3A, %dma_start3A_7] : memref<32x80x128xi32, #tpu.memory_space<hbm>> -> memref<1x80x128xi32, #tpu.memory_space<hbm>>
      %dma_start3A_9 = tpu.memref_squeeze %dma_start3A_8 : memref<1x80x128xi32, #tpu.memory_space<hbm>> -> memref<80x128xi32, #tpu.memory_space<hbm>>
      %dma_start3A_10 = arith.constant 0 : i32
      %dma_start3A_11 = arith.constant 0 : i32
      %dma_start3A_12 = tpu.memref_slice %arg3[%add3A, %dma_start3A_10, %dma_start3A_11] : memref<32x80x128xi32, #tpu.memory_space<hbm>> -> memref<1x80x128xi32, #tpu.memory_space<hbm>>
      %dma_start3A_13 = tpu.memref_squeeze %dma_start3A_12 : memref<1x80x128xi32, #tpu.memory_space<hbm>> -> memref<80x128xi32, #tpu.memory_space<hbm>>
      tpu.enqueue_dma source(%dma_start3A_13 : memref<80x128xi32, #tpu.memory_space<hbm>>) target(%arg7 : memref<80x128xi32, #tpu.memory_space<vmem>>) target_semaphore(%run_scoped3A : memref<!tpu.dma_semaphore, #tpu.memory_space<semaphore_mem>>)
      %dma_wait3A = arith.constant 0 : i32
      %dma_wait3A_14 = arith.constant 0 : i32
      %dma_wait3A_15 = tpu.memref_slice %arg3[%add3A, %dma_wait3A, %dma_wait3A_14] : memref<32x80x128xi32, #tpu.memory_space<hbm>> -> memref<1x80x128xi32, #tpu.memory_space<hbm>>
      %dma_wait3A_16 = tpu.memref_squeeze %dma_wait3A_15 : memref<1x80x128xi32, #tpu.memory_space<hbm>> -> memref<80x128xi32, #tpu.memory_space<hbm>>
      %dma_wait3A_17 = arith.constant 0 : i32
      %dma_wait3A_18 = arith.constant 0 : i32
      %dma_wait3A_19 = tpu.memref_slice %arg3[%add3A, %dma_wait3A_17, %dma_wait3A_18] : memref<32x80x128xi32, #tpu.memory_space<hbm>> -> memref<1x80x128xi32, #tpu.memory_space<hbm>>
      %dma_wait3A_20 = tpu.memref_squeeze %dma_wait3A_19 : memref<1x80x128xi32, #tpu.memory_space<hbm>> -> memref<80x128xi32, #tpu.memory_space<hbm>>
      tpu.wait_dma2 semaphore(%run_scoped3A : memref<!tpu.dma_semaphore, #tpu.memory_space<semaphore_mem>>) src(%dma_wait3A_20 : memref<80x128xi32, #tpu.memory_space<hbm>>) dst(%arg7 : memref<80x128xi32, #tpu.memory_space<vmem>>)
      tpu.yield
    }) : () -> ()
    "tpu.region"() ({
      %run_scoped3A = tpu.sem_alloc : memref<!tpu.dma_semaphore, #tpu.memory_space<semaphore_mem>>
      %dma_start3A = arith.constant 0 : i32
      %dma_start3A_7 = arith.constant 0 : i32
      %dma_start3A_8 = tpu.memref_slice %arg4[%add3A, %dma_start3A, %dma_start3A_7] : memref<32x80x128xi32, #tpu.memory_space<hbm>> -> memref<1x80x128xi32, #tpu.memory_space<hbm>>
      %dma_start3A_9 = tpu.memref_squeeze %dma_start3A_8 : memref<1x80x128xi32, #tpu.memory_space<hbm>> -> memref<80x128xi32, #tpu.memory_space<hbm>>
      %dma_start3A_10 = arith.constant 0 : i32
      %dma_start3A_11 = arith.constant 0 : i32
      %dma_start3A_12 = tpu.memref_slice %arg4[%add3A, %dma_start3A_10, %dma_start3A_11] : memref<32x80x128xi32, #tpu.memory_space<hbm>> -> memref<1x80x128xi32, #tpu.memory_space<hbm>>
      %dma_start3A_13 = tpu.memref_squeeze %dma_start3A_12 : memref<1x80x128xi32, #tpu.memory_space<hbm>> -> memref<80x128xi32, #tpu.memory_space<hbm>>
      tpu.enqueue_dma source(%dma_start3A_13 : memref<80x128xi32, #tpu.memory_space<hbm>>) target(%arg8 : memref<80x128xi32, #tpu.memory_space<vmem>>) target_semaphore(%run_scoped3A : memref<!tpu.dma_semaphore, #tpu.memory_space<semaphore_mem>>)
      %dma_wait3A = arith.constant 0 : i32
      %dma_wait3A_14 = arith.constant 0 : i32
      %dma_wait3A_15 = tpu.memref_slice %arg4[%add3A, %dma_wait3A, %dma_wait3A_14] : memref<32x80x128xi32, #tpu.memory_space<hbm>> -> memref<1x80x128xi32, #tpu.memory_space<hbm>>
      %dma_wait3A_16 = tpu.memref_squeeze %dma_wait3A_15 : memref<1x80x128xi32, #tpu.memory_space<hbm>> -> memref<80x128xi32, #tpu.memory_space<hbm>>
      %dma_wait3A_17 = arith.constant 0 : i32
      %dma_wait3A_18 = arith.constant 0 : i32
      %dma_wait3A_19 = tpu.memref_slice %arg4[%add3A, %dma_wait3A_17, %dma_wait3A_18] : memref<32x80x128xi32, #tpu.memory_space<hbm>> -> memref<1x80x128xi32, #tpu.memory_space<hbm>>
      %dma_wait3A_20 = tpu.memref_squeeze %dma_wait3A_19 : memref<1x80x128xi32, #tpu.memory_space<hbm>> -> memref<80x128xi32, #tpu.memory_space<hbm>>
      tpu.wait_dma2 semaphore(%run_scoped3A : memref<!tpu.dma_semaphore, #tpu.memory_space<semaphore_mem>>) src(%dma_wait3A_20 : memref<80x128xi32, #tpu.memory_space<hbm>>) dst(%arg8 : memref<80x128xi32, #tpu.memory_space<vmem>>)
      tpu.yield
    }) : () -> ()
    %scan3A = arith.constant 0 : i32
    %scan3A_1 = arith.constant 0 : i32
    %scan3A_2 = arith.constant 12 : i32
    %scan3A_3 = arith.addi %scan3A_1, %scan3A_2 : i32
    %scan3A_4 = arith.constant 1 : i32
    %scan3A_5 = scf.for %scan3A_7 = %scan3A_1 to %scan3A_3 step %scan3A_4 iter_args(%scan3A_8 = %scan3A) -> (i32)  : i32 {
      %mul3A_9 = arith.constant 10240 : i32
      %mul3A_10 = arith.muli %scan3A_7, %mul3A_9 : i32
      %mul3A_11 = arith.constant 640 : i32
      %mul3A_12 = arith.muli %arg1, %mul3A_11 : i32
      %add3A_13 = arith.addi %mul3A_10, %mul3A_12 : i32
      %mul3A_14 = arith.constant 640 : i32
      %mul3A_15 = arith.muli %arg1, %mul3A_14 : i32
      %dma_start3A = arith.constant 0 : i32
      %dma_start3A_16 = tpu.memref_slice %arg11[%mul3A_15, %dma_start3A] : memref<10240x64xf32, #tpu.memory_space<vmem_shared>> -> memref<640x64xf32, #tpu.memory_space<vmem_shared>>
      %dma_start3A_17 = arith.constant 0 : i32
      %dma_start3A_18 = tpu.memref_slice %arg2[%add3A_13, %dma_start3A_17] : memref<122880x128xf32, #tpu.memory_space<hbm>> -> memref<640x64xf32, #tpu.memory_space<hbm>>
      tpu.enqueue_dma source(%dma_start3A_18 : memref<640x64xf32, #tpu.memory_space<hbm>>) target(%dma_start3A_16 : memref<640x64xf32, #tpu.memory_space<vmem_shared>>) target_semaphore(%arg13 : memref<!tpu.dma_semaphore, #tpu.memory_space<semaphore_mem>>)
      %mul3A_19 = arith.constant 640 : i32
      %mul3A_20 = arith.muli %arg1, %mul3A_19 : i32
      %dma_start3A_21 = arith.constant 0 : i32
      %dma_start3A_22 = tpu.memref_slice %arg12[%mul3A_20, %dma_start3A_21] : memref<10240x64xf32, #tpu.memory_space<vmem_shared>> -> memref<640x64xf32, #tpu.memory_space<vmem_shared>>
      %dma_start3A_23 = arith.constant 0 : i32
      %dma_start3A_24 = arith.constant 0 : i32
      %dma_start3A_25 = tpu.memref_slice %arg5[%dma_start3A_23, %dma_start3A_24] : memref<640x128xf32, #tpu.memory_space<hbm>> -> memref<640x64xf32, #tpu.memory_space<hbm>>
      tpu.enqueue_dma source(%dma_start3A_25 : memref<640x64xf32, #tpu.memory_space<hbm>>) target(%dma_start3A_22 : memref<640x64xf32, #tpu.memory_space<vmem_shared>>) target_semaphore(%arg14 : memref<!tpu.dma_semaphore, #tpu.memory_space<semaphore_mem>>)
      %mul3A_26 = arith.constant 10240 : i32
      %mul3A_27 = arith.muli %scan3A_7, %mul3A_26 : i32
      %mul3A_28 = arith.constant 640 : i32
      %mul3A_29 = arith.muli %arg1, %mul3A_28 : i32
      %add3A_30 = arith.addi %mul3A_27, %mul3A_29 : i32
      %mul3A_31 = arith.constant 640 : i32
      %mul3A_32 = arith.muli %arg1, %mul3A_31 : i32
      %dma_wait3A = arith.constant 0 : i32
      %dma_wait3A_33 = tpu.memref_slice %arg11[%mul3A_32, %dma_wait3A] : memref<10240x64xf32, #tpu.memory_space<vmem_shared>> -> memref<640x64xf32, #tpu.memory_space<vmem_shared>>
      %dma_wait3A_34 = arith.constant 0 : i32
      %dma_wait3A_35 = tpu.memref_slice %arg2[%add3A_30, %dma_wait3A_34] : memref<122880x128xf32, #tpu.memory_space<hbm>> -> memref<640x64xf32, #tpu.memory_space<hbm>>
      tpu.wait_dma2 semaphore(%arg13 : memref<!tpu.dma_semaphore, #tpu.memory_space<semaphore_mem>>) src(%dma_wait3A_35 : memref<640x64xf32, #tpu.memory_space<hbm>>) dst(%dma_wait3A_33 : memref<640x64xf32, #tpu.memory_space<vmem_shared>>)
      %mul3A_36 = arith.constant 640 : i32
      %mul3A_37 = arith.muli %arg1, %mul3A_36 : i32
      %dma_wait3A_38 = arith.constant 0 : i32
      %dma_wait3A_39 = tpu.memref_slice %arg12[%mul3A_37, %dma_wait3A_38] : memref<10240x64xf32, #tpu.memory_space<vmem_shared>> -> memref<640x64xf32, #tpu.memory_space<vmem_shared>>
      %dma_wait3A_40 = arith.constant 0 : i32
      %dma_wait3A_41 = arith.constant 0 : i32
      %dma_wait3A_42 = tpu.memref_slice %arg5[%dma_wait3A_40, %dma_wait3A_41] : memref<640x128xf32, #tpu.memory_space<hbm>> -> memref<640x64xf32, #tpu.memory_space<hbm>>
      tpu.wait_dma2 semaphore(%arg14 : memref<!tpu.dma_semaphore, #tpu.memory_space<semaphore_mem>>) src(%dma_wait3A_42 : memref<640x64xf32, #tpu.memory_space<hbm>>) dst(%dma_wait3A_39 : memref<640x64xf32, #tpu.memory_space<vmem_shared>>)
      %barrier3A = arith.constant 0 : index
      tpu.barrier barrier_id(%barrier3A)
      %dma_start3A_43 = arith.constant 0 : i32
      %dma_start3A_44 = arith.constant 0 : i32
      %dma_start3A_45 = tpu.memref_slice %arg7[%dma_start3A_43, %dma_start3A_44] : memref<80x128xi32, #tpu.memory_space<vmem>> -> memref<1x128xi32, #tpu.memory_space<vmem>>
      %dma_start3A_46 = tpu.memref_squeeze %dma_start3A_45 : memref<1x128xi32, #tpu.memory_space<vmem>> -> memref<128xi32, #tpu.memory_space<vmem>>
      %dma_start3A_47 = arith.constant 0 : i32
      %dma_start3A_48 = arith.constant 0 : i32
      %dma_start3A_49 = tpu.memref_slice %arg11[%dma_start3A_47, %dma_start3A_48] : memref<10240x64xf32, #tpu.memory_space<vmem_shared>> -> memref<10240x64xf32, #tpu.memory_space<vmem_shared>>
      tpu.enqueue_indirect_dma source(%dma_start3A_49 : memref<10240x64xf32, #tpu.memory_space<vmem_shared>>) target(%arg9 : memref<128x64xf32, #tpu.memory_space<vmem>>) offsets(%dma_start3A_46 : memref<128xi32, #tpu.memory_space<vmem>>) semaphore(%arg13 : memref<!tpu.dma_semaphore, #tpu.memory_space<semaphore_mem>>)
      %scan3A_50 = arith.constant 0 : i32
      %scan3A_51 = arith.constant 0 : i32
      %scan3A_52 = arith.constant 40 : i32
      %scan3A_53 = arith.addi %scan3A_51, %scan3A_52 : i32
      %scan3A_54 = arith.constant 1 : i32
      %scan3A_55 = scf.for %scan3A_119 = %scan3A_51 to %scan3A_53 step %scan3A_54 iter_args(%scan3A_120 = %scan3A_50) -> (i32)  : i32 {
        %mul3A_121 = arith.constant 2 : i32
        %mul3A_122 = arith.muli %mul3A_121, %scan3A_119 : i32
        %add3A_123 = arith.constant 1 : i32
        %add3A_124 = arith.addi %mul3A_122, %add3A_123 : i32
        %dma_start3A_125 = arith.constant 0 : i32
        %dma_start3A_126 = tpu.memref_slice %arg7[%add3A_124, %dma_start3A_125] : memref<80x128xi32, #tpu.memory_space<vmem>> -> memref<1x128xi32, #tpu.memory_space<vmem>>
        %dma_start3A_127 = tpu.memref_squeeze %dma_start3A_126 : memref<1x128xi32, #tpu.memory_space<vmem>> -> memref<128xi32, #tpu.memory_space<vmem>>
        %dma_start3A_128 = arith.constant 0 : i32
        %dma_start3A_129 = arith.constant 0 : i32
        %dma_start3A_130 = tpu.memref_slice %arg11[%dma_start3A_128, %dma_start3A_129] : memref<10240x64xf32, #tpu.memory_space<vmem_shared>> -> memref<10240x64xf32, #tpu.memory_space<vmem_shared>>
        tpu.enqueue_indirect_dma source(%dma_start3A_130 : memref<10240x64xf32, #tpu.memory_space<vmem_shared>>) target(%arg10 : memref<128x64xf32, #tpu.memory_space<vmem>>) offsets(%dma_start3A_127 : memref<128xi32, #tpu.memory_space<vmem>>) semaphore(%arg14 : memref<!tpu.dma_semaphore, #tpu.memory_space<semaphore_mem>>)
        %dma_wait3A_131 = arith.constant 0 : i32
        %dma_wait3A_132 = tpu.memref_slice %arg7[%mul3A_122, %dma_wait3A_131] : memref<80x128xi32, #tpu.memory_space<vmem>> -> memref<1x128xi32, #tpu.memory_space<vmem>>
        %dma_wait3A_133 = tpu.memref_squeeze %dma_wait3A_132 : memref<1x128xi32, #tpu.memory_space<vmem>> -> memref<128xi32, #tpu.memory_space<vmem>>
        %dma_wait3A_134 = arith.constant 0 : i32
        %dma_wait3A_135 = arith.constant 0 : i32
        %dma_wait3A_136 = tpu.memref_slice %arg11[%dma_wait3A_134, %dma_wait3A_135] : memref<10240x64xf32, #tpu.memory_space<vmem_shared>> -> memref<10240x64xf32, #tpu.memory_space<vmem_shared>>
        tpu.wait_indirect_dma semaphore(%arg13 : memref<!tpu.dma_semaphore, #tpu.memory_space<semaphore_mem>>) src(%dma_wait3A_136 : memref<10240x64xf32, #tpu.memory_space<vmem_shared>>) dst(%arg9 : memref<128x64xf32, #tpu.memory_space<vmem>>)
        "tpu.region"() ({
          %run_scoped3A = tpu.sem_alloc : memref<!tpu.dma_semaphore, #tpu.memory_space<semaphore_mem>>
          %dma_start3A_146 = arith.constant 0 : i32
          %dma_start3A_147 = tpu.memref_slice %arg8[%mul3A_122, %dma_start3A_146] : memref<80x128xi32, #tpu.memory_space<vmem>> -> memref<1x128xi32, #tpu.memory_space<vmem>>
          %dma_start3A_148 = tpu.memref_squeeze %dma_start3A_147 : memref<1x128xi32, #tpu.memory_space<vmem>> -> memref<128xi32, #tpu.memory_space<vmem>>
          %dma_start3A_149 = arith.constant 0 : i32
          %dma_start3A_150 = arith.constant 0 : i32
          %dma_start3A_151 = tpu.memref_slice %arg12[%dma_start3A_149, %dma_start3A_150] : memref<10240x64xf32, #tpu.memory_space<vmem_shared>> -> memref<10240x64xf32, #tpu.memory_space<vmem_shared>>
          tpu.enqueue_indirect_dma source(%arg9 : memref<128x64xf32, #tpu.memory_space<vmem>>) target(%dma_start3A_151 : memref<10240x64xf32, #tpu.memory_space<vmem_shared>>) offsets(%dma_start3A_148 : memref<128xi32, #tpu.memory_space<vmem>>) semaphore(%run_scoped3A : memref<!tpu.dma_semaphore, #tpu.memory_space<semaphore_mem>>) {add = true}
          %dma_wait3A_152 = arith.constant 0 : i32
          %dma_wait3A_153 = tpu.memref_slice %arg8[%mul3A_122, %dma_wait3A_152] : memref<80x128xi32, #tpu.memory_space<vmem>> -> memref<1x128xi32, #tpu.memory_space<vmem>>
          %dma_wait3A_154 = tpu.memref_squeeze %dma_wait3A_153 : memref<1x128xi32, #tpu.memory_space<vmem>> -> memref<128xi32, #tpu.memory_space<vmem>>
          %dma_wait3A_155 = arith.constant 0 : i32
          %dma_wait3A_156 = arith.constant 0 : i32
          %dma_wait3A_157 = tpu.memref_slice %arg12[%dma_wait3A_155, %dma_wait3A_156] : memref<10240x64xf32, #tpu.memory_space<vmem_shared>> -> memref<10240x64xf32, #tpu.memory_space<vmem_shared>>
          tpu.wait_indirect_dma semaphore(%run_scoped3A : memref<!tpu.dma_semaphore, #tpu.memory_space<semaphore_mem>>) src(%arg9 : memref<128x64xf32, #tpu.memory_space<vmem>>) dst(%dma_wait3A_157 : memref<10240x64xf32, #tpu.memory_space<vmem_shared>>)
          tpu.yield
        }) : () -> ()
        %lt3A = arith.constant 39 : i32
        %lt3A_137 = arith.cmpi slt, %scan3A_119, %lt3A : i32
        %convert_element_type3A = arith.extui %lt3A_137 : i1 to i32
        %cond3A = arith.constant 0 : i32
        %cond3A_138 = arith.cmpi ne, %convert_element_type3A, %cond3A : i32
        scf.if %cond3A_138 {
          %add3A_146 = arith.constant 2 : i32
          %add3A_147 = arith.addi %mul3A_122, %add3A_146 : i32
          %dma_start3A_148 = arith.constant 0 : i32
          %dma_start3A_149 = tpu.memref_slice %arg7[%add3A_147, %dma_start3A_148] : memref<80x128xi32, #tpu.memory_space<vmem>> -> memref<1x128xi32, #tpu.memory_space<vmem>>
          %dma_start3A_150 = tpu.memref_squeeze %dma_start3A_149 : memref<1x128xi32, #tpu.memory_space<vmem>> -> memref<128xi32, #tpu.memory_space<vmem>>
          %dma_start3A_151 = arith.constant 0 : i32
          %dma_start3A_152 = arith.constant 0 : i32
          %dma_start3A_153 = tpu.memref_slice %arg11[%dma_start3A_151, %dma_start3A_152] : memref<10240x64xf32, #tpu.memory_space<vmem_shared>> -> memref<10240x64xf32, #tpu.memory_space<vmem_shared>>
          tpu.enqueue_indirect_dma source(%dma_start3A_153 : memref<10240x64xf32, #tpu.memory_space<vmem_shared>>) target(%arg9 : memref<128x64xf32, #tpu.memory_space<vmem>>) offsets(%dma_start3A_150 : memref<128xi32, #tpu.memory_space<vmem>>) semaphore(%arg13 : memref<!tpu.dma_semaphore, #tpu.memory_space<semaphore_mem>>)
        } else {
        }
        %dma_wait3A_139 = arith.constant 0 : i32
        %dma_wait3A_140 = tpu.memref_slice %arg7[%add3A_124, %dma_wait3A_139] : memref<80x128xi32, #tpu.memory_space<vmem>> -> memref<1x128xi32, #tpu.memory_space<vmem>>
        %dma_wait3A_141 = tpu.memref_squeeze %dma_wait3A_140 : memref<1x128xi32, #tpu.memory_space<vmem>> -> memref<128xi32, #tpu.memory_space<vmem>>
        %dma_wait3A_142 = arith.constant 0 : i32
        %dma_wait3A_143 = arith.constant 0 : i32
        %dma_wait3A_144 = tpu.memref_slice %arg11[%dma_wait3A_142, %dma_wait3A_143] : memref<10240x64xf32, #tpu.memory_space<vmem_shared>> -> memref<10240x64xf32, #tpu.memory_space<vmem_shared>>
        tpu.wait_indirect_dma semaphore(%arg14 : memref<!tpu.dma_semaphore, #tpu.memory_space<semaphore_mem>>) src(%dma_wait3A_144 : memref<10240x64xf32, #tpu.memory_space<vmem_shared>>) dst(%arg10 : memref<128x64xf32, #tpu.memory_space<vmem>>)
        "tpu.region"() ({
          %run_scoped3A = tpu.sem_alloc : memref<!tpu.dma_semaphore, #tpu.memory_space<semaphore_mem>>
          %dma_start3A_146 = arith.constant 0 : i32
          %dma_start3A_147 = tpu.memref_slice %arg8[%add3A_124, %dma_start3A_146] : memref<80x128xi32, #tpu.memory_space<vmem>> -> memref<1x128xi32, #tpu.memory_space<vmem>>
          %dma_start3A_148 = tpu.memref_squeeze %dma_start3A_147 : memref<1x128xi32, #tpu.memory_space<vmem>> -> memref<128xi32, #tpu.memory_space<vmem>>
          %dma_start3A_149 = arith.constant 0 : i32
          %dma_start3A_150 = arith.constant 0 : i32
          %dma_start3A_151 = tpu.memref_slice %arg12[%dma_start3A_149, %dma_start3A_150] : memref<10240x64xf32, #tpu.memory_space<vmem_shared>> -> memref<10240x64xf32, #tpu.memory_space<vmem_shared>>
          tpu.enqueue_indirect_dma source(%arg10 : memref<128x64xf32, #tpu.memory_space<vmem>>) target(%dma_start3A_151 : memref<10240x64xf32, #tpu.memory_space<vmem_shared>>) offsets(%dma_start3A_148 : memref<128xi32, #tpu.memory_space<vmem>>) semaphore(%run_scoped3A : memref<!tpu.dma_semaphore, #tpu.memory_space<semaphore_mem>>) {add = true}
          %dma_wait3A_152 = arith.constant 0 : i32
          %dma_wait3A_153 = tpu.memref_slice %arg8[%add3A_124, %dma_wait3A_152] : memref<80x128xi32, #tpu.memory_space<vmem>> -> memref<1x128xi32, #tpu.memory_space<vmem>>
          %dma_wait3A_154 = tpu.memref_squeeze %dma_wait3A_153 : memref<1x128xi32, #tpu.memory_space<vmem>> -> memref<128xi32, #tpu.memory_space<vmem>>
          %dma_wait3A_155 = arith.constant 0 : i32
          %dma_wait3A_156 = arith.constant 0 : i32
          %dma_wait3A_157 = tpu.memref_slice %arg12[%dma_wait3A_155, %dma_wait3A_156] : memref<10240x64xf32, #tpu.memory_space<vmem_shared>> -> memref<10240x64xf32, #tpu.memory_space<vmem_shared>>
          tpu.wait_indirect_dma semaphore(%run_scoped3A : memref<!tpu.dma_semaphore, #tpu.memory_space<semaphore_mem>>) src(%arg10 : memref<128x64xf32, #tpu.memory_space<vmem>>) dst(%dma_wait3A_157 : memref<10240x64xf32, #tpu.memory_space<vmem_shared>>)
          tpu.yield
        }) : () -> ()
        %scan3A_145 = arith.constant 0 : i32
        scf.yield %scan3A_145 : i32
      }
      %scan3A_56 = arith.constant 40 : i32
      %barrier3A_57 = arith.constant 0 : index
      tpu.barrier barrier_id(%barrier3A_57)
      %mul3A_58 = arith.constant 640 : i32
      %mul3A_59 = arith.muli %arg1, %mul3A_58 : i32
      %mul3A_60 = arith.constant 640 : i32
      %mul3A_61 = arith.muli %arg1, %mul3A_60 : i32
      "tpu.region"() ({
        %run_scoped3A = tpu.sem_alloc : memref<!tpu.dma_semaphore, #tpu.memory_space<semaphore_mem>>
        %dma_start3A_119 = arith.constant 0 : i32
        %dma_start3A_120 = tpu.memref_slice %arg6[%arg0, %scan3A_7, %mul3A_61, %dma_start3A_119] : memref<2x12x10240x128xf32, #tpu.memory_space<hbm>> -> memref<1x1x640x64xf32, #tpu.memory_space<hbm>>
        %dma_start3A_121 = tpu.memref_squeeze %dma_start3A_120 : memref<1x1x640x64xf32, #tpu.memory_space<hbm>> -> memref<640x64xf32, #tpu.memory_space<hbm>>
        %dma_start3A_122 = arith.constant 0 : i32
        %dma_start3A_123 = tpu.memref_slice %arg12[%mul3A_59, %dma_start3A_122] : memref<10240x64xf32, #tpu.memory_space<vmem_shared>> -> memref<640x64xf32, #tpu.memory_space<vmem_shared>>
        tpu.enqueue_dma source(%dma_start3A_123 : memref<640x64xf32, #tpu.memory_space<vmem_shared>>) target(%dma_start3A_121 : memref<640x64xf32, #tpu.memory_space<hbm>>) target_semaphore(%run_scoped3A : memref<!tpu.dma_semaphore, #tpu.memory_space<semaphore_mem>>)
        %dma_wait3A_124 = arith.constant 0 : i32
        %dma_wait3A_125 = tpu.memref_slice %arg6[%arg0, %scan3A_7, %mul3A_61, %dma_wait3A_124] : memref<2x12x10240x128xf32, #tpu.memory_space<hbm>> -> memref<1x1x640x64xf32, #tpu.memory_space<hbm>>
        %dma_wait3A_126 = tpu.memref_squeeze %dma_wait3A_125 : memref<1x1x640x64xf32, #tpu.memory_space<hbm>> -> memref<640x64xf32, #tpu.memory_space<hbm>>
        %dma_wait3A_127 = arith.constant 0 : i32
        %dma_wait3A_128 = tpu.memref_slice %arg12[%mul3A_59, %dma_wait3A_127] : memref<10240x64xf32, #tpu.memory_space<vmem_shared>> -> memref<640x64xf32, #tpu.memory_space<vmem_shared>>
        tpu.wait_dma2 semaphore(%run_scoped3A : memref<!tpu.dma_semaphore, #tpu.memory_space<semaphore_mem>>) src(%dma_wait3A_128 : memref<640x64xf32, #tpu.memory_space<vmem_shared>>) dst(%dma_wait3A_126 : memref<640x64xf32, #tpu.memory_space<hbm>>)
        tpu.yield
      }) : () -> ()
      %mul3A_62 = arith.constant 10240 : i32
      %mul3A_63 = arith.muli %scan3A_7, %mul3A_62 : i32
      %mul3A_64 = arith.constant 640 : i32
      %mul3A_65 = arith.muli %arg1, %mul3A_64 : i32
      %add3A_66 = arith.addi %mul3A_63, %mul3A_65 : i32
      %mul3A_67 = arith.constant 640 : i32
      %mul3A_68 = arith.muli %arg1, %mul3A_67 : i32
      %dma_start3A_69 = arith.constant 0 : i32
      %dma_start3A_70 = tpu.memref_slice %arg11[%mul3A_68, %dma_start3A_69] : memref<10240x64xf32, #tpu.memory_space<vmem_shared>> -> memref<640x64xf32, #tpu.memory_space<vmem_shared>>
      %dma_start3A_71 = arith.constant 64 : i32
      %dma_start3A_72 = tpu.memref_slice %arg2[%add3A_66, %dma_start3A_71] : memref<122880x128xf32, #tpu.memory_space<hbm>> -> memref<640x64xf32, #tpu.memory_space<hbm>>
      tpu.enqueue_dma source(%dma_start3A_72 : memref<640x64xf32, #tpu.memory_space<hbm>>) target(%dma_start3A_70 : memref<640x64xf32, #tpu.memory_space<vmem_shared>>) target_semaphore(%arg13 : memref<!tpu.dma_semaphore, #tpu.memory_space<semaphore_mem>>)
      %mul3A_73 = arith.constant 640 : i32
      %mul3A_74 = arith.muli %arg1, %mul3A_73 : i32
      %dma_start3A_75 = arith.constant 0 : i32
      %dma_start3A_76 = tpu.memref_slice %arg12[%mul3A_74, %dma_start3A_75] : memref<10240x64xf32, #tpu.memory_space<vmem_shared>> -> memref<640x64xf32, #tpu.memory_space<vmem_shared>>
      %dma_start3A_77 = arith.constant 0 : i32
      %dma_start3A_78 = arith.constant 0 : i32
      %dma_start3A_79 = tpu.memref_slice %arg5[%dma_start3A_77, %dma_start3A_78] : memref<640x128xf32, #tpu.memory_space<hbm>> -> memref<640x64xf32, #tpu.memory_space<hbm>>
      tpu.enqueue_dma source(%dma_start3A_79 : memref<640x64xf32, #tpu.memory_space<hbm>>) target(%dma_start3A_76 : memref<640x64xf32, #tpu.memory_space<vmem_shared>>) target_semaphore(%arg14 : memref<!tpu.dma_semaphore, #tpu.memory_space<semaphore_mem>>)
      %mul3A_80 = arith.constant 10240 : i32
      %mul3A_81 = arith.muli %scan3A_7, %mul3A_80 : i32
      %mul3A_82 = arith.constant 640 : i32
      %mul3A_83 = arith.muli %arg1, %mul3A_82 : i32
      %add3A_84 = arith.addi %mul3A_81, %mul3A_83 : i32
      %mul3A_85 = arith.constant 640 : i32
      %mul3A_86 = arith.muli %arg1, %mul3A_85 : i32
      %dma_wait3A_87 = arith.constant 0 : i32
      %dma_wait3A_88 = tpu.memref_slice %arg11[%mul3A_86, %dma_wait3A_87] : memref<10240x64xf32, #tpu.memory_space<vmem_shared>> -> memref<640x64xf32, #tpu.memory_space<vmem_shared>>
      %dma_wait3A_89 = arith.constant 64 : i32
      %dma_wait3A_90 = tpu.memref_slice %arg2[%add3A_84, %dma_wait3A_89] : memref<122880x128xf32, #tpu.memory_space<hbm>> -> memref<640x64xf32, #tpu.memory_space<hbm>>
      tpu.wait_dma2 semaphore(%arg13 : memref<!tpu.dma_semaphore, #tpu.memory_space<semaphore_mem>>) src(%dma_wait3A_90 : memref<640x64xf32, #tpu.memory_space<hbm>>) dst(%dma_wait3A_88 : memref<640x64xf32, #tpu.memory_space<vmem_shared>>)
      %mul3A_91 = arith.constant 640 : i32
      %mul3A_92 = arith.muli %arg1, %mul3A_91 : i32
      %dma_wait3A_93 = arith.constant 0 : i32
      %dma_wait3A_94 = tpu.memref_slice %arg12[%mul3A_92, %dma_wait3A_93] : memref<10240x64xf32, #tpu.memory_space<vmem_shared>> -> memref<640x64xf32, #tpu.memory_space<vmem_shared>>
      %dma_wait3A_95 = arith.constant 0 : i32
      %dma_wait3A_96 = arith.constant 0 : i32
      %dma_wait3A_97 = tpu.memref_slice %arg5[%dma_wait3A_95, %dma_wait3A_96] : memref<640x128xf32, #tpu.memory_space<hbm>> -> memref<640x64xf32, #tpu.memory_space<hbm>>
      tpu.wait_dma2 semaphore(%arg14 : memref<!tpu.dma_semaphore, #tpu.memory_space<semaphore_mem>>) src(%dma_wait3A_97 : memref<640x64xf32, #tpu.memory_space<hbm>>) dst(%dma_wait3A_94 : memref<640x64xf32, #tpu.memory_space<vmem_shared>>)
      %barrier3A_98 = arith.constant 0 : index
      tpu.barrier barrier_id(%barrier3A_98)
      %dma_start3A_99 = arith.constant 0 : i32
      %dma_start3A_100 = arith.constant 0 : i32
      %dma_start3A_101 = tpu.memref_slice %arg7[%dma_start3A_99, %dma_start3A_100] : memref<80x128xi32, #tpu.memory_space<vmem>> -> memref<1x128xi32, #tpu.memory_space<vmem>>
      %dma_start3A_102 = tpu.memref_squeeze %dma_start3A_101 : memref<1x128xi32, #tpu.memory_space<vmem>> -> memref<128xi32, #tpu.memory_space<vmem>>
      %dma_start3A_103 = arith.constant 0 : i32
      %dma_start3A_104 = arith.constant 0 : i32
      %dma_start3A_105 = tpu.memref_slice %arg11[%dma_start3A_103, %dma_start3A_104] : memref<10240x64xf32, #tpu.memory_space<vmem_shared>> -> memref<10240x64xf32, #tpu.memory_space<vmem_shared>>
      tpu.enqueue_indirect_dma source(%dma_start3A_105 : memref<10240x64xf32, #tpu.memory_space<vmem_shared>>) target(%arg9 : memref<128x64xf32, #tpu.memory_space<vmem>>) offsets(%dma_start3A_102 : memref<128xi32, #tpu.memory_space<vmem>>) semaphore(%arg13 : memref<!tpu.dma_semaphore, #tpu.memory_space<semaphore_mem>>)
      %scan3A_106 = arith.constant 0 : i32
      %scan3A_107 = arith.constant 0 : i32
      %scan3A_108 = arith.constant 40 : i32
      %scan3A_109 = arith.addi %scan3A_107, %scan3A_108 : i32
      %scan3A_110 = arith.constant 1 : i32
      %scan3A_111 = scf.for %scan3A_119 = %scan3A_107 to %scan3A_109 step %scan3A_110 iter_args(%scan3A_120 = %scan3A_106) -> (i32)  : i32 {
        %mul3A_121 = arith.constant 2 : i32
        %mul3A_122 = arith.muli %mul3A_121, %scan3A_119 : i32
        %add3A_123 = arith.constant 1 : i32
        %add3A_124 = arith.addi %mul3A_122, %add3A_123 : i32
        %dma_start3A_125 = arith.constant 0 : i32
        %dma_start3A_126 = tpu.memref_slice %arg7[%add3A_124, %dma_start3A_125] : memref<80x128xi32, #tpu.memory_space<vmem>> -> memref<1x128xi32, #tpu.memory_space<vmem>>
        %dma_start3A_127 = tpu.memref_squeeze %dma_start3A_126 : memref<1x128xi32, #tpu.memory_space<vmem>> -> memref<128xi32, #tpu.memory_space<vmem>>
        %dma_start3A_128 = arith.constant 0 : i32
        %dma_start3A_129 = arith.constant 0 : i32
        %dma_start3A_130 = tpu.memref_slice %arg11[%dma_start3A_128, %dma_start3A_129] : memref<10240x64xf32, #tpu.memory_space<vmem_shared>> -> memref<10240x64xf32, #tpu.memory_space<vmem_shared>>
        tpu.enqueue_indirect_dma source(%dma_start3A_130 : memref<10240x64xf32, #tpu.memory_space<vmem_shared>>) target(%arg10 : memref<128x64xf32, #tpu.memory_space<vmem>>) offsets(%dma_start3A_127 : memref<128xi32, #tpu.memory_space<vmem>>) semaphore(%arg14 : memref<!tpu.dma_semaphore, #tpu.memory_space<semaphore_mem>>)
        %dma_wait3A_131 = arith.constant 0 : i32
        %dma_wait3A_132 = tpu.memref_slice %arg7[%mul3A_122, %dma_wait3A_131] : memref<80x128xi32, #tpu.memory_space<vmem>> -> memref<1x128xi32, #tpu.memory_space<vmem>>
        %dma_wait3A_133 = tpu.memref_squeeze %dma_wait3A_132 : memref<1x128xi32, #tpu.memory_space<vmem>> -> memref<128xi32, #tpu.memory_space<vmem>>
        %dma_wait3A_134 = arith.constant 0 : i32
        %dma_wait3A_135 = arith.constant 0 : i32
        %dma_wait3A_136 = tpu.memref_slice %arg11[%dma_wait3A_134, %dma_wait3A_135] : memref<10240x64xf32, #tpu.memory_space<vmem_shared>> -> memref<10240x64xf32, #tpu.memory_space<vmem_shared>>
        tpu.wait_indirect_dma semaphore(%arg13 : memref<!tpu.dma_semaphore, #tpu.memory_space<semaphore_mem>>) src(%dma_wait3A_136 : memref<10240x64xf32, #tpu.memory_space<vmem_shared>>) dst(%arg9 : memref<128x64xf32, #tpu.memory_space<vmem>>)
        "tpu.region"() ({
          %run_scoped3A = tpu.sem_alloc : memref<!tpu.dma_semaphore, #tpu.memory_space<semaphore_mem>>
          %dma_start3A_146 = arith.constant 0 : i32
          %dma_start3A_147 = tpu.memref_slice %arg8[%mul3A_122, %dma_start3A_146] : memref<80x128xi32, #tpu.memory_space<vmem>> -> memref<1x128xi32, #tpu.memory_space<vmem>>
          %dma_start3A_148 = tpu.memref_squeeze %dma_start3A_147 : memref<1x128xi32, #tpu.memory_space<vmem>> -> memref<128xi32, #tpu.memory_space<vmem>>
          %dma_start3A_149 = arith.constant 0 : i32
          %dma_start3A_150 = arith.constant 0 : i32
          %dma_start3A_151 = tpu.memref_slice %arg12[%dma_start3A_149, %dma_start3A_150] : memref<10240x64xf32, #tpu.memory_space<vmem_shared>> -> memref<10240x64xf32, #tpu.memory_space<vmem_shared>>
          tpu.enqueue_indirect_dma source(%arg9 : memref<128x64xf32, #tpu.memory_space<vmem>>) target(%dma_start3A_151 : memref<10240x64xf32, #tpu.memory_space<vmem_shared>>) offsets(%dma_start3A_148 : memref<128xi32, #tpu.memory_space<vmem>>) semaphore(%run_scoped3A : memref<!tpu.dma_semaphore, #tpu.memory_space<semaphore_mem>>) {add = true}
          %dma_wait3A_152 = arith.constant 0 : i32
          %dma_wait3A_153 = tpu.memref_slice %arg8[%mul3A_122, %dma_wait3A_152] : memref<80x128xi32, #tpu.memory_space<vmem>> -> memref<1x128xi32, #tpu.memory_space<vmem>>
          %dma_wait3A_154 = tpu.memref_squeeze %dma_wait3A_153 : memref<1x128xi32, #tpu.memory_space<vmem>> -> memref<128xi32, #tpu.memory_space<vmem>>
          %dma_wait3A_155 = arith.constant 0 : i32
          %dma_wait3A_156 = arith.constant 0 : i32
          %dma_wait3A_157 = tpu.memref_slice %arg12[%dma_wait3A_155, %dma_wait3A_156] : memref<10240x64xf32, #tpu.memory_space<vmem_shared>> -> memref<10240x64xf32, #tpu.memory_space<vmem_shared>>
          tpu.wait_indirect_dma semaphore(%run_scoped3A : memref<!tpu.dma_semaphore, #tpu.memory_space<semaphore_mem>>) src(%arg9 : memref<128x64xf32, #tpu.memory_space<vmem>>) dst(%dma_wait3A_157 : memref<10240x64xf32, #tpu.memory_space<vmem_shared>>)
          tpu.yield
        }) : () -> ()
        %lt3A = arith.constant 39 : i32
        %lt3A_137 = arith.cmpi slt, %scan3A_119, %lt3A : i32
        %convert_element_type3A = arith.extui %lt3A_137 : i1 to i32
        %cond3A = arith.constant 0 : i32
        %cond3A_138 = arith.cmpi ne, %convert_element_type3A, %cond3A : i32
        scf.if %cond3A_138 {
          %add3A_146 = arith.constant 2 : i32
          %add3A_147 = arith.addi %mul3A_122, %add3A_146 : i32
          %dma_start3A_148 = arith.constant 0 : i32
          %dma_start3A_149 = tpu.memref_slice %arg7[%add3A_147, %dma_start3A_148] : memref<80x128xi32, #tpu.memory_space<vmem>> -> memref<1x128xi32, #tpu.memory_space<vmem>>
          %dma_start3A_150 = tpu.memref_squeeze %dma_start3A_149 : memref<1x128xi32, #tpu.memory_space<vmem>> -> memref<128xi32, #tpu.memory_space<vmem>>
          %dma_start3A_151 = arith.constant 0 : i32
          %dma_start3A_152 = arith.constant 0 : i32
          %dma_start3A_153 = tpu.memref_slice %arg11[%dma_start3A_151, %dma_start3A_152] : memref<10240x64xf32, #tpu.memory_space<vmem_shared>> -> memref<10240x64xf32, #tpu.memory_space<vmem_shared>>
          tpu.enqueue_indirect_dma source(%dma_start3A_153 : memref<10240x64xf32, #tpu.memory_space<vmem_shared>>) target(%arg9 : memref<128x64xf32, #tpu.memory_space<vmem>>) offsets(%dma_start3A_150 : memref<128xi32, #tpu.memory_space<vmem>>) semaphore(%arg13 : memref<!tpu.dma_semaphore, #tpu.memory_space<semaphore_mem>>)
        } else {
        }
        %dma_wait3A_139 = arith.constant 0 : i32
        %dma_wait3A_140 = tpu.memref_slice %arg7[%add3A_124, %dma_wait3A_139] : memref<80x128xi32, #tpu.memory_space<vmem>> -> memref<1x128xi32, #tpu.memory_space<vmem>>
        %dma_wait3A_141 = tpu.memref_squeeze %dma_wait3A_140 : memref<1x128xi32, #tpu.memory_space<vmem>> -> memref<128xi32, #tpu.memory_space<vmem>>
        %dma_wait3A_142 = arith.constant 0 : i32
        %dma_wait3A_143 = arith.constant 0 : i32
        %dma_wait3A_144 = tpu.memref_slice %arg11[%dma_wait3A_142, %dma_wait3A_143] : memref<10240x64xf32, #tpu.memory_space<vmem_shared>> -> memref<10240x64xf32, #tpu.memory_space<vmem_shared>>
        tpu.wait_indirect_dma semaphore(%arg14 : memref<!tpu.dma_semaphore, #tpu.memory_space<semaphore_mem>>) src(%dma_wait3A_144 : memref<10240x64xf32, #tpu.memory_space<vmem_shared>>) dst(%arg10 : memref<128x64xf32, #tpu.memory_space<vmem>>)
        "tpu.region"() ({
          %run_scoped3A = tpu.sem_alloc : memref<!tpu.dma_semaphore, #tpu.memory_space<semaphore_mem>>
          %dma_start3A_146 = arith.constant 0 : i32
          %dma_start3A_147 = tpu.memref_slice %arg8[%add3A_124, %dma_start3A_146] : memref<80x128xi32, #tpu.memory_space<vmem>> -> memref<1x128xi32, #tpu.memory_space<vmem>>
          %dma_start3A_148 = tpu.memref_squeeze %dma_start3A_147 : memref<1x128xi32, #tpu.memory_space<vmem>> -> memref<128xi32, #tpu.memory_space<vmem>>
          %dma_start3A_149 = arith.constant 0 : i32
          %dma_start3A_150 = arith.constant 0 : i32
          %dma_start3A_151 = tpu.memref_slice %arg12[%dma_start3A_149, %dma_start3A_150] : memref<10240x64xf32, #tpu.memory_space<vmem_shared>> -> memref<10240x64xf32, #tpu.memory_space<vmem_shared>>
          tpu.enqueue_indirect_dma source(%arg10 : memref<128x64xf32, #tpu.memory_space<vmem>>) target(%dma_start3A_151 : memref<10240x64xf32, #tpu.memory_space<vmem_shared>>) offsets(%dma_start3A_148 : memref<128xi32, #tpu.memory_space<vmem>>) semaphore(%run_scoped3A : memref<!tpu.dma_semaphore, #tpu.memory_space<semaphore_mem>>) {add = true}
          %dma_wait3A_152 = arith.constant 0 : i32
          %dma_wait3A_153 = tpu.memref_slice %arg8[%add3A_124, %dma_wait3A_152] : memref<80x128xi32, #tpu.memory_space<vmem>> -> memref<1x128xi32, #tpu.memory_space<vmem>>
          %dma_wait3A_154 = tpu.memref_squeeze %dma_wait3A_153 : memref<1x128xi32, #tpu.memory_space<vmem>> -> memref<128xi32, #tpu.memory_space<vmem>>
          %dma_wait3A_155 = arith.constant 0 : i32
          %dma_wait3A_156 = arith.constant 0 : i32
          %dma_wait3A_157 = tpu.memref_slice %arg12[%dma_wait3A_155, %dma_wait3A_156] : memref<10240x64xf32, #tpu.memory_space<vmem_shared>> -> memref<10240x64xf32, #tpu.memory_space<vmem_shared>>
          tpu.wait_indirect_dma semaphore(%run_scoped3A : memref<!tpu.dma_semaphore, #tpu.memory_space<semaphore_mem>>) src(%arg10 : memref<128x64xf32, #tpu.memory_space<vmem>>) dst(%dma_wait3A_157 : memref<10240x64xf32, #tpu.memory_space<vmem_shared>>)
          tpu.yield
        }) : () -> ()
        %scan3A_145 = arith.constant 0 : i32
        scf.yield %scan3A_145 : i32
      }
      %scan3A_112 = arith.constant 40 : i32
      %barrier3A_113 = arith.constant 0 : index
      tpu.barrier barrier_id(%barrier3A_113)
      %mul3A_114 = arith.constant 640 : i32
      %mul3A_115 = arith.muli %arg1, %mul3A_114 : i32
      %mul3A_116 = arith.constant 640 : i32
      %mul3A_117 = arith.muli %arg1, %mul3A_116 : i32
      "tpu.region"() ({
        %run_scoped3A = tpu.sem_alloc : memref<!tpu.dma_semaphore, #tpu.memory_space<semaphore_mem>>
        %dma_start3A_119 = arith.constant 64 : i32
        %dma_start3A_120 = tpu.memref_slice %arg6[%arg0, %scan3A_7, %mul3A_117, %dma_start3A_119] : memref<2x12x10240x128xf32, #tpu.memory_space<hbm>> -> memref<1x1x640x64xf32, #tpu.memory_space<hbm>>
        %dma_start3A_121 = tpu.memref_squeeze %dma_start3A_120 : memref<1x1x640x64xf32, #tpu.memory_space<hbm>> -> memref<640x64xf32, #tpu.memory_space<hbm>>
        %dma_start3A_122 = arith.constant 0 : i32
        %dma_start3A_123 = tpu.memref_slice %arg12[%mul3A_115, %dma_start3A_122] : memref<10240x64xf32, #tpu.memory_space<vmem_shared>> -> memref<640x64xf32, #tpu.memory_space<vmem_shared>>
        tpu.enqueue_dma source(%dma_start3A_123 : memref<640x64xf32, #tpu.memory_space<vmem_shared>>) target(%dma_start3A_121 : memref<640x64xf32, #tpu.memory_space<hbm>>) target_semaphore(%run_scoped3A : memref<!tpu.dma_semaphore, #tpu.memory_space<semaphore_mem>>)
        %dma_wait3A_124 = arith.constant 64 : i32
        %dma_wait3A_125 = tpu.memref_slice %arg6[%arg0, %scan3A_7, %mul3A_117, %dma_wait3A_124] : memref<2x12x10240x128xf32, #tpu.memory_space<hbm>> -> memref<1x1x640x64xf32, #tpu.memory_space<hbm>>
        %dma_wait3A_126 = tpu.memref_squeeze %dma_wait3A_125 : memref<1x1x640x64xf32, #tpu.memory_space<hbm>> -> memref<640x64xf32, #tpu.memory_space<hbm>>
        %dma_wait3A_127 = arith.constant 0 : i32
        %dma_wait3A_128 = tpu.memref_slice %arg12[%mul3A_115, %dma_wait3A_127] : memref<10240x64xf32, #tpu.memory_space<vmem_shared>> -> memref<640x64xf32, #tpu.memory_space<vmem_shared>>
        tpu.wait_dma2 semaphore(%run_scoped3A : memref<!tpu.dma_semaphore, #tpu.memory_space<semaphore_mem>>) src(%dma_wait3A_128 : memref<640x64xf32, #tpu.memory_space<vmem_shared>>) dst(%dma_wait3A_126 : memref<640x64xf32, #tpu.memory_space<hbm>>)
        tpu.yield
      }) : () -> ()
      %scan3A_118 = arith.constant 0 : i32
      scf.yield %scan3A_118 : i32
    }
    %scan3A_6 = arith.constant 12 : i32
    return
  }
}

#map = affine_map<(d0, d1) -> (0, 0, 0)>
module attributes {stable_mosaic.version = 14 : i64} {
  func.func @_deg_body(%arg0: i32, %arg1: i32, %arg2: memref<32x80x128xi32, #tpu.memory_space<hbm>>, %arg3: memref<2x128x128xf32, #tpu.memory_space<hbm>>, %arg4: memref<2x10240x128xf32, #tpu.memory_space<hbm>>, %arg5: memref<80x128xi32, #tpu.memory_space<vmem>>, %arg6: memref<128x128xf32, #tpu.memory_space<vmem>>, %arg7: memref<64x128xf32, #tpu.memory_space<vmem>>, %arg8: memref<10240x128xf32, #tpu.memory_space<vmem_shared>>) attributes {dimension_semantics = [#tpu.dimension_semantics<core_parallel>, #tpu.dimension_semantics<subcore_parallel>], iteration_bounds = array<i64: 2, 16>, scalar_prefetch = 0 : i64, scratch_operands = 4 : i64, tpu.core_type = #tpu.core_type<sc_vector_subcore>, window_params = [{transform_indices = #map}, {transform_indices = #map}, {transform_indices = #map}]} {
    %mul3A = arith.constant 2 : i32
    %mul3A_0 = arith.muli %arg1, %mul3A : i32
    %add3A = arith.addi %mul3A_0, %arg0 : i32
    "tpu.region"() ({
      %run_scoped3A_53 = tpu.sem_alloc : memref<!tpu.dma_semaphore, #tpu.memory_space<semaphore_mem>>
      %dma_start3A = arith.constant 0 : i32
      %dma_start3A_54 = arith.constant 0 : i32
      %dma_start3A_55 = tpu.memref_slice %arg2[%add3A, %dma_start3A, %dma_start3A_54] : memref<32x80x128xi32, #tpu.memory_space<hbm>> -> memref<1x80x128xi32, #tpu.memory_space<hbm>>
      %dma_start3A_56 = tpu.memref_squeeze %dma_start3A_55 : memref<1x80x128xi32, #tpu.memory_space<hbm>> -> memref<80x128xi32, #tpu.memory_space<hbm>>
      %dma_start3A_57 = arith.constant 0 : i32
      %dma_start3A_58 = arith.constant 0 : i32
      %dma_start3A_59 = tpu.memref_slice %arg2[%add3A, %dma_start3A_57, %dma_start3A_58] : memref<32x80x128xi32, #tpu.memory_space<hbm>> -> memref<1x80x128xi32, #tpu.memory_space<hbm>>
      %dma_start3A_60 = tpu.memref_squeeze %dma_start3A_59 : memref<1x80x128xi32, #tpu.memory_space<hbm>> -> memref<80x128xi32, #tpu.memory_space<hbm>>
      tpu.enqueue_dma source(%dma_start3A_60 : memref<80x128xi32, #tpu.memory_space<hbm>>) target(%arg5 : memref<80x128xi32, #tpu.memory_space<vmem>>) target_semaphore(%run_scoped3A_53 : memref<!tpu.dma_semaphore, #tpu.memory_space<semaphore_mem>>)
      %dma_wait3A = arith.constant 0 : i32
      %dma_wait3A_61 = arith.constant 0 : i32
      %dma_wait3A_62 = tpu.memref_slice %arg2[%add3A, %dma_wait3A, %dma_wait3A_61] : memref<32x80x128xi32, #tpu.memory_space<hbm>> -> memref<1x80x128xi32, #tpu.memory_space<hbm>>
      %dma_wait3A_63 = tpu.memref_squeeze %dma_wait3A_62 : memref<1x80x128xi32, #tpu.memory_space<hbm>> -> memref<80x128xi32, #tpu.memory_space<hbm>>
      %dma_wait3A_64 = arith.constant 0 : i32
      %dma_wait3A_65 = arith.constant 0 : i32
      %dma_wait3A_66 = tpu.memref_slice %arg2[%add3A, %dma_wait3A_64, %dma_wait3A_65] : memref<32x80x128xi32, #tpu.memory_space<hbm>> -> memref<1x80x128xi32, #tpu.memory_space<hbm>>
      %dma_wait3A_67 = tpu.memref_squeeze %dma_wait3A_66 : memref<1x80x128xi32, #tpu.memory_space<hbm>> -> memref<80x128xi32, #tpu.memory_space<hbm>>
      tpu.wait_dma2 semaphore(%run_scoped3A_53 : memref<!tpu.dma_semaphore, #tpu.memory_space<semaphore_mem>>) src(%dma_wait3A_67 : memref<80x128xi32, #tpu.memory_space<hbm>>) dst(%arg5 : memref<80x128xi32, #tpu.memory_space<vmem>>)
      tpu.yield
    }) : () -> ()
    %run_scoped3A = arith.constant 0 : i32
    "tpu.region"() ({
      %run_scoped3A_53 = tpu.sem_alloc : memref<!tpu.dma_semaphore, #tpu.memory_space<semaphore_mem>>
      %dma_start3A = arith.constant 0 : i32
      %dma_start3A_54 = arith.constant 0 : i32
      %dma_start3A_55 = tpu.memref_slice %arg3[%run_scoped3A, %dma_start3A, %dma_start3A_54] : memref<2x128x128xf32, #tpu.memory_space<hbm>> -> memref<1x128x128xf32, #tpu.memory_space<hbm>>
      %dma_start3A_56 = tpu.memref_squeeze %dma_start3A_55 : memref<1x128x128xf32, #tpu.memory_space<hbm>> -> memref<128x128xf32, #tpu.memory_space<hbm>>
      %dma_start3A_57 = arith.constant 0 : i32
      %dma_start3A_58 = arith.constant 0 : i32
      %dma_start3A_59 = tpu.memref_slice %arg3[%run_scoped3A, %dma_start3A_57, %dma_start3A_58] : memref<2x128x128xf32, #tpu.memory_space<hbm>> -> memref<1x128x128xf32, #tpu.memory_space<hbm>>
      %dma_start3A_60 = tpu.memref_squeeze %dma_start3A_59 : memref<1x128x128xf32, #tpu.memory_space<hbm>> -> memref<128x128xf32, #tpu.memory_space<hbm>>
      tpu.enqueue_dma source(%dma_start3A_60 : memref<128x128xf32, #tpu.memory_space<hbm>>) target(%arg6 : memref<128x128xf32, #tpu.memory_space<vmem>>) target_semaphore(%run_scoped3A_53 : memref<!tpu.dma_semaphore, #tpu.memory_space<semaphore_mem>>)
      %dma_wait3A = arith.constant 0 : i32
      %dma_wait3A_61 = arith.constant 0 : i32
      %dma_wait3A_62 = tpu.memref_slice %arg3[%run_scoped3A, %dma_wait3A, %dma_wait3A_61] : memref<2x128x128xf32, #tpu.memory_space<hbm>> -> memref<1x128x128xf32, #tpu.memory_space<hbm>>
      %dma_wait3A_63 = tpu.memref_squeeze %dma_wait3A_62 : memref<1x128x128xf32, #tpu.memory_space<hbm>> -> memref<128x128xf32, #tpu.memory_space<hbm>>
      %dma_wait3A_64 = arith.constant 0 : i32
      %dma_wait3A_65 = arith.constant 0 : i32
      %dma_wait3A_66 = tpu.memref_slice %arg3[%run_scoped3A, %dma_wait3A_64, %dma_wait3A_65] : memref<2x128x128xf32, #tpu.memory_space<hbm>> -> memref<1x128x128xf32, #tpu.memory_space<hbm>>
      %dma_wait3A_67 = tpu.memref_squeeze %dma_wait3A_66 : memref<1x128x128xf32, #tpu.memory_space<hbm>> -> memref<128x128xf32, #tpu.memory_space<hbm>>
      tpu.wait_dma2 semaphore(%run_scoped3A_53 : memref<!tpu.dma_semaphore, #tpu.memory_space<semaphore_mem>>) src(%dma_wait3A_67 : memref<128x128xf32, #tpu.memory_space<hbm>>) dst(%arg6 : memref<128x128xf32, #tpu.memory_space<vmem>>)
      tpu.yield
    }) : () -> ()
    %run_scoped3A_1 = arith.constant 1 : i32
    "tpu.region"() ({
      %run_scoped3A_53 = tpu.sem_alloc : memref<!tpu.dma_semaphore, #tpu.memory_space<semaphore_mem>>
      %dma_start3A = arith.constant 0 : i32
      %dma_start3A_54 = arith.constant 0 : i32
      %dma_start3A_55 = tpu.memref_slice %arg3[%run_scoped3A_1, %dma_start3A, %dma_start3A_54] : memref<2x128x128xf32, #tpu.memory_space<hbm>> -> memref<1x64x128xf32, #tpu.memory_space<hbm>>
      %dma_start3A_56 = tpu.memref_squeeze %dma_start3A_55 : memref<1x64x128xf32, #tpu.memory_space<hbm>> -> memref<64x128xf32, #tpu.memory_space<hbm>>
      %dma_start3A_57 = arith.constant 0 : i32
      %dma_start3A_58 = arith.constant 0 : i32
      %dma_start3A_59 = tpu.memref_slice %arg3[%run_scoped3A_1, %dma_start3A_57, %dma_start3A_58] : memref<2x128x128xf32, #tpu.memory_space<hbm>> -> memref<1x64x128xf32, #tpu.memory_space<hbm>>
      %dma_start3A_60 = tpu.memref_squeeze %dma_start3A_59 : memref<1x64x128xf32, #tpu.memory_space<hbm>> -> memref<64x128xf32, #tpu.memory_space<hbm>>
      tpu.enqueue_dma source(%dma_start3A_60 : memref<64x128xf32, #tpu.memory_space<hbm>>) target(%arg7 : memref<64x128xf32, #tpu.memory_space<vmem>>) target_semaphore(%run_scoped3A_53 : memref<!tpu.dma_semaphore, #tpu.memory_space<semaphore_mem>>)
      %dma_wait3A = arith.constant 0 : i32
      %dma_wait3A_61 = arith.constant 0 : i32
      %dma_wait3A_62 = tpu.memref_slice %arg3[%run_scoped3A_1, %dma_wait3A, %dma_wait3A_61] : memref<2x128x128xf32, #tpu.memory_space<hbm>> -> memref<1x64x128xf32, #tpu.memory_space<hbm>>
      %dma_wait3A_63 = tpu.memref_squeeze %dma_wait3A_62 : memref<1x64x128xf32, #tpu.memory_space<hbm>> -> memref<64x128xf32, #tpu.memory_space<hbm>>
      %dma_wait3A_64 = arith.constant 0 : i32
      %dma_wait3A_65 = arith.constant 0 : i32
      %dma_wait3A_66 = tpu.memref_slice %arg3[%run_scoped3A_1, %dma_wait3A_64, %dma_wait3A_65] : memref<2x128x128xf32, #tpu.memory_space<hbm>> -> memref<1x64x128xf32, #tpu.memory_space<hbm>>
      %dma_wait3A_67 = tpu.memref_squeeze %dma_wait3A_66 : memref<1x64x128xf32, #tpu.memory_space<hbm>> -> memref<64x128xf32, #tpu.memory_space<hbm>>
      tpu.wait_dma2 semaphore(%run_scoped3A_53 : memref<!tpu.dma_semaphore, #tpu.memory_space<semaphore_mem>>) src(%dma_wait3A_67 : memref<64x128xf32, #tpu.memory_space<hbm>>) dst(%arg7 : memref<64x128xf32, #tpu.memory_space<vmem>>)
      tpu.yield
    }) : () -> ()
    %mul3A_2 = arith.constant 640 : i32
    %mul3A_3 = arith.muli %arg1, %mul3A_2 : i32
    %add3A_4 = arith.constant 0 : i32
    %add3A_5 = arith.addi %mul3A_3, %add3A_4 : i32
    "tpu.region"() ({
      %run_scoped3A_53 = tpu.sem_alloc : memref<!tpu.dma_semaphore, #tpu.memory_space<semaphore_mem>>
      %dma_start3A = arith.constant 0 : i32
      %dma_start3A_54 = tpu.memref_slice %arg8[%add3A_5, %dma_start3A] : memref<10240x128xf32, #tpu.memory_space<vmem_shared>> -> memref<64x128xf32, #tpu.memory_space<vmem_shared>>
      %dma_start3A_55 = arith.constant 0 : i32
      %dma_start3A_56 = tpu.memref_slice %arg8[%add3A_5, %dma_start3A_55] : memref<10240x128xf32, #tpu.memory_space<vmem_shared>> -> memref<64x128xf32, #tpu.memory_space<vmem_shared>>
      tpu.enqueue_dma source(%arg7 : memref<64x128xf32, #tpu.memory_space<vmem>>) target(%dma_start3A_56 : memref<64x128xf32, #tpu.memory_space<vmem_shared>>) target_semaphore(%run_scoped3A_53 : memref<!tpu.dma_semaphore, #tpu.memory_space<semaphore_mem>>)
      %dma_wait3A = arith.constant 0 : i32
      %dma_wait3A_57 = tpu.memref_slice %arg8[%add3A_5, %dma_wait3A] : memref<10240x128xf32, #tpu.memory_space<vmem_shared>> -> memref<64x128xf32, #tpu.memory_space<vmem_shared>>
      %dma_wait3A_58 = arith.constant 0 : i32
      %dma_wait3A_59 = tpu.memref_slice %arg8[%add3A_5, %dma_wait3A_58] : memref<10240x128xf32, #tpu.memory_space<vmem_shared>> -> memref<64x128xf32, #tpu.memory_space<vmem_shared>>
      tpu.wait_dma2 semaphore(%run_scoped3A_53 : memref<!tpu.dma_semaphore, #tpu.memory_space<semaphore_mem>>) src(%arg7 : memref<64x128xf32, #tpu.memory_space<vmem>>) dst(%dma_wait3A_59 : memref<64x128xf32, #tpu.memory_space<vmem_shared>>)
      tpu.yield
    }) : () -> ()
    %mul3A_6 = arith.constant 640 : i32
    %mul3A_7 = arith.muli %arg1, %mul3A_6 : i32
    %add3A_8 = arith.constant 64 : i32
    %add3A_9 = arith.addi %mul3A_7, %add3A_8 : i32
    "tpu.region"() ({
      %run_scoped3A_53 = tpu.sem_alloc : memref<!tpu.dma_semaphore, #tpu.memory_space<semaphore_mem>>
      %dma_start3A = arith.constant 0 : i32
      %dma_start3A_54 = tpu.memref_slice %arg8[%add3A_9, %dma_start3A] : memref<10240x128xf32, #tpu.memory_space<vmem_shared>> -> memref<64x128xf32, #tpu.memory_space<vmem_shared>>
      %dma_start3A_55 = arith.constant 0 : i32
      %dma_start3A_56 = tpu.memref_slice %arg8[%add3A_9, %dma_start3A_55] : memref<10240x128xf32, #tpu.memory_space<vmem_shared>> -> memref<64x128xf32, #tpu.memory_space<vmem_shared>>
      tpu.enqueue_dma source(%arg7 : memref<64x128xf32, #tpu.memory_space<vmem>>) target(%dma_start3A_56 : memref<64x128xf32, #tpu.memory_space<vmem_shared>>) target_semaphore(%run_scoped3A_53 : memref<!tpu.dma_semaphore, #tpu.memory_space<semaphore_mem>>)
      %dma_wait3A = arith.constant 0 : i32
      %dma_wait3A_57 = tpu.memref_slice %arg8[%add3A_9, %dma_wait3A] : memref<10240x128xf32, #tpu.memory_space<vmem_shared>> -> memref<64x128xf32, #tpu.memory_space<vmem_shared>>
      %dma_wait3A_58 = arith.constant 0 : i32
      %dma_wait3A_59 = tpu.memref_slice %arg8[%add3A_9, %dma_wait3A_58] : memref<10240x128xf32, #tpu.memory_space<vmem_shared>> -> memref<64x128xf32, #tpu.memory_space<vmem_shared>>
      tpu.wait_dma2 semaphore(%run_scoped3A_53 : memref<!tpu.dma_semaphore, #tpu.memory_space<semaphore_mem>>) src(%arg7 : memref<64x128xf32, #tpu.memory_space<vmem>>) dst(%dma_wait3A_59 : memref<64x128xf32, #tpu.memory_space<vmem_shared>>)
      tpu.yield
    }) : () -> ()
    %mul3A_10 = arith.constant 640 : i32
    %mul3A_11 = arith.muli %arg1, %mul3A_10 : i32
    %add3A_12 = arith.constant 128 : i32
    %add3A_13 = arith.addi %mul3A_11, %add3A_12 : i32
    "tpu.region"() ({
      %run_scoped3A_53 = tpu.sem_alloc : memref<!tpu.dma_semaphore, #tpu.memory_space<semaphore_mem>>
      %dma_start3A = arith.constant 0 : i32
      %dma_start3A_54 = tpu.memref_slice %arg8[%add3A_13, %dma_start3A] : memref<10240x128xf32, #tpu.memory_space<vmem_shared>> -> memref<64x128xf32, #tpu.memory_space<vmem_shared>>
      %dma_start3A_55 = arith.constant 0 : i32
      %dma_start3A_56 = tpu.memref_slice %arg8[%add3A_13, %dma_start3A_55] : memref<10240x128xf32, #tpu.memory_space<vmem_shared>> -> memref<64x128xf32, #tpu.memory_space<vmem_shared>>
      tpu.enqueue_dma source(%arg7 : memref<64x128xf32, #tpu.memory_space<vmem>>) target(%dma_start3A_56 : memref<64x128xf32, #tpu.memory_space<vmem_shared>>) target_semaphore(%run_scoped3A_53 : memref<!tpu.dma_semaphore, #tpu.memory_space<semaphore_mem>>)
      %dma_wait3A = arith.constant 0 : i32
      %dma_wait3A_57 = tpu.memref_slice %arg8[%add3A_13, %dma_wait3A] : memref<10240x128xf32, #tpu.memory_space<vmem_shared>> -> memref<64x128xf32, #tpu.memory_space<vmem_shared>>
      %dma_wait3A_58 = arith.constant 0 : i32
      %dma_wait3A_59 = tpu.memref_slice %arg8[%add3A_13, %dma_wait3A_58] : memref<10240x128xf32, #tpu.memory_space<vmem_shared>> -> memref<64x128xf32, #tpu.memory_space<vmem_shared>>
      tpu.wait_dma2 semaphore(%run_scoped3A_53 : memref<!tpu.dma_semaphore, #tpu.memory_space<semaphore_mem>>) src(%arg7 : memref<64x128xf32, #tpu.memory_space<vmem>>) dst(%dma_wait3A_59 : memref<64x128xf32, #tpu.memory_space<vmem_shared>>)
      tpu.yield
    }) : () -> ()
    %mul3A_14 = arith.constant 640 : i32
    %mul3A_15 = arith.muli %arg1, %mul3A_14 : i32
    %add3A_16 = arith.constant 192 : i32
    %add3A_17 = arith.addi %mul3A_15, %add3A_16 : i32
    "tpu.region"() ({
      %run_scoped3A_53 = tpu.sem_alloc : memref<!tpu.dma_semaphore, #tpu.memory_space<semaphore_mem>>
      %dma_start3A = arith.constant 0 : i32
      %dma_start3A_54 = tpu.memref_slice %arg8[%add3A_17, %dma_start3A] : memref<10240x128xf32, #tpu.memory_space<vmem_shared>> -> memref<64x128xf32, #tpu.memory_space<vmem_shared>>
      %dma_start3A_55 = arith.constant 0 : i32
      %dma_start3A_56 = tpu.memref_slice %arg8[%add3A_17, %dma_start3A_55] : memref<10240x128xf32, #tpu.memory_space<vmem_shared>> -> memref<64x128xf32, #tpu.memory_space<vmem_shared>>
      tpu.enqueue_dma source(%arg7 : memref<64x128xf32, #tpu.memory_space<vmem>>) target(%dma_start3A_56 : memref<64x128xf32, #tpu.memory_space<vmem_shared>>) target_semaphore(%run_scoped3A_53 : memref<!tpu.dma_semaphore, #tpu.memory_space<semaphore_mem>>)
      %dma_wait3A = arith.constant 0 : i32
      %dma_wait3A_57 = tpu.memref_slice %arg8[%add3A_17, %dma_wait3A] : memref<10240x128xf32, #tpu.memory_space<vmem_shared>> -> memref<64x128xf32, #tpu.memory_space<vmem_shared>>
      %dma_wait3A_58 = arith.constant 0 : i32
      %dma_wait3A_59 = tpu.memref_slice %arg8[%add3A_17, %dma_wait3A_58] : memref<10240x128xf32, #tpu.memory_space<vmem_shared>> -> memref<64x128xf32, #tpu.memory_space<vmem_shared>>
      tpu.wait_dma2 semaphore(%run_scoped3A_53 : memref<!tpu.dma_semaphore, #tpu.memory_space<semaphore_mem>>) src(%arg7 : memref<64x128xf32, #tpu.memory_space<vmem>>) dst(%dma_wait3A_59 : memref<64x128xf32, #tpu.memory_space<vmem_shared>>)
      tpu.yield
    }) : () -> ()
    %mul3A_18 = arith.constant 640 : i32
    %mul3A_19 = arith.muli %arg1, %mul3A_18 : i32
    %add3A_20 = arith.constant 256 : i32
    %add3A_21 = arith.addi %mul3A_19, %add3A_20 : i32
    "tpu.region"() ({
      %run_scoped3A_53 = tpu.sem_alloc : memref<!tpu.dma_semaphore, #tpu.memory_space<semaphore_mem>>
      %dma_start3A = arith.constant 0 : i32
      %dma_start3A_54 = tpu.memref_slice %arg8[%add3A_21, %dma_start3A] : memref<10240x128xf32, #tpu.memory_space<vmem_shared>> -> memref<64x128xf32, #tpu.memory_space<vmem_shared>>
      %dma_start3A_55 = arith.constant 0 : i32
      %dma_start3A_56 = tpu.memref_slice %arg8[%add3A_21, %dma_start3A_55] : memref<10240x128xf32, #tpu.memory_space<vmem_shared>> -> memref<64x128xf32, #tpu.memory_space<vmem_shared>>
      tpu.enqueue_dma source(%arg7 : memref<64x128xf32, #tpu.memory_space<vmem>>) target(%dma_start3A_56 : memref<64x128xf32, #tpu.memory_space<vmem_shared>>) target_semaphore(%run_scoped3A_53 : memref<!tpu.dma_semaphore, #tpu.memory_space<semaphore_mem>>)
      %dma_wait3A = arith.constant 0 : i32
      %dma_wait3A_57 = tpu.memref_slice %arg8[%add3A_21, %dma_wait3A] : memref<10240x128xf32, #tpu.memory_space<vmem_shared>> -> memref<64x128xf32, #tpu.memory_space<vmem_shared>>
      %dma_wait3A_58 = arith.constant 0 : i32
      %dma_wait3A_59 = tpu.memref_slice %arg8[%add3A_21, %dma_wait3A_58] : memref<10240x128xf32, #tpu.memory_space<vmem_shared>> -> memref<64x128xf32, #tpu.memory_space<vmem_shared>>
      tpu.wait_dma2 semaphore(%run_scoped3A_53 : memref<!tpu.dma_semaphore, #tpu.memory_space<semaphore_mem>>) src(%arg7 : memref<64x128xf32, #tpu.memory_space<vmem>>) dst(%dma_wait3A_59 : memref<64x128xf32, #tpu.memory_space<vmem_shared>>)
      tpu.yield
    }) : () -> ()
    %mul3A_22 = arith.constant 640 : i32
    %mul3A_23 = arith.muli %arg1, %mul3A_22 : i32
    %add3A_24 = arith.constant 320 : i32
    %add3A_25 = arith.addi %mul3A_23, %add3A_24 : i32
    "tpu.region"() ({
      %run_scoped3A_53 = tpu.sem_alloc : memref<!tpu.dma_semaphore, #tpu.memory_space<semaphore_mem>>
      %dma_start3A = arith.constant 0 : i32
      %dma_start3A_54 = tpu.memref_slice %arg8[%add3A_25, %dma_start3A] : memref<10240x128xf32, #tpu.memory_space<vmem_shared>> -> memref<64x128xf32, #tpu.memory_space<vmem_shared>>
      %dma_start3A_55 = arith.constant 0 : i32
      %dma_start3A_56 = tpu.memref_slice %arg8[%add3A_25, %dma_start3A_55] : memref<10240x128xf32, #tpu.memory_space<vmem_shared>> -> memref<64x128xf32, #tpu.memory_space<vmem_shared>>
      tpu.enqueue_dma source(%arg7 : memref<64x128xf32, #tpu.memory_space<vmem>>) target(%dma_start3A_56 : memref<64x128xf32, #tpu.memory_space<vmem_shared>>) target_semaphore(%run_scoped3A_53 : memref<!tpu.dma_semaphore, #tpu.memory_space<semaphore_mem>>)
      %dma_wait3A = arith.constant 0 : i32
      %dma_wait3A_57 = tpu.memref_slice %arg8[%add3A_25, %dma_wait3A] : memref<10240x128xf32, #tpu.memory_space<vmem_shared>> -> memref<64x128xf32, #tpu.memory_space<vmem_shared>>
      %dma_wait3A_58 = arith.constant 0 : i32
      %dma_wait3A_59 = tpu.memref_slice %arg8[%add3A_25, %dma_wait3A_58] : memref<10240x128xf32, #tpu.memory_space<vmem_shared>> -> memref<64x128xf32, #tpu.memory_space<vmem_shared>>
      tpu.wait_dma2 semaphore(%run_scoped3A_53 : memref<!tpu.dma_semaphore, #tpu.memory_space<semaphore_mem>>) src(%arg7 : memref<64x128xf32, #tpu.memory_space<vmem>>) dst(%dma_wait3A_59 : memref<64x128xf32, #tpu.memory_space<vmem_shared>>)
      tpu.yield
    }) : () -> ()
    %mul3A_26 = arith.constant 640 : i32
    %mul3A_27 = arith.muli %arg1, %mul3A_26 : i32
    %add3A_28 = arith.constant 384 : i32
    %add3A_29 = arith.addi %mul3A_27, %add3A_28 : i32
    "tpu.region"() ({
      %run_scoped3A_53 = tpu.sem_alloc : memref<!tpu.dma_semaphore, #tpu.memory_space<semaphore_mem>>
      %dma_start3A = arith.constant 0 : i32
      %dma_start3A_54 = tpu.memref_slice %arg8[%add3A_29, %dma_start3A] : memref<10240x128xf32, #tpu.memory_space<vmem_shared>> -> memref<64x128xf32, #tpu.memory_space<vmem_shared>>
      %dma_start3A_55 = arith.constant 0 : i32
      %dma_start3A_56 = tpu.memref_slice %arg8[%add3A_29, %dma_start3A_55] : memref<10240x128xf32, #tpu.memory_space<vmem_shared>> -> memref<64x128xf32, #tpu.memory_space<vmem_shared>>
      tpu.enqueue_dma source(%arg7 : memref<64x128xf32, #tpu.memory_space<vmem>>) target(%dma_start3A_56 : memref<64x128xf32, #tpu.memory_space<vmem_shared>>) target_semaphore(%run_scoped3A_53 : memref<!tpu.dma_semaphore, #tpu.memory_space<semaphore_mem>>)
      %dma_wait3A = arith.constant 0 : i32
      %dma_wait3A_57 = tpu.memref_slice %arg8[%add3A_29, %dma_wait3A] : memref<10240x128xf32, #tpu.memory_space<vmem_shared>> -> memref<64x128xf32, #tpu.memory_space<vmem_shared>>
      %dma_wait3A_58 = arith.constant 0 : i32
      %dma_wait3A_59 = tpu.memref_slice %arg8[%add3A_29, %dma_wait3A_58] : memref<10240x128xf32, #tpu.memory_space<vmem_shared>> -> memref<64x128xf32, #tpu.memory_space<vmem_shared>>
      tpu.wait_dma2 semaphore(%run_scoped3A_53 : memref<!tpu.dma_semaphore, #tpu.memory_space<semaphore_mem>>) src(%arg7 : memref<64x128xf32, #tpu.memory_space<vmem>>) dst(%dma_wait3A_59 : memref<64x128xf32, #tpu.memory_space<vmem_shared>>)
      tpu.yield
    }) : () -> ()
    %mul3A_30 = arith.constant 640 : i32
    %mul3A_31 = arith.muli %arg1, %mul3A_30 : i32
    %add3A_32 = arith.constant 448 : i32
    %add3A_33 = arith.addi %mul3A_31, %add3A_32 : i32
    "tpu.region"() ({
      %run_scoped3A_53 = tpu.sem_alloc : memref<!tpu.dma_semaphore, #tpu.memory_space<semaphore_mem>>
      %dma_start3A = arith.constant 0 : i32
      %dma_start3A_54 = tpu.memref_slice %arg8[%add3A_33, %dma_start3A] : memref<10240x128xf32, #tpu.memory_space<vmem_shared>> -> memref<64x128xf32, #tpu.memory_space<vmem_shared>>
      %dma_start3A_55 = arith.constant 0 : i32
      %dma_start3A_56 = tpu.memref_slice %arg8[%add3A_33, %dma_start3A_55] : memref<10240x128xf32, #tpu.memory_space<vmem_shared>> -> memref<64x128xf32, #tpu.memory_space<vmem_shared>>
      tpu.enqueue_dma source(%arg7 : memref<64x128xf32, #tpu.memory_space<vmem>>) target(%dma_start3A_56 : memref<64x128xf32, #tpu.memory_space<vmem_shared>>) target_semaphore(%run_scoped3A_53 : memref<!tpu.dma_semaphore, #tpu.memory_space<semaphore_mem>>)
      %dma_wait3A = arith.constant 0 : i32
      %dma_wait3A_57 = tpu.memref_slice %arg8[%add3A_33, %dma_wait3A] : memref<10240x128xf32, #tpu.memory_space<vmem_shared>> -> memref<64x128xf32, #tpu.memory_space<vmem_shared>>
      %dma_wait3A_58 = arith.constant 0 : i32
      %dma_wait3A_59 = tpu.memref_slice %arg8[%add3A_33, %dma_wait3A_58] : memref<10240x128xf32, #tpu.memory_space<vmem_shared>> -> memref<64x128xf32, #tpu.memory_space<vmem_shared>>
      tpu.wait_dma2 semaphore(%run_scoped3A_53 : memref<!tpu.dma_semaphore, #tpu.memory_space<semaphore_mem>>) src(%arg7 : memref<64x128xf32, #tpu.memory_space<vmem>>) dst(%dma_wait3A_59 : memref<64x128xf32, #tpu.memory_space<vmem_shared>>)
      tpu.yield
    }) : () -> ()
    %mul3A_34 = arith.constant 640 : i32
    %mul3A_35 = arith.muli %arg1, %mul3A_34 : i32
    %add3A_36 = arith.constant 512 : i32
    %add3A_37 = arith.addi %mul3A_35, %add3A_36 : i32
    "tpu.region"() ({
      %run_scoped3A_53 = tpu.sem_alloc : memref<!tpu.dma_semaphore, #tpu.memory_space<semaphore_mem>>
      %dma_start3A = arith.constant 0 : i32
      %dma_start3A_54 = tpu.memref_slice %arg8[%add3A_37, %dma_start3A] : memref<10240x128xf32, #tpu.memory_space<vmem_shared>> -> memref<64x128xf32, #tpu.memory_space<vmem_shared>>
      %dma_start3A_55 = arith.constant 0 : i32
      %dma_start3A_56 = tpu.memref_slice %arg8[%add3A_37, %dma_start3A_55] : memref<10240x128xf32, #tpu.memory_space<vmem_shared>> -> memref<64x128xf32, #tpu.memory_space<vmem_shared>>
      tpu.enqueue_dma source(%arg7 : memref<64x128xf32, #tpu.memory_space<vmem>>) target(%dma_start3A_56 : memref<64x128xf32, #tpu.memory_space<vmem_shared>>) target_semaphore(%run_scoped3A_53 : memref<!tpu.dma_semaphore, #tpu.memory_space<semaphore_mem>>)
      %dma_wait3A = arith.constant 0 : i32
      %dma_wait3A_57 = tpu.memref_slice %arg8[%add3A_37, %dma_wait3A] : memref<10240x128xf32, #tpu.memory_space<vmem_shared>> -> memref<64x128xf32, #tpu.memory_space<vmem_shared>>
      %dma_wait3A_58 = arith.constant 0 : i32
      %dma_wait3A_59 = tpu.memref_slice %arg8[%add3A_37, %dma_wait3A_58] : memref<10240x128xf32, #tpu.memory_space<vmem_shared>> -> memref<64x128xf32, #tpu.memory_space<vmem_shared>>
      tpu.wait_dma2 semaphore(%run_scoped3A_53 : memref<!tpu.dma_semaphore, #tpu.memory_space<semaphore_mem>>) src(%arg7 : memref<64x128xf32, #tpu.memory_space<vmem>>) dst(%dma_wait3A_59 : memref<64x128xf32, #tpu.memory_space<vmem_shared>>)
      tpu.yield
    }) : () -> ()
    %mul3A_38 = arith.constant 640 : i32
    %mul3A_39 = arith.muli %arg1, %mul3A_38 : i32
    %add3A_40 = arith.constant 576 : i32
    %add3A_41 = arith.addi %mul3A_39, %add3A_40 : i32
    "tpu.region"() ({
      %run_scoped3A_53 = tpu.sem_alloc : memref<!tpu.dma_semaphore, #tpu.memory_space<semaphore_mem>>
      %dma_start3A = arith.constant 0 : i32
      %dma_start3A_54 = tpu.memref_slice %arg8[%add3A_41, %dma_start3A] : memref<10240x128xf32, #tpu.memory_space<vmem_shared>> -> memref<64x128xf32, #tpu.memory_space<vmem_shared>>
      %dma_start3A_55 = arith.constant 0 : i32
      %dma_start3A_56 = tpu.memref_slice %arg8[%add3A_41, %dma_start3A_55] : memref<10240x128xf32, #tpu.memory_space<vmem_shared>> -> memref<64x128xf32, #tpu.memory_space<vmem_shared>>
      tpu.enqueue_dma source(%arg7 : memref<64x128xf32, #tpu.memory_space<vmem>>) target(%dma_start3A_56 : memref<64x128xf32, #tpu.memory_space<vmem_shared>>) target_semaphore(%run_scoped3A_53 : memref<!tpu.dma_semaphore, #tpu.memory_space<semaphore_mem>>)
      %dma_wait3A = arith.constant 0 : i32
      %dma_wait3A_57 = tpu.memref_slice %arg8[%add3A_41, %dma_wait3A] : memref<10240x128xf32, #tpu.memory_space<vmem_shared>> -> memref<64x128xf32, #tpu.memory_space<vmem_shared>>
      %dma_wait3A_58 = arith.constant 0 : i32
      %dma_wait3A_59 = tpu.memref_slice %arg8[%add3A_41, %dma_wait3A_58] : memref<10240x128xf32, #tpu.memory_space<vmem_shared>> -> memref<64x128xf32, #tpu.memory_space<vmem_shared>>
      tpu.wait_dma2 semaphore(%run_scoped3A_53 : memref<!tpu.dma_semaphore, #tpu.memory_space<semaphore_mem>>) src(%arg7 : memref<64x128xf32, #tpu.memory_space<vmem>>) dst(%dma_wait3A_59 : memref<64x128xf32, #tpu.memory_space<vmem_shared>>)
      tpu.yield
    }) : () -> ()
    %barrier3A = arith.constant 0 : index
    tpu.barrier barrier_id(%barrier3A)
    %scan3A = arith.constant 0 : i32
    %scan3A_42 = arith.constant 0 : i32
    %scan3A_43 = arith.constant 80 : i32
    %scan3A_44 = arith.addi %scan3A_42, %scan3A_43 : i32
    %scan3A_45 = arith.constant 1 : i32
    %scan3A_46 = scf.for %scan3A_53 = %scan3A_42 to %scan3A_44 step %scan3A_45 iter_args(%scan3A_54 = %scan3A) -> (i32)  : i32 {
      "tpu.region"() ({
        %run_scoped3A_56 = tpu.sem_alloc : memref<!tpu.dma_semaphore, #tpu.memory_space<semaphore_mem>>
        %dma_start3A = arith.constant 0 : i32
        %dma_start3A_57 = tpu.memref_slice %arg5[%scan3A_53, %dma_start3A] : memref<80x128xi32, #tpu.memory_space<vmem>> -> memref<1x128xi32, #tpu.memory_space<vmem>>
        %dma_start3A_58 = tpu.memref_squeeze %dma_start3A_57 : memref<1x128xi32, #tpu.memory_space<vmem>> -> memref<128xi32, #tpu.memory_space<vmem>>
        %dma_start3A_59 = arith.constant 0 : i32
        %dma_start3A_60 = arith.constant 0 : i32
        %dma_start3A_61 = tpu.memref_slice %arg8[%dma_start3A_59, %dma_start3A_60] : memref<10240x128xf32, #tpu.memory_space<vmem_shared>> -> memref<10240x128xf32, #tpu.memory_space<vmem_shared>>
        tpu.enqueue_indirect_dma source(%arg6 : memref<128x128xf32, #tpu.memory_space<vmem>>) target(%dma_start3A_61 : memref<10240x128xf32, #tpu.memory_space<vmem_shared>>) offsets(%dma_start3A_58 : memref<128xi32, #tpu.memory_space<vmem>>) semaphore(%run_scoped3A_56 : memref<!tpu.dma_semaphore, #tpu.memory_space<semaphore_mem>>) {add = true}
        %dma_wait3A = arith.constant 0 : i32
        %dma_wait3A_62 = tpu.memref_slice %arg5[%scan3A_53, %dma_wait3A] : memref<80x128xi32, #tpu.memory_space<vmem>> -> memref<1x128xi32, #tpu.memory_space<vmem>>
        %dma_wait3A_63 = tpu.memref_squeeze %dma_wait3A_62 : memref<1x128xi32, #tpu.memory_space<vmem>> -> memref<128xi32, #tpu.memory_space<vmem>>
        %dma_wait3A_64 = arith.constant 0 : i32
        %dma_wait3A_65 = arith.constant 0 : i32
        %dma_wait3A_66 = tpu.memref_slice %arg8[%dma_wait3A_64, %dma_wait3A_65] : memref<10240x128xf32, #tpu.memory_space<vmem_shared>> -> memref<10240x128xf32, #tpu.memory_space<vmem_shared>>
        tpu.wait_indirect_dma semaphore(%run_scoped3A_56 : memref<!tpu.dma_semaphore, #tpu.memory_space<semaphore_mem>>) src(%arg6 : memref<128x128xf32, #tpu.memory_space<vmem>>) dst(%dma_wait3A_66 : memref<10240x128xf32, #tpu.memory_space<vmem_shared>>)
        tpu.yield
      }) : () -> ()
      %scan3A_55 = arith.constant 0 : i32
      scf.yield %scan3A_55 : i32
    }
    %scan3A_47 = arith.constant 80 : i32
    %barrier3A_48 = arith.constant 0 : index
    tpu.barrier barrier_id(%barrier3A_48)
    %mul3A_49 = arith.constant 640 : i32
    %mul3A_50 = arith.muli %arg1, %mul3A_49 : i32
    %mul3A_51 = arith.constant 640 : i32
    %mul3A_52 = arith.muli %arg1, %mul3A_51 : i32
    "tpu.region"() ({
      %run_scoped3A_53 = tpu.sem_alloc : memref<!tpu.dma_semaphore, #tpu.memory_space<semaphore_mem>>
      %dma_start3A = arith.constant 0 : i32
      %dma_start3A_54 = tpu.memref_slice %arg4[%arg0, %mul3A_52, %dma_start3A] : memref<2x10240x128xf32, #tpu.memory_space<hbm>> -> memref<1x640x128xf32, #tpu.memory_space<hbm>>
      %dma_start3A_55 = tpu.memref_squeeze %dma_start3A_54 : memref<1x640x128xf32, #tpu.memory_space<hbm>> -> memref<640x128xf32, #tpu.memory_space<hbm>>
      %dma_start3A_56 = arith.constant 0 : i32
      %dma_start3A_57 = tpu.memref_slice %arg8[%mul3A_50, %dma_start3A_56] : memref<10240x128xf32, #tpu.memory_space<vmem_shared>> -> memref<640x128xf32, #tpu.memory_space<vmem_shared>>
      tpu.enqueue_dma source(%dma_start3A_57 : memref<640x128xf32, #tpu.memory_space<vmem_shared>>) target(%dma_start3A_55 : memref<640x128xf32, #tpu.memory_space<hbm>>) target_semaphore(%run_scoped3A_53 : memref<!tpu.dma_semaphore, #tpu.memory_space<semaphore_mem>>)
      %dma_wait3A = arith.constant 0 : i32
      %dma_wait3A_58 = tpu.memref_slice %arg4[%arg0, %mul3A_52, %dma_wait3A] : memref<2x10240x128xf32, #tpu.memory_space<hbm>> -> memref<1x640x128xf32, #tpu.memory_space<hbm>>
      %dma_wait3A_59 = tpu.memref_squeeze %dma_wait3A_58 : memref<1x640x128xf32, #tpu.memory_space<hbm>> -> memref<640x128xf32, #tpu.memory_space<hbm>>
      %dma_wait3A_60 = arith.constant 0 : i32
      %dma_wait3A_61 = tpu.memref_slice %arg8[%mul3A_50, %dma_wait3A_60] : memref<10240x128xf32, #tpu.memory_space<vmem_shared>> -> memref<640x128xf32, #tpu.memory_space<vmem_shared>>
      tpu.wait_dma2 semaphore(%run_scoped3A_53 : memref<!tpu.dma_semaphore, #tpu.memory_space<semaphore_mem>>) src(%dma_wait3A_61 : memref<640x128xf32, #tpu.memory_space<vmem_shared>>) dst(%dma_wait3A_59 : memref<640x128xf32, #tpu.memory_space<hbm>>)
      tpu.yield
    }) : () -> ()
    return
  }
}

#map = affine_map<(d0, d1) -> (0, 0)>
#map1 = affine_map<(d0, d1) -> (0, 0, 0)>
#map2 = affine_map<(d0, d1) -> (0, 0, 0, 0)>
module attributes {stable_mosaic.version = 14 : i64} {
  func.func @_scatter_body(%arg0: i32, %arg1: i32, %arg2: memref<122880x128xf32, #tpu.memory_space<hbm>>, %arg3: memref<32x80x128xi32, #tpu.memory_space<hbm>>, %arg4: memref<32x80x128xi32, #tpu.memory_space<hbm>>, %arg5: memref<640x128xf32, #tpu.memory_space<hbm>>, %arg6: memref<2x12x10240x128xf32, #tpu.memory_space<hbm>>, %arg7: memref<80x128xi32, #tpu.memory_space<vmem>>, %arg8: memref<80x128xi32, #tpu.memory_space<vmem>>, %arg9: memref<128x64xf32, #tpu.memory_space<vmem>>, %arg10: memref<128x64xf32, #tpu.memory_space<vmem>>, %arg11: memref<10240x64xf32, #tpu.memory_space<vmem_shared>>, %arg12: memref<10240x64xf32, #tpu.memory_space<vmem_shared>>, %arg13: memref<!tpu.dma_semaphore, #tpu.memory_space<semaphore_mem>>, %arg14: memref<!tpu.dma_semaphore, #tpu.memory_space<semaphore_mem>>) attributes {dimension_semantics = [#tpu.dimension_semantics<core_parallel>, #tpu.dimension_semantics<subcore_parallel>], iteration_bounds = array<i64: 2, 16>, scalar_prefetch = 0 : i64, scratch_operands = 8 : i64, tpu.core_type = #tpu.core_type<sc_vector_subcore>, window_params = [{transform_indices = #map}, {transform_indices = #map1}, {transform_indices = #map1}, {transform_indices = #map}, {transform_indices = #map2}]} {
    %mul3A = arith.constant 2 : i32
    %mul3A_0 = arith.muli %arg1, %mul3A : i32
    %add3A = arith.addi %mul3A_0, %arg0 : i32
    "tpu.region"() ({
      %run_scoped3A = tpu.sem_alloc : memref<!tpu.dma_semaphore, #tpu.memory_space<semaphore_mem>>
      %dma_start3A = arith.constant 0 : i32
      %dma_start3A_7 = arith.constant 0 : i32
      %dma_start3A_8 = tpu.memref_slice %arg3[%add3A, %dma_start3A, %dma_start3A_7] : memref<32x80x128xi32, #tpu.memory_space<hbm>> -> memref<1x80x128xi32, #tpu.memory_space<hbm>>
      %dma_start3A_9 = tpu.memref_squeeze %dma_start3A_8 : memref<1x80x128xi32, #tpu.memory_space<hbm>> -> memref<80x128xi32, #tpu.memory_space<hbm>>
      %dma_start3A_10 = arith.constant 0 : i32
      %dma_start3A_11 = arith.constant 0 : i32
      %dma_start3A_12 = tpu.memref_slice %arg3[%add3A, %dma_start3A_10, %dma_start3A_11] : memref<32x80x128xi32, #tpu.memory_space<hbm>> -> memref<1x80x128xi32, #tpu.memory_space<hbm>>
      %dma_start3A_13 = tpu.memref_squeeze %dma_start3A_12 : memref<1x80x128xi32, #tpu.memory_space<hbm>> -> memref<80x128xi32, #tpu.memory_space<hbm>>
      tpu.enqueue_dma source(%dma_start3A_13 : memref<80x128xi32, #tpu.memory_space<hbm>>) target(%arg7 : memref<80x128xi32, #tpu.memory_space<vmem>>) target_semaphore(%run_scoped3A : memref<!tpu.dma_semaphore, #tpu.memory_space<semaphore_mem>>)
      %dma_wait3A = arith.constant 0 : i32
      %dma_wait3A_14 = arith.constant 0 : i32
      %dma_wait3A_15 = tpu.memref_slice %arg3[%add3A, %dma_wait3A, %dma_wait3A_14] : memref<32x80x128xi32, #tpu.memory_space<hbm>> -> memref<1x80x128xi32, #tpu.memory_space<hbm>>
      %dma_wait3A_16 = tpu.memref_squeeze %dma_wait3A_15 : memref<1x80x128xi32, #tpu.memory_space<hbm>> -> memref<80x128xi32, #tpu.memory_space<hbm>>
      %dma_wait3A_17 = arith.constant 0 : i32
      %dma_wait3A_18 = arith.constant 0 : i32
      %dma_wait3A_19 = tpu.memref_slice %arg3[%add3A, %dma_wait3A_17, %dma_wait3A_18] : memref<32x80x128xi32, #tpu.memory_space<hbm>> -> memref<1x80x128xi32, #tpu.memory_space<hbm>>
      %dma_wait3A_20 = tpu.memref_squeeze %dma_wait3A_19 : memref<1x80x128xi32, #tpu.memory_space<hbm>> -> memref<80x128xi32, #tpu.memory_space<hbm>>
      tpu.wait_dma2 semaphore(%run_scoped3A : memref<!tpu.dma_semaphore, #tpu.memory_space<semaphore_mem>>) src(%dma_wait3A_20 : memref<80x128xi32, #tpu.memory_space<hbm>>) dst(%arg7 : memref<80x128xi32, #tpu.memory_space<vmem>>)
      tpu.yield
    }) : () -> ()
    "tpu.region"() ({
      %run_scoped3A = tpu.sem_alloc : memref<!tpu.dma_semaphore, #tpu.memory_space<semaphore_mem>>
      %dma_start3A = arith.constant 0 : i32
      %dma_start3A_7 = arith.constant 0 : i32
      %dma_start3A_8 = tpu.memref_slice %arg4[%add3A, %dma_start3A, %dma_start3A_7] : memref<32x80x128xi32, #tpu.memory_space<hbm>> -> memref<1x80x128xi32, #tpu.memory_space<hbm>>
      %dma_start3A_9 = tpu.memref_squeeze %dma_start3A_8 : memref<1x80x128xi32, #tpu.memory_space<hbm>> -> memref<80x128xi32, #tpu.memory_space<hbm>>
      %dma_start3A_10 = arith.constant 0 : i32
      %dma_start3A_11 = arith.constant 0 : i32
      %dma_start3A_12 = tpu.memref_slice %arg4[%add3A, %dma_start3A_10, %dma_start3A_11] : memref<32x80x128xi32, #tpu.memory_space<hbm>> -> memref<1x80x128xi32, #tpu.memory_space<hbm>>
      %dma_start3A_13 = tpu.memref_squeeze %dma_start3A_12 : memref<1x80x128xi32, #tpu.memory_space<hbm>> -> memref<80x128xi32, #tpu.memory_space<hbm>>
      tpu.enqueue_dma source(%dma_start3A_13 : memref<80x128xi32, #tpu.memory_space<hbm>>) target(%arg8 : memref<80x128xi32, #tpu.memory_space<vmem>>) target_semaphore(%run_scoped3A : memref<!tpu.dma_semaphore, #tpu.memory_space<semaphore_mem>>)
      %dma_wait3A = arith.constant 0 : i32
      %dma_wait3A_14 = arith.constant 0 : i32
      %dma_wait3A_15 = tpu.memref_slice %arg4[%add3A, %dma_wait3A, %dma_wait3A_14] : memref<32x80x128xi32, #tpu.memory_space<hbm>> -> memref<1x80x128xi32, #tpu.memory_space<hbm>>
      %dma_wait3A_16 = tpu.memref_squeeze %dma_wait3A_15 : memref<1x80x128xi32, #tpu.memory_space<hbm>> -> memref<80x128xi32, #tpu.memory_space<hbm>>
      %dma_wait3A_17 = arith.constant 0 : i32
      %dma_wait3A_18 = arith.constant 0 : i32
      %dma_wait3A_19 = tpu.memref_slice %arg4[%add3A, %dma_wait3A_17, %dma_wait3A_18] : memref<32x80x128xi32, #tpu.memory_space<hbm>> -> memref<1x80x128xi32, #tpu.memory_space<hbm>>
      %dma_wait3A_20 = tpu.memref_squeeze %dma_wait3A_19 : memref<1x80x128xi32, #tpu.memory_space<hbm>> -> memref<80x128xi32, #tpu.memory_space<hbm>>
      tpu.wait_dma2 semaphore(%run_scoped3A : memref<!tpu.dma_semaphore, #tpu.memory_space<semaphore_mem>>) src(%dma_wait3A_20 : memref<80x128xi32, #tpu.memory_space<hbm>>) dst(%arg8 : memref<80x128xi32, #tpu.memory_space<vmem>>)
      tpu.yield
    }) : () -> ()
    %scan3A = arith.constant 0 : i32
    %scan3A_1 = arith.constant 0 : i32
    %scan3A_2 = arith.constant 12 : i32
    %scan3A_3 = arith.addi %scan3A_1, %scan3A_2 : i32
    %scan3A_4 = arith.constant 1 : i32
    %scan3A_5 = scf.for %scan3A_7 = %scan3A_1 to %scan3A_3 step %scan3A_4 iter_args(%scan3A_8 = %scan3A) -> (i32)  : i32 {
      %mul3A_9 = arith.constant 10240 : i32
      %mul3A_10 = arith.muli %scan3A_7, %mul3A_9 : i32
      %mul3A_11 = arith.constant 640 : i32
      %mul3A_12 = arith.muli %arg1, %mul3A_11 : i32
      %add3A_13 = arith.addi %mul3A_10, %mul3A_12 : i32
      %mul3A_14 = arith.constant 640 : i32
      %mul3A_15 = arith.muli %arg1, %mul3A_14 : i32
      %dma_start3A = arith.constant 0 : i32
      %dma_start3A_16 = tpu.memref_slice %arg11[%mul3A_15, %dma_start3A] : memref<10240x64xf32, #tpu.memory_space<vmem_shared>> -> memref<640x64xf32, #tpu.memory_space<vmem_shared>>
      %dma_start3A_17 = arith.constant 0 : i32
      %dma_start3A_18 = tpu.memref_slice %arg2[%add3A_13, %dma_start3A_17] : memref<122880x128xf32, #tpu.memory_space<hbm>> -> memref<640x64xf32, #tpu.memory_space<hbm>>
      tpu.enqueue_dma source(%dma_start3A_18 : memref<640x64xf32, #tpu.memory_space<hbm>>) target(%dma_start3A_16 : memref<640x64xf32, #tpu.memory_space<vmem_shared>>) target_semaphore(%arg13 : memref<!tpu.dma_semaphore, #tpu.memory_space<semaphore_mem>>)
      %mul3A_19 = arith.constant 640 : i32
      %mul3A_20 = arith.muli %arg1, %mul3A_19 : i32
      %dma_start3A_21 = arith.constant 0 : i32
      %dma_start3A_22 = tpu.memref_slice %arg12[%mul3A_20, %dma_start3A_21] : memref<10240x64xf32, #tpu.memory_space<vmem_shared>> -> memref<640x64xf32, #tpu.memory_space<vmem_shared>>
      %dma_start3A_23 = arith.constant 0 : i32
      %dma_start3A_24 = arith.constant 0 : i32
      %dma_start3A_25 = tpu.memref_slice %arg5[%dma_start3A_23, %dma_start3A_24] : memref<640x128xf32, #tpu.memory_space<hbm>> -> memref<640x64xf32, #tpu.memory_space<hbm>>
      tpu.enqueue_dma source(%dma_start3A_25 : memref<640x64xf32, #tpu.memory_space<hbm>>) target(%dma_start3A_22 : memref<640x64xf32, #tpu.memory_space<vmem_shared>>) target_semaphore(%arg14 : memref<!tpu.dma_semaphore, #tpu.memory_space<semaphore_mem>>)
      %mul3A_26 = arith.constant 10240 : i32
      %mul3A_27 = arith.muli %scan3A_7, %mul3A_26 : i32
      %mul3A_28 = arith.constant 640 : i32
      %mul3A_29 = arith.muli %arg1, %mul3A_28 : i32
      %add3A_30 = arith.addi %mul3A_27, %mul3A_29 : i32
      %mul3A_31 = arith.constant 640 : i32
      %mul3A_32 = arith.muli %arg1, %mul3A_31 : i32
      %dma_wait3A = arith.constant 0 : i32
      %dma_wait3A_33 = tpu.memref_slice %arg11[%mul3A_32, %dma_wait3A] : memref<10240x64xf32, #tpu.memory_space<vmem_shared>> -> memref<640x64xf32, #tpu.memory_space<vmem_shared>>
      %dma_wait3A_34 = arith.constant 0 : i32
      %dma_wait3A_35 = tpu.memref_slice %arg2[%add3A_30, %dma_wait3A_34] : memref<122880x128xf32, #tpu.memory_space<hbm>> -> memref<640x64xf32, #tpu.memory_space<hbm>>
      tpu.wait_dma2 semaphore(%arg13 : memref<!tpu.dma_semaphore, #tpu.memory_space<semaphore_mem>>) src(%dma_wait3A_35 : memref<640x64xf32, #tpu.memory_space<hbm>>) dst(%dma_wait3A_33 : memref<640x64xf32, #tpu.memory_space<vmem_shared>>)
      %mul3A_36 = arith.constant 640 : i32
      %mul3A_37 = arith.muli %arg1, %mul3A_36 : i32
      %dma_wait3A_38 = arith.constant 0 : i32
      %dma_wait3A_39 = tpu.memref_slice %arg12[%mul3A_37, %dma_wait3A_38] : memref<10240x64xf32, #tpu.memory_space<vmem_shared>> -> memref<640x64xf32, #tpu.memory_space<vmem_shared>>
      %dma_wait3A_40 = arith.constant 0 : i32
      %dma_wait3A_41 = arith.constant 0 : i32
      %dma_wait3A_42 = tpu.memref_slice %arg5[%dma_wait3A_40, %dma_wait3A_41] : memref<640x128xf32, #tpu.memory_space<hbm>> -> memref<640x64xf32, #tpu.memory_space<hbm>>
      tpu.wait_dma2 semaphore(%arg14 : memref<!tpu.dma_semaphore, #tpu.memory_space<semaphore_mem>>) src(%dma_wait3A_42 : memref<640x64xf32, #tpu.memory_space<hbm>>) dst(%dma_wait3A_39 : memref<640x64xf32, #tpu.memory_space<vmem_shared>>)
      %barrier3A = arith.constant 0 : index
      tpu.barrier barrier_id(%barrier3A)
      %dma_start3A_43 = arith.constant 0 : i32
      %dma_start3A_44 = arith.constant 0 : i32
      %dma_start3A_45 = tpu.memref_slice %arg7[%dma_start3A_43, %dma_start3A_44] : memref<80x128xi32, #tpu.memory_space<vmem>> -> memref<1x128xi32, #tpu.memory_space<vmem>>
      %dma_start3A_46 = tpu.memref_squeeze %dma_start3A_45 : memref<1x128xi32, #tpu.memory_space<vmem>> -> memref<128xi32, #tpu.memory_space<vmem>>
      %dma_start3A_47 = arith.constant 0 : i32
      %dma_start3A_48 = arith.constant 0 : i32
      %dma_start3A_49 = tpu.memref_slice %arg11[%dma_start3A_47, %dma_start3A_48] : memref<10240x64xf32, #tpu.memory_space<vmem_shared>> -> memref<10240x64xf32, #tpu.memory_space<vmem_shared>>
      tpu.enqueue_indirect_dma source(%dma_start3A_49 : memref<10240x64xf32, #tpu.memory_space<vmem_shared>>) target(%arg9 : memref<128x64xf32, #tpu.memory_space<vmem>>) offsets(%dma_start3A_46 : memref<128xi32, #tpu.memory_space<vmem>>) semaphore(%arg13 : memref<!tpu.dma_semaphore, #tpu.memory_space<semaphore_mem>>)
      %scan3A_50 = arith.constant 0 : i32
      %scan3A_51 = arith.constant 0 : i32
      %scan3A_52 = arith.constant 40 : i32
      %scan3A_53 = arith.addi %scan3A_51, %scan3A_52 : i32
      %scan3A_54 = arith.constant 1 : i32
      %scan3A_55 = scf.for %scan3A_119 = %scan3A_51 to %scan3A_53 step %scan3A_54 iter_args(%scan3A_120 = %scan3A_50) -> (i32)  : i32 {
        %mul3A_121 = arith.constant 2 : i32
        %mul3A_122 = arith.muli %mul3A_121, %scan3A_119 : i32
        %add3A_123 = arith.constant 1 : i32
        %add3A_124 = arith.addi %mul3A_122, %add3A_123 : i32
        %dma_start3A_125 = arith.constant 0 : i32
        %dma_start3A_126 = tpu.memref_slice %arg7[%add3A_124, %dma_start3A_125] : memref<80x128xi32, #tpu.memory_space<vmem>> -> memref<1x128xi32, #tpu.memory_space<vmem>>
        %dma_start3A_127 = tpu.memref_squeeze %dma_start3A_126 : memref<1x128xi32, #tpu.memory_space<vmem>> -> memref<128xi32, #tpu.memory_space<vmem>>
        %dma_start3A_128 = arith.constant 0 : i32
        %dma_start3A_129 = arith.constant 0 : i32
        %dma_start3A_130 = tpu.memref_slice %arg11[%dma_start3A_128, %dma_start3A_129] : memref<10240x64xf32, #tpu.memory_space<vmem_shared>> -> memref<10240x64xf32, #tpu.memory_space<vmem_shared>>
        tpu.enqueue_indirect_dma source(%dma_start3A_130 : memref<10240x64xf32, #tpu.memory_space<vmem_shared>>) target(%arg10 : memref<128x64xf32, #tpu.memory_space<vmem>>) offsets(%dma_start3A_127 : memref<128xi32, #tpu.memory_space<vmem>>) semaphore(%arg14 : memref<!tpu.dma_semaphore, #tpu.memory_space<semaphore_mem>>)
        %dma_wait3A_131 = arith.constant 0 : i32
        %dma_wait3A_132 = tpu.memref_slice %arg7[%mul3A_122, %dma_wait3A_131] : memref<80x128xi32, #tpu.memory_space<vmem>> -> memref<1x128xi32, #tpu.memory_space<vmem>>
        %dma_wait3A_133 = tpu.memref_squeeze %dma_wait3A_132 : memref<1x128xi32, #tpu.memory_space<vmem>> -> memref<128xi32, #tpu.memory_space<vmem>>
        %dma_wait3A_134 = arith.constant 0 : i32
        %dma_wait3A_135 = arith.constant 0 : i32
        %dma_wait3A_136 = tpu.memref_slice %arg11[%dma_wait3A_134, %dma_wait3A_135] : memref<10240x64xf32, #tpu.memory_space<vmem_shared>> -> memref<10240x64xf32, #tpu.memory_space<vmem_shared>>
        tpu.wait_indirect_dma semaphore(%arg13 : memref<!tpu.dma_semaphore, #tpu.memory_space<semaphore_mem>>) src(%dma_wait3A_136 : memref<10240x64xf32, #tpu.memory_space<vmem_shared>>) dst(%arg9 : memref<128x64xf32, #tpu.memory_space<vmem>>)
        "tpu.region"() ({
          %run_scoped3A = tpu.sem_alloc : memref<!tpu.dma_semaphore, #tpu.memory_space<semaphore_mem>>
          %dma_start3A_146 = arith.constant 0 : i32
          %dma_start3A_147 = tpu.memref_slice %arg8[%mul3A_122, %dma_start3A_146] : memref<80x128xi32, #tpu.memory_space<vmem>> -> memref<1x128xi32, #tpu.memory_space<vmem>>
          %dma_start3A_148 = tpu.memref_squeeze %dma_start3A_147 : memref<1x128xi32, #tpu.memory_space<vmem>> -> memref<128xi32, #tpu.memory_space<vmem>>
          %dma_start3A_149 = arith.constant 0 : i32
          %dma_start3A_150 = arith.constant 0 : i32
          %dma_start3A_151 = tpu.memref_slice %arg12[%dma_start3A_149, %dma_start3A_150] : memref<10240x64xf32, #tpu.memory_space<vmem_shared>> -> memref<10240x64xf32, #tpu.memory_space<vmem_shared>>
          tpu.enqueue_indirect_dma source(%arg9 : memref<128x64xf32, #tpu.memory_space<vmem>>) target(%dma_start3A_151 : memref<10240x64xf32, #tpu.memory_space<vmem_shared>>) offsets(%dma_start3A_148 : memref<128xi32, #tpu.memory_space<vmem>>) semaphore(%run_scoped3A : memref<!tpu.dma_semaphore, #tpu.memory_space<semaphore_mem>>) {add = true}
          %dma_wait3A_152 = arith.constant 0 : i32
          %dma_wait3A_153 = tpu.memref_slice %arg8[%mul3A_122, %dma_wait3A_152] : memref<80x128xi32, #tpu.memory_space<vmem>> -> memref<1x128xi32, #tpu.memory_space<vmem>>
          %dma_wait3A_154 = tpu.memref_squeeze %dma_wait3A_153 : memref<1x128xi32, #tpu.memory_space<vmem>> -> memref<128xi32, #tpu.memory_space<vmem>>
          %dma_wait3A_155 = arith.constant 0 : i32
          %dma_wait3A_156 = arith.constant 0 : i32
          %dma_wait3A_157 = tpu.memref_slice %arg12[%dma_wait3A_155, %dma_wait3A_156] : memref<10240x64xf32, #tpu.memory_space<vmem_shared>> -> memref<10240x64xf32, #tpu.memory_space<vmem_shared>>
          tpu.wait_indirect_dma semaphore(%run_scoped3A : memref<!tpu.dma_semaphore, #tpu.memory_space<semaphore_mem>>) src(%arg9 : memref<128x64xf32, #tpu.memory_space<vmem>>) dst(%dma_wait3A_157 : memref<10240x64xf32, #tpu.memory_space<vmem_shared>>)
          tpu.yield
        }) : () -> ()
        %lt3A = arith.constant 39 : i32
        %lt3A_137 = arith.cmpi slt, %scan3A_119, %lt3A : i32
        %convert_element_type3A = arith.extui %lt3A_137 : i1 to i32
        %cond3A = arith.constant 0 : i32
        %cond3A_138 = arith.cmpi ne, %convert_element_type3A, %cond3A : i32
        scf.if %cond3A_138 {
          %add3A_146 = arith.constant 2 : i32
          %add3A_147 = arith.addi %mul3A_122, %add3A_146 : i32
          %dma_start3A_148 = arith.constant 0 : i32
          %dma_start3A_149 = tpu.memref_slice %arg7[%add3A_147, %dma_start3A_148] : memref<80x128xi32, #tpu.memory_space<vmem>> -> memref<1x128xi32, #tpu.memory_space<vmem>>
          %dma_start3A_150 = tpu.memref_squeeze %dma_start3A_149 : memref<1x128xi32, #tpu.memory_space<vmem>> -> memref<128xi32, #tpu.memory_space<vmem>>
          %dma_start3A_151 = arith.constant 0 : i32
          %dma_start3A_152 = arith.constant 0 : i32
          %dma_start3A_153 = tpu.memref_slice %arg11[%dma_start3A_151, %dma_start3A_152] : memref<10240x64xf32, #tpu.memory_space<vmem_shared>> -> memref<10240x64xf32, #tpu.memory_space<vmem_shared>>
          tpu.enqueue_indirect_dma source(%dma_start3A_153 : memref<10240x64xf32, #tpu.memory_space<vmem_shared>>) target(%arg9 : memref<128x64xf32, #tpu.memory_space<vmem>>) offsets(%dma_start3A_150 : memref<128xi32, #tpu.memory_space<vmem>>) semaphore(%arg13 : memref<!tpu.dma_semaphore, #tpu.memory_space<semaphore_mem>>)
        } else {
        }
        %dma_wait3A_139 = arith.constant 0 : i32
        %dma_wait3A_140 = tpu.memref_slice %arg7[%add3A_124, %dma_wait3A_139] : memref<80x128xi32, #tpu.memory_space<vmem>> -> memref<1x128xi32, #tpu.memory_space<vmem>>
        %dma_wait3A_141 = tpu.memref_squeeze %dma_wait3A_140 : memref<1x128xi32, #tpu.memory_space<vmem>> -> memref<128xi32, #tpu.memory_space<vmem>>
        %dma_wait3A_142 = arith.constant 0 : i32
        %dma_wait3A_143 = arith.constant 0 : i32
        %dma_wait3A_144 = tpu.memref_slice %arg11[%dma_wait3A_142, %dma_wait3A_143] : memref<10240x64xf32, #tpu.memory_space<vmem_shared>> -> memref<10240x64xf32, #tpu.memory_space<vmem_shared>>
        tpu.wait_indirect_dma semaphore(%arg14 : memref<!tpu.dma_semaphore, #tpu.memory_space<semaphore_mem>>) src(%dma_wait3A_144 : memref<10240x64xf32, #tpu.memory_space<vmem_shared>>) dst(%arg10 : memref<128x64xf32, #tpu.memory_space<vmem>>)
        "tpu.region"() ({
          %run_scoped3A = tpu.sem_alloc : memref<!tpu.dma_semaphore, #tpu.memory_space<semaphore_mem>>
          %dma_start3A_146 = arith.constant 0 : i32
          %dma_start3A_147 = tpu.memref_slice %arg8[%add3A_124, %dma_start3A_146] : memref<80x128xi32, #tpu.memory_space<vmem>> -> memref<1x128xi32, #tpu.memory_space<vmem>>
          %dma_start3A_148 = tpu.memref_squeeze %dma_start3A_147 : memref<1x128xi32, #tpu.memory_space<vmem>> -> memref<128xi32, #tpu.memory_space<vmem>>
          %dma_start3A_149 = arith.constant 0 : i32
          %dma_start3A_150 = arith.constant 0 : i32
          %dma_start3A_151 = tpu.memref_slice %arg12[%dma_start3A_149, %dma_start3A_150] : memref<10240x64xf32, #tpu.memory_space<vmem_shared>> -> memref<10240x64xf32, #tpu.memory_space<vmem_shared>>
          tpu.enqueue_indirect_dma source(%arg10 : memref<128x64xf32, #tpu.memory_space<vmem>>) target(%dma_start3A_151 : memref<10240x64xf32, #tpu.memory_space<vmem_shared>>) offsets(%dma_start3A_148 : memref<128xi32, #tpu.memory_space<vmem>>) semaphore(%run_scoped3A : memref<!tpu.dma_semaphore, #tpu.memory_space<semaphore_mem>>) {add = true}
          %dma_wait3A_152 = arith.constant 0 : i32
          %dma_wait3A_153 = tpu.memref_slice %arg8[%add3A_124, %dma_wait3A_152] : memref<80x128xi32, #tpu.memory_space<vmem>> -> memref<1x128xi32, #tpu.memory_space<vmem>>
          %dma_wait3A_154 = tpu.memref_squeeze %dma_wait3A_153 : memref<1x128xi32, #tpu.memory_space<vmem>> -> memref<128xi32, #tpu.memory_space<vmem>>
          %dma_wait3A_155 = arith.constant 0 : i32
          %dma_wait3A_156 = arith.constant 0 : i32
          %dma_wait3A_157 = tpu.memref_slice %arg12[%dma_wait3A_155, %dma_wait3A_156] : memref<10240x64xf32, #tpu.memory_space<vmem_shared>> -> memref<10240x64xf32, #tpu.memory_space<vmem_shared>>
          tpu.wait_indirect_dma semaphore(%run_scoped3A : memref<!tpu.dma_semaphore, #tpu.memory_space<semaphore_mem>>) src(%arg10 : memref<128x64xf32, #tpu.memory_space<vmem>>) dst(%dma_wait3A_157 : memref<10240x64xf32, #tpu.memory_space<vmem_shared>>)
          tpu.yield
        }) : () -> ()
        %scan3A_145 = arith.constant 0 : i32
        scf.yield %scan3A_145 : i32
      }
      %scan3A_56 = arith.constant 40 : i32
      %barrier3A_57 = arith.constant 0 : index
      tpu.barrier barrier_id(%barrier3A_57)
      %mul3A_58 = arith.constant 640 : i32
      %mul3A_59 = arith.muli %arg1, %mul3A_58 : i32
      %mul3A_60 = arith.constant 640 : i32
      %mul3A_61 = arith.muli %arg1, %mul3A_60 : i32
      "tpu.region"() ({
        %run_scoped3A = tpu.sem_alloc : memref<!tpu.dma_semaphore, #tpu.memory_space<semaphore_mem>>
        %dma_start3A_119 = arith.constant 0 : i32
        %dma_start3A_120 = tpu.memref_slice %arg6[%arg0, %scan3A_7, %mul3A_61, %dma_start3A_119] : memref<2x12x10240x128xf32, #tpu.memory_space<hbm>> -> memref<1x1x640x64xf32, #tpu.memory_space<hbm>>
        %dma_start3A_121 = tpu.memref_squeeze %dma_start3A_120 : memref<1x1x640x64xf32, #tpu.memory_space<hbm>> -> memref<640x64xf32, #tpu.memory_space<hbm>>
        %dma_start3A_122 = arith.constant 0 : i32
        %dma_start3A_123 = tpu.memref_slice %arg12[%mul3A_59, %dma_start3A_122] : memref<10240x64xf32, #tpu.memory_space<vmem_shared>> -> memref<640x64xf32, #tpu.memory_space<vmem_shared>>
        tpu.enqueue_dma source(%dma_start3A_123 : memref<640x64xf32, #tpu.memory_space<vmem_shared>>) target(%dma_start3A_121 : memref<640x64xf32, #tpu.memory_space<hbm>>) target_semaphore(%run_scoped3A : memref<!tpu.dma_semaphore, #tpu.memory_space<semaphore_mem>>)
        %dma_wait3A_124 = arith.constant 0 : i32
        %dma_wait3A_125 = tpu.memref_slice %arg6[%arg0, %scan3A_7, %mul3A_61, %dma_wait3A_124] : memref<2x12x10240x128xf32, #tpu.memory_space<hbm>> -> memref<1x1x640x64xf32, #tpu.memory_space<hbm>>
        %dma_wait3A_126 = tpu.memref_squeeze %dma_wait3A_125 : memref<1x1x640x64xf32, #tpu.memory_space<hbm>> -> memref<640x64xf32, #tpu.memory_space<hbm>>
        %dma_wait3A_127 = arith.constant 0 : i32
        %dma_wait3A_128 = tpu.memref_slice %arg12[%mul3A_59, %dma_wait3A_127] : memref<10240x64xf32, #tpu.memory_space<vmem_shared>> -> memref<640x64xf32, #tpu.memory_space<vmem_shared>>
        tpu.wait_dma2 semaphore(%run_scoped3A : memref<!tpu.dma_semaphore, #tpu.memory_space<semaphore_mem>>) src(%dma_wait3A_128 : memref<640x64xf32, #tpu.memory_space<vmem_shared>>) dst(%dma_wait3A_126 : memref<640x64xf32, #tpu.memory_space<hbm>>)
        tpu.yield
      }) : () -> ()
      %mul3A_62 = arith.constant 10240 : i32
      %mul3A_63 = arith.muli %scan3A_7, %mul3A_62 : i32
      %mul3A_64 = arith.constant 640 : i32
      %mul3A_65 = arith.muli %arg1, %mul3A_64 : i32
      %add3A_66 = arith.addi %mul3A_63, %mul3A_65 : i32
      %mul3A_67 = arith.constant 640 : i32
      %mul3A_68 = arith.muli %arg1, %mul3A_67 : i32
      %dma_start3A_69 = arith.constant 0 : i32
      %dma_start3A_70 = tpu.memref_slice %arg11[%mul3A_68, %dma_start3A_69] : memref<10240x64xf32, #tpu.memory_space<vmem_shared>> -> memref<640x64xf32, #tpu.memory_space<vmem_shared>>
      %dma_start3A_71 = arith.constant 64 : i32
      %dma_start3A_72 = tpu.memref_slice %arg2[%add3A_66, %dma_start3A_71] : memref<122880x128xf32, #tpu.memory_space<hbm>> -> memref<640x64xf32, #tpu.memory_space<hbm>>
      tpu.enqueue_dma source(%dma_start3A_72 : memref<640x64xf32, #tpu.memory_space<hbm>>) target(%dma_start3A_70 : memref<640x64xf32, #tpu.memory_space<vmem_shared>>) target_semaphore(%arg13 : memref<!tpu.dma_semaphore, #tpu.memory_space<semaphore_mem>>)
      %mul3A_73 = arith.constant 640 : i32
      %mul3A_74 = arith.muli %arg1, %mul3A_73 : i32
      %dma_start3A_75 = arith.constant 0 : i32
      %dma_start3A_76 = tpu.memref_slice %arg12[%mul3A_74, %dma_start3A_75] : memref<10240x64xf32, #tpu.memory_space<vmem_shared>> -> memref<640x64xf32, #tpu.memory_space<vmem_shared>>
      %dma_start3A_77 = arith.constant 0 : i32
      %dma_start3A_78 = arith.constant 0 : i32
      %dma_start3A_79 = tpu.memref_slice %arg5[%dma_start3A_77, %dma_start3A_78] : memref<640x128xf32, #tpu.memory_space<hbm>> -> memref<640x64xf32, #tpu.memory_space<hbm>>
      tpu.enqueue_dma source(%dma_start3A_79 : memref<640x64xf32, #tpu.memory_space<hbm>>) target(%dma_start3A_76 : memref<640x64xf32, #tpu.memory_space<vmem_shared>>) target_semaphore(%arg14 : memref<!tpu.dma_semaphore, #tpu.memory_space<semaphore_mem>>)
      %mul3A_80 = arith.constant 10240 : i32
      %mul3A_81 = arith.muli %scan3A_7, %mul3A_80 : i32
      %mul3A_82 = arith.constant 640 : i32
      %mul3A_83 = arith.muli %arg1, %mul3A_82 : i32
      %add3A_84 = arith.addi %mul3A_81, %mul3A_83 : i32
      %mul3A_85 = arith.constant 640 : i32
      %mul3A_86 = arith.muli %arg1, %mul3A_85 : i32
      %dma_wait3A_87 = arith.constant 0 : i32
      %dma_wait3A_88 = tpu.memref_slice %arg11[%mul3A_86, %dma_wait3A_87] : memref<10240x64xf32, #tpu.memory_space<vmem_shared>> -> memref<640x64xf32, #tpu.memory_space<vmem_shared>>
      %dma_wait3A_89 = arith.constant 64 : i32
      %dma_wait3A_90 = tpu.memref_slice %arg2[%add3A_84, %dma_wait3A_89] : memref<122880x128xf32, #tpu.memory_space<hbm>> -> memref<640x64xf32, #tpu.memory_space<hbm>>
      tpu.wait_dma2 semaphore(%arg13 : memref<!tpu.dma_semaphore, #tpu.memory_space<semaphore_mem>>) src(%dma_wait3A_90 : memref<640x64xf32, #tpu.memory_space<hbm>>) dst(%dma_wait3A_88 : memref<640x64xf32, #tpu.memory_space<vmem_shared>>)
      %mul3A_91 = arith.constant 640 : i32
      %mul3A_92 = arith.muli %arg1, %mul3A_91 : i32
      %dma_wait3A_93 = arith.constant 0 : i32
      %dma_wait3A_94 = tpu.memref_slice %arg12[%mul3A_92, %dma_wait3A_93] : memref<10240x64xf32, #tpu.memory_space<vmem_shared>> -> memref<640x64xf32, #tpu.memory_space<vmem_shared>>
      %dma_wait3A_95 = arith.constant 0 : i32
      %dma_wait3A_96 = arith.constant 0 : i32
      %dma_wait3A_97 = tpu.memref_slice %arg5[%dma_wait3A_95, %dma_wait3A_96] : memref<640x128xf32, #tpu.memory_space<hbm>> -> memref<640x64xf32, #tpu.memory_space<hbm>>
      tpu.wait_dma2 semaphore(%arg14 : memref<!tpu.dma_semaphore, #tpu.memory_space<semaphore_mem>>) src(%dma_wait3A_97 : memref<640x64xf32, #tpu.memory_space<hbm>>) dst(%dma_wait3A_94 : memref<640x64xf32, #tpu.memory_space<vmem_shared>>)
      %barrier3A_98 = arith.constant 0 : index
      tpu.barrier barrier_id(%barrier3A_98)
      %dma_start3A_99 = arith.constant 0 : i32
      %dma_start3A_100 = arith.constant 0 : i32
      %dma_start3A_101 = tpu.memref_slice %arg7[%dma_start3A_99, %dma_start3A_100] : memref<80x128xi32, #tpu.memory_space<vmem>> -> memref<1x128xi32, #tpu.memory_space<vmem>>
      %dma_start3A_102 = tpu.memref_squeeze %dma_start3A_101 : memref<1x128xi32, #tpu.memory_space<vmem>> -> memref<128xi32, #tpu.memory_space<vmem>>
      %dma_start3A_103 = arith.constant 0 : i32
      %dma_start3A_104 = arith.constant 0 : i32
      %dma_start3A_105 = tpu.memref_slice %arg11[%dma_start3A_103, %dma_start3A_104] : memref<10240x64xf32, #tpu.memory_space<vmem_shared>> -> memref<10240x64xf32, #tpu.memory_space<vmem_shared>>
      tpu.enqueue_indirect_dma source(%dma_start3A_105 : memref<10240x64xf32, #tpu.memory_space<vmem_shared>>) target(%arg9 : memref<128x64xf32, #tpu.memory_space<vmem>>) offsets(%dma_start3A_102 : memref<128xi32, #tpu.memory_space<vmem>>) semaphore(%arg13 : memref<!tpu.dma_semaphore, #tpu.memory_space<semaphore_mem>>)
      %scan3A_106 = arith.constant 0 : i32
      %scan3A_107 = arith.constant 0 : i32
      %scan3A_108 = arith.constant 40 : i32
      %scan3A_109 = arith.addi %scan3A_107, %scan3A_108 : i32
      %scan3A_110 = arith.constant 1 : i32
      %scan3A_111 = scf.for %scan3A_119 = %scan3A_107 to %scan3A_109 step %scan3A_110 iter_args(%scan3A_120 = %scan3A_106) -> (i32)  : i32 {
        %mul3A_121 = arith.constant 2 : i32
        %mul3A_122 = arith.muli %mul3A_121, %scan3A_119 : i32
        %add3A_123 = arith.constant 1 : i32
        %add3A_124 = arith.addi %mul3A_122, %add3A_123 : i32
        %dma_start3A_125 = arith.constant 0 : i32
        %dma_start3A_126 = tpu.memref_slice %arg7[%add3A_124, %dma_start3A_125] : memref<80x128xi32, #tpu.memory_space<vmem>> -> memref<1x128xi32, #tpu.memory_space<vmem>>
        %dma_start3A_127 = tpu.memref_squeeze %dma_start3A_126 : memref<1x128xi32, #tpu.memory_space<vmem>> -> memref<128xi32, #tpu.memory_space<vmem>>
        %dma_start3A_128 = arith.constant 0 : i32
        %dma_start3A_129 = arith.constant 0 : i32
        %dma_start3A_130 = tpu.memref_slice %arg11[%dma_start3A_128, %dma_start3A_129] : memref<10240x64xf32, #tpu.memory_space<vmem_shared>> -> memref<10240x64xf32, #tpu.memory_space<vmem_shared>>
        tpu.enqueue_indirect_dma source(%dma_start3A_130 : memref<10240x64xf32, #tpu.memory_space<vmem_shared>>) target(%arg10 : memref<128x64xf32, #tpu.memory_space<vmem>>) offsets(%dma_start3A_127 : memref<128xi32, #tpu.memory_space<vmem>>) semaphore(%arg14 : memref<!tpu.dma_semaphore, #tpu.memory_space<semaphore_mem>>)
        %dma_wait3A_131 = arith.constant 0 : i32
        %dma_wait3A_132 = tpu.memref_slice %arg7[%mul3A_122, %dma_wait3A_131] : memref<80x128xi32, #tpu.memory_space<vmem>> -> memref<1x128xi32, #tpu.memory_space<vmem>>
        %dma_wait3A_133 = tpu.memref_squeeze %dma_wait3A_132 : memref<1x128xi32, #tpu.memory_space<vmem>> -> memref<128xi32, #tpu.memory_space<vmem>>
        %dma_wait3A_134 = arith.constant 0 : i32
        %dma_wait3A_135 = arith.constant 0 : i32
        %dma_wait3A_136 = tpu.memref_slice %arg11[%dma_wait3A_134, %dma_wait3A_135] : memref<10240x64xf32, #tpu.memory_space<vmem_shared>> -> memref<10240x64xf32, #tpu.memory_space<vmem_shared>>
        tpu.wait_indirect_dma semaphore(%arg13 : memref<!tpu.dma_semaphore, #tpu.memory_space<semaphore_mem>>) src(%dma_wait3A_136 : memref<10240x64xf32, #tpu.memory_space<vmem_shared>>) dst(%arg9 : memref<128x64xf32, #tpu.memory_space<vmem>>)
        "tpu.region"() ({
          %run_scoped3A = tpu.sem_alloc : memref<!tpu.dma_semaphore, #tpu.memory_space<semaphore_mem>>
          %dma_start3A_146 = arith.constant 0 : i32
          %dma_start3A_147 = tpu.memref_slice %arg8[%mul3A_122, %dma_start3A_146] : memref<80x128xi32, #tpu.memory_space<vmem>> -> memref<1x128xi32, #tpu.memory_space<vmem>>
          %dma_start3A_148 = tpu.memref_squeeze %dma_start3A_147 : memref<1x128xi32, #tpu.memory_space<vmem>> -> memref<128xi32, #tpu.memory_space<vmem>>
          %dma_start3A_149 = arith.constant 0 : i32
          %dma_start3A_150 = arith.constant 0 : i32
          %dma_start3A_151 = tpu.memref_slice %arg12[%dma_start3A_149, %dma_start3A_150] : memref<10240x64xf32, #tpu.memory_space<vmem_shared>> -> memref<10240x64xf32, #tpu.memory_space<vmem_shared>>
          tpu.enqueue_indirect_dma source(%arg9 : memref<128x64xf32, #tpu.memory_space<vmem>>) target(%dma_start3A_151 : memref<10240x64xf32, #tpu.memory_space<vmem_shared>>) offsets(%dma_start3A_148 : memref<128xi32, #tpu.memory_space<vmem>>) semaphore(%run_scoped3A : memref<!tpu.dma_semaphore, #tpu.memory_space<semaphore_mem>>) {add = true}
          %dma_wait3A_152 = arith.constant 0 : i32
          %dma_wait3A_153 = tpu.memref_slice %arg8[%mul3A_122, %dma_wait3A_152] : memref<80x128xi32, #tpu.memory_space<vmem>> -> memref<1x128xi32, #tpu.memory_space<vmem>>
          %dma_wait3A_154 = tpu.memref_squeeze %dma_wait3A_153 : memref<1x128xi32, #tpu.memory_space<vmem>> -> memref<128xi32, #tpu.memory_space<vmem>>
          %dma_wait3A_155 = arith.constant 0 : i32
          %dma_wait3A_156 = arith.constant 0 : i32
          %dma_wait3A_157 = tpu.memref_slice %arg12[%dma_wait3A_155, %dma_wait3A_156] : memref<10240x64xf32, #tpu.memory_space<vmem_shared>> -> memref<10240x64xf32, #tpu.memory_space<vmem_shared>>
          tpu.wait_indirect_dma semaphore(%run_scoped3A : memref<!tpu.dma_semaphore, #tpu.memory_space<semaphore_mem>>) src(%arg9 : memref<128x64xf32, #tpu.memory_space<vmem>>) dst(%dma_wait3A_157 : memref<10240x64xf32, #tpu.memory_space<vmem_shared>>)
          tpu.yield
        }) : () -> ()
        %lt3A = arith.constant 39 : i32
        %lt3A_137 = arith.cmpi slt, %scan3A_119, %lt3A : i32
        %convert_element_type3A = arith.extui %lt3A_137 : i1 to i32
        %cond3A = arith.constant 0 : i32
        %cond3A_138 = arith.cmpi ne, %convert_element_type3A, %cond3A : i32
        scf.if %cond3A_138 {
          %add3A_146 = arith.constant 2 : i32
          %add3A_147 = arith.addi %mul3A_122, %add3A_146 : i32
          %dma_start3A_148 = arith.constant 0 : i32
          %dma_start3A_149 = tpu.memref_slice %arg7[%add3A_147, %dma_start3A_148] : memref<80x128xi32, #tpu.memory_space<vmem>> -> memref<1x128xi32, #tpu.memory_space<vmem>>
          %dma_start3A_150 = tpu.memref_squeeze %dma_start3A_149 : memref<1x128xi32, #tpu.memory_space<vmem>> -> memref<128xi32, #tpu.memory_space<vmem>>
          %dma_start3A_151 = arith.constant 0 : i32
          %dma_start3A_152 = arith.constant 0 : i32
          %dma_start3A_153 = tpu.memref_slice %arg11[%dma_start3A_151, %dma_start3A_152] : memref<10240x64xf32, #tpu.memory_space<vmem_shared>> -> memref<10240x64xf32, #tpu.memory_space<vmem_shared>>
          tpu.enqueue_indirect_dma source(%dma_start3A_153 : memref<10240x64xf32, #tpu.memory_space<vmem_shared>>) target(%arg9 : memref<128x64xf32, #tpu.memory_space<vmem>>) offsets(%dma_start3A_150 : memref<128xi32, #tpu.memory_space<vmem>>) semaphore(%arg13 : memref<!tpu.dma_semaphore, #tpu.memory_space<semaphore_mem>>)
        } else {
        }
        %dma_wait3A_139 = arith.constant 0 : i32
        %dma_wait3A_140 = tpu.memref_slice %arg7[%add3A_124, %dma_wait3A_139] : memref<80x128xi32, #tpu.memory_space<vmem>> -> memref<1x128xi32, #tpu.memory_space<vmem>>
        %dma_wait3A_141 = tpu.memref_squeeze %dma_wait3A_140 : memref<1x128xi32, #tpu.memory_space<vmem>> -> memref<128xi32, #tpu.memory_space<vmem>>
        %dma_wait3A_142 = arith.constant 0 : i32
        %dma_wait3A_143 = arith.constant 0 : i32
        %dma_wait3A_144 = tpu.memref_slice %arg11[%dma_wait3A_142, %dma_wait3A_143] : memref<10240x64xf32, #tpu.memory_space<vmem_shared>> -> memref<10240x64xf32, #tpu.memory_space<vmem_shared>>
        tpu.wait_indirect_dma semaphore(%arg14 : memref<!tpu.dma_semaphore, #tpu.memory_space<semaphore_mem>>) src(%dma_wait3A_144 : memref<10240x64xf32, #tpu.memory_space<vmem_shared>>) dst(%arg10 : memref<128x64xf32, #tpu.memory_space<vmem>>)
        "tpu.region"() ({
          %run_scoped3A = tpu.sem_alloc : memref<!tpu.dma_semaphore, #tpu.memory_space<semaphore_mem>>
          %dma_start3A_146 = arith.constant 0 : i32
          %dma_start3A_147 = tpu.memref_slice %arg8[%add3A_124, %dma_start3A_146] : memref<80x128xi32, #tpu.memory_space<vmem>> -> memref<1x128xi32, #tpu.memory_space<vmem>>
          %dma_start3A_148 = tpu.memref_squeeze %dma_start3A_147 : memref<1x128xi32, #tpu.memory_space<vmem>> -> memref<128xi32, #tpu.memory_space<vmem>>
          %dma_start3A_149 = arith.constant 0 : i32
          %dma_start3A_150 = arith.constant 0 : i32
          %dma_start3A_151 = tpu.memref_slice %arg12[%dma_start3A_149, %dma_start3A_150] : memref<10240x64xf32, #tpu.memory_space<vmem_shared>> -> memref<10240x64xf32, #tpu.memory_space<vmem_shared>>
          tpu.enqueue_indirect_dma source(%arg10 : memref<128x64xf32, #tpu.memory_space<vmem>>) target(%dma_start3A_151 : memref<10240x64xf32, #tpu.memory_space<vmem_shared>>) offsets(%dma_start3A_148 : memref<128xi32, #tpu.memory_space<vmem>>) semaphore(%run_scoped3A : memref<!tpu.dma_semaphore, #tpu.memory_space<semaphore_mem>>) {add = true}
          %dma_wait3A_152 = arith.constant 0 : i32
          %dma_wait3A_153 = tpu.memref_slice %arg8[%add3A_124, %dma_wait3A_152] : memref<80x128xi32, #tpu.memory_space<vmem>> -> memref<1x128xi32, #tpu.memory_space<vmem>>
          %dma_wait3A_154 = tpu.memref_squeeze %dma_wait3A_153 : memref<1x128xi32, #tpu.memory_space<vmem>> -> memref<128xi32, #tpu.memory_space<vmem>>
          %dma_wait3A_155 = arith.constant 0 : i32
          %dma_wait3A_156 = arith.constant 0 : i32
          %dma_wait3A_157 = tpu.memref_slice %arg12[%dma_wait3A_155, %dma_wait3A_156] : memref<10240x64xf32, #tpu.memory_space<vmem_shared>> -> memref<10240x64xf32, #tpu.memory_space<vmem_shared>>
          tpu.wait_indirect_dma semaphore(%run_scoped3A : memref<!tpu.dma_semaphore, #tpu.memory_space<semaphore_mem>>) src(%arg10 : memref<128x64xf32, #tpu.memory_space<vmem>>) dst(%dma_wait3A_157 : memref<10240x64xf32, #tpu.memory_space<vmem_shared>>)
          tpu.yield
        }) : () -> ()
        %scan3A_145 = arith.constant 0 : i32
        scf.yield %scan3A_145 : i32
      }
      %scan3A_112 = arith.constant 40 : i32
      %barrier3A_113 = arith.constant 0 : index
      tpu.barrier barrier_id(%barrier3A_113)
      %mul3A_114 = arith.constant 640 : i32
      %mul3A_115 = arith.muli %arg1, %mul3A_114 : i32
      %mul3A_116 = arith.constant 640 : i32
      %mul3A_117 = arith.muli %arg1, %mul3A_116 : i32
      "tpu.region"() ({
        %run_scoped3A = tpu.sem_alloc : memref<!tpu.dma_semaphore, #tpu.memory_space<semaphore_mem>>
        %dma_start3A_119 = arith.constant 64 : i32
        %dma_start3A_120 = tpu.memref_slice %arg6[%arg0, %scan3A_7, %mul3A_117, %dma_start3A_119] : memref<2x12x10240x128xf32, #tpu.memory_space<hbm>> -> memref<1x1x640x64xf32, #tpu.memory_space<hbm>>
        %dma_start3A_121 = tpu.memref_squeeze %dma_start3A_120 : memref<1x1x640x64xf32, #tpu.memory_space<hbm>> -> memref<640x64xf32, #tpu.memory_space<hbm>>
        %dma_start3A_122 = arith.constant 0 : i32
        %dma_start3A_123 = tpu.memref_slice %arg12[%mul3A_115, %dma_start3A_122] : memref<10240x64xf32, #tpu.memory_space<vmem_shared>> -> memref<640x64xf32, #tpu.memory_space<vmem_shared>>
        tpu.enqueue_dma source(%dma_start3A_123 : memref<640x64xf32, #tpu.memory_space<vmem_shared>>) target(%dma_start3A_121 : memref<640x64xf32, #tpu.memory_space<hbm>>) target_semaphore(%run_scoped3A : memref<!tpu.dma_semaphore, #tpu.memory_space<semaphore_mem>>)
        %dma_wait3A_124 = arith.constant 64 : i32
        %dma_wait3A_125 = tpu.memref_slice %arg6[%arg0, %scan3A_7, %mul3A_117, %dma_wait3A_124] : memref<2x12x10240x128xf32, #tpu.memory_space<hbm>> -> memref<1x1x640x64xf32, #tpu.memory_space<hbm>>
        %dma_wait3A_126 = tpu.memref_squeeze %dma_wait3A_125 : memref<1x1x640x64xf32, #tpu.memory_space<hbm>> -> memref<640x64xf32, #tpu.memory_space<hbm>>
        %dma_wait3A_127 = arith.constant 0 : i32
        %dma_wait3A_128 = tpu.memref_slice %arg12[%mul3A_115, %dma_wait3A_127] : memref<10240x64xf32, #tpu.memory_space<vmem_shared>> -> memref<640x64xf32, #tpu.memory_space<vmem_shared>>
        tpu.wait_dma2 semaphore(%run_scoped3A : memref<!tpu.dma_semaphore, #tpu.memory_space<semaphore_mem>>) src(%dma_wait3A_128 : memref<640x64xf32, #tpu.memory_space<vmem_shared>>) dst(%dma_wait3A_126 : memref<640x64xf32, #tpu.memory_space<hbm>>)
        tpu.yield
      }) : () -> ()
      %scan3A_118 = arith.constant 0 : i32
      scf.yield %scan3A_118 : i32
    }
    %scan3A_6 = arith.constant 12 : i32
    return
  }
}

#map = affine_map<(d0, d1) -> (0, 0)>
#map1 = affine_map<(d0, d1) -> (0, 0, 0)>
#map2 = affine_map<(d0, d1) -> (0, 0, 0, 0)>
module attributes {stable_mosaic.version = 14 : i64} {
  func.func @_scatter_body(%arg0: i32, %arg1: i32, %arg2: memref<122880x128xf32, #tpu.memory_space<hbm>>, %arg3: memref<32x80x128xi32, #tpu.memory_space<hbm>>, %arg4: memref<32x80x128xi32, #tpu.memory_space<hbm>>, %arg5: memref<640x128xf32, #tpu.memory_space<hbm>>, %arg6: memref<2x12x10240x128xf32, #tpu.memory_space<hbm>>, %arg7: memref<80x128xi32, #tpu.memory_space<vmem>>, %arg8: memref<80x128xi32, #tpu.memory_space<vmem>>, %arg9: memref<128x64xf32, #tpu.memory_space<vmem>>, %arg10: memref<128x64xf32, #tpu.memory_space<vmem>>, %arg11: memref<10240x64xf32, #tpu.memory_space<vmem_shared>>, %arg12: memref<10240x64xf32, #tpu.memory_space<vmem_shared>>, %arg13: memref<!tpu.dma_semaphore, #tpu.memory_space<semaphore_mem>>, %arg14: memref<!tpu.dma_semaphore, #tpu.memory_space<semaphore_mem>>) attributes {dimension_semantics = [#tpu.dimension_semantics<core_parallel>, #tpu.dimension_semantics<subcore_parallel>], iteration_bounds = array<i64: 2, 16>, scalar_prefetch = 0 : i64, scratch_operands = 8 : i64, tpu.core_type = #tpu.core_type<sc_vector_subcore>, window_params = [{transform_indices = #map}, {transform_indices = #map1}, {transform_indices = #map1}, {transform_indices = #map}, {transform_indices = #map2}]} {
    %mul3A = arith.constant 2 : i32
    %mul3A_0 = arith.muli %arg1, %mul3A : i32
    %add3A = arith.addi %mul3A_0, %arg0 : i32
    "tpu.region"() ({
      %run_scoped3A = tpu.sem_alloc : memref<!tpu.dma_semaphore, #tpu.memory_space<semaphore_mem>>
      %dma_start3A = arith.constant 0 : i32
      %dma_start3A_7 = arith.constant 0 : i32
      %dma_start3A_8 = tpu.memref_slice %arg3[%add3A, %dma_start3A, %dma_start3A_7] : memref<32x80x128xi32, #tpu.memory_space<hbm>> -> memref<1x80x128xi32, #tpu.memory_space<hbm>>
      %dma_start3A_9 = tpu.memref_squeeze %dma_start3A_8 : memref<1x80x128xi32, #tpu.memory_space<hbm>> -> memref<80x128xi32, #tpu.memory_space<hbm>>
      %dma_start3A_10 = arith.constant 0 : i32
      %dma_start3A_11 = arith.constant 0 : i32
      %dma_start3A_12 = tpu.memref_slice %arg3[%add3A, %dma_start3A_10, %dma_start3A_11] : memref<32x80x128xi32, #tpu.memory_space<hbm>> -> memref<1x80x128xi32, #tpu.memory_space<hbm>>
      %dma_start3A_13 = tpu.memref_squeeze %dma_start3A_12 : memref<1x80x128xi32, #tpu.memory_space<hbm>> -> memref<80x128xi32, #tpu.memory_space<hbm>>
      tpu.enqueue_dma source(%dma_start3A_13 : memref<80x128xi32, #tpu.memory_space<hbm>>) target(%arg7 : memref<80x128xi32, #tpu.memory_space<vmem>>) target_semaphore(%run_scoped3A : memref<!tpu.dma_semaphore, #tpu.memory_space<semaphore_mem>>)
      %dma_wait3A = arith.constant 0 : i32
      %dma_wait3A_14 = arith.constant 0 : i32
      %dma_wait3A_15 = tpu.memref_slice %arg3[%add3A, %dma_wait3A, %dma_wait3A_14] : memref<32x80x128xi32, #tpu.memory_space<hbm>> -> memref<1x80x128xi32, #tpu.memory_space<hbm>>
      %dma_wait3A_16 = tpu.memref_squeeze %dma_wait3A_15 : memref<1x80x128xi32, #tpu.memory_space<hbm>> -> memref<80x128xi32, #tpu.memory_space<hbm>>
      %dma_wait3A_17 = arith.constant 0 : i32
      %dma_wait3A_18 = arith.constant 0 : i32
      %dma_wait3A_19 = tpu.memref_slice %arg3[%add3A, %dma_wait3A_17, %dma_wait3A_18] : memref<32x80x128xi32, #tpu.memory_space<hbm>> -> memref<1x80x128xi32, #tpu.memory_space<hbm>>
      %dma_wait3A_20 = tpu.memref_squeeze %dma_wait3A_19 : memref<1x80x128xi32, #tpu.memory_space<hbm>> -> memref<80x128xi32, #tpu.memory_space<hbm>>
      tpu.wait_dma2 semaphore(%run_scoped3A : memref<!tpu.dma_semaphore, #tpu.memory_space<semaphore_mem>>) src(%dma_wait3A_20 : memref<80x128xi32, #tpu.memory_space<hbm>>) dst(%arg7 : memref<80x128xi32, #tpu.memory_space<vmem>>)
      tpu.yield
    }) : () -> ()
    "tpu.region"() ({
      %run_scoped3A = tpu.sem_alloc : memref<!tpu.dma_semaphore, #tpu.memory_space<semaphore_mem>>
      %dma_start3A = arith.constant 0 : i32
      %dma_start3A_7 = arith.constant 0 : i32
      %dma_start3A_8 = tpu.memref_slice %arg4[%add3A, %dma_start3A, %dma_start3A_7] : memref<32x80x128xi32, #tpu.memory_space<hbm>> -> memref<1x80x128xi32, #tpu.memory_space<hbm>>
      %dma_start3A_9 = tpu.memref_squeeze %dma_start3A_8 : memref<1x80x128xi32, #tpu.memory_space<hbm>> -> memref<80x128xi32, #tpu.memory_space<hbm>>
      %dma_start3A_10 = arith.constant 0 : i32
      %dma_start3A_11 = arith.constant 0 : i32
      %dma_start3A_12 = tpu.memref_slice %arg4[%add3A, %dma_start3A_10, %dma_start3A_11] : memref<32x80x128xi32, #tpu.memory_space<hbm>> -> memref<1x80x128xi32, #tpu.memory_space<hbm>>
      %dma_start3A_13 = tpu.memref_squeeze %dma_start3A_12 : memref<1x80x128xi32, #tpu.memory_space<hbm>> -> memref<80x128xi32, #tpu.memory_space<hbm>>
      tpu.enqueue_dma source(%dma_start3A_13 : memref<80x128xi32, #tpu.memory_space<hbm>>) target(%arg8 : memref<80x128xi32, #tpu.memory_space<vmem>>) target_semaphore(%run_scoped3A : memref<!tpu.dma_semaphore, #tpu.memory_space<semaphore_mem>>)
      %dma_wait3A = arith.constant 0 : i32
      %dma_wait3A_14 = arith.constant 0 : i32
      %dma_wait3A_15 = tpu.memref_slice %arg4[%add3A, %dma_wait3A, %dma_wait3A_14] : memref<32x80x128xi32, #tpu.memory_space<hbm>> -> memref<1x80x128xi32, #tpu.memory_space<hbm>>
      %dma_wait3A_16 = tpu.memref_squeeze %dma_wait3A_15 : memref<1x80x128xi32, #tpu.memory_space<hbm>> -> memref<80x128xi32, #tpu.memory_space<hbm>>
      %dma_wait3A_17 = arith.constant 0 : i32
      %dma_wait3A_18 = arith.constant 0 : i32
      %dma_wait3A_19 = tpu.memref_slice %arg4[%add3A, %dma_wait3A_17, %dma_wait3A_18] : memref<32x80x128xi32, #tpu.memory_space<hbm>> -> memref<1x80x128xi32, #tpu.memory_space<hbm>>
      %dma_wait3A_20 = tpu.memref_squeeze %dma_wait3A_19 : memref<1x80x128xi32, #tpu.memory_space<hbm>> -> memref<80x128xi32, #tpu.memory_space<hbm>>
      tpu.wait_dma2 semaphore(%run_scoped3A : memref<!tpu.dma_semaphore, #tpu.memory_space<semaphore_mem>>) src(%dma_wait3A_20 : memref<80x128xi32, #tpu.memory_space<hbm>>) dst(%arg8 : memref<80x128xi32, #tpu.memory_space<vmem>>)
      tpu.yield
    }) : () -> ()
    %scan3A = arith.constant 0 : i32
    %scan3A_1 = arith.constant 0 : i32
    %scan3A_2 = arith.constant 12 : i32
    %scan3A_3 = arith.addi %scan3A_1, %scan3A_2 : i32
    %scan3A_4 = arith.constant 1 : i32
    %scan3A_5 = scf.for %scan3A_7 = %scan3A_1 to %scan3A_3 step %scan3A_4 iter_args(%scan3A_8 = %scan3A) -> (i32)  : i32 {
      %mul3A_9 = arith.constant 10240 : i32
      %mul3A_10 = arith.muli %scan3A_7, %mul3A_9 : i32
      %mul3A_11 = arith.constant 640 : i32
      %mul3A_12 = arith.muli %arg1, %mul3A_11 : i32
      %add3A_13 = arith.addi %mul3A_10, %mul3A_12 : i32
      %mul3A_14 = arith.constant 640 : i32
      %mul3A_15 = arith.muli %arg1, %mul3A_14 : i32
      %dma_start3A = arith.constant 0 : i32
      %dma_start3A_16 = tpu.memref_slice %arg11[%mul3A_15, %dma_start3A] : memref<10240x64xf32, #tpu.memory_space<vmem_shared>> -> memref<640x64xf32, #tpu.memory_space<vmem_shared>>
      %dma_start3A_17 = arith.constant 0 : i32
      %dma_start3A_18 = tpu.memref_slice %arg2[%add3A_13, %dma_start3A_17] : memref<122880x128xf32, #tpu.memory_space<hbm>> -> memref<640x64xf32, #tpu.memory_space<hbm>>
      tpu.enqueue_dma source(%dma_start3A_18 : memref<640x64xf32, #tpu.memory_space<hbm>>) target(%dma_start3A_16 : memref<640x64xf32, #tpu.memory_space<vmem_shared>>) target_semaphore(%arg13 : memref<!tpu.dma_semaphore, #tpu.memory_space<semaphore_mem>>)
      %mul3A_19 = arith.constant 640 : i32
      %mul3A_20 = arith.muli %arg1, %mul3A_19 : i32
      %dma_start3A_21 = arith.constant 0 : i32
      %dma_start3A_22 = tpu.memref_slice %arg12[%mul3A_20, %dma_start3A_21] : memref<10240x64xf32, #tpu.memory_space<vmem_shared>> -> memref<640x64xf32, #tpu.memory_space<vmem_shared>>
      %dma_start3A_23 = arith.constant 0 : i32
      %dma_start3A_24 = arith.constant 0 : i32
      %dma_start3A_25 = tpu.memref_slice %arg5[%dma_start3A_23, %dma_start3A_24] : memref<640x128xf32, #tpu.memory_space<hbm>> -> memref<640x64xf32, #tpu.memory_space<hbm>>
      tpu.enqueue_dma source(%dma_start3A_25 : memref<640x64xf32, #tpu.memory_space<hbm>>) target(%dma_start3A_22 : memref<640x64xf32, #tpu.memory_space<vmem_shared>>) target_semaphore(%arg14 : memref<!tpu.dma_semaphore, #tpu.memory_space<semaphore_mem>>)
      %mul3A_26 = arith.constant 10240 : i32
      %mul3A_27 = arith.muli %scan3A_7, %mul3A_26 : i32
      %mul3A_28 = arith.constant 640 : i32
      %mul3A_29 = arith.muli %arg1, %mul3A_28 : i32
      %add3A_30 = arith.addi %mul3A_27, %mul3A_29 : i32
      %mul3A_31 = arith.constant 640 : i32
      %mul3A_32 = arith.muli %arg1, %mul3A_31 : i32
      %dma_wait3A = arith.constant 0 : i32
      %dma_wait3A_33 = tpu.memref_slice %arg11[%mul3A_32, %dma_wait3A] : memref<10240x64xf32, #tpu.memory_space<vmem_shared>> -> memref<640x64xf32, #tpu.memory_space<vmem_shared>>
      %dma_wait3A_34 = arith.constant 0 : i32
      %dma_wait3A_35 = tpu.memref_slice %arg2[%add3A_30, %dma_wait3A_34] : memref<122880x128xf32, #tpu.memory_space<hbm>> -> memref<640x64xf32, #tpu.memory_space<hbm>>
      tpu.wait_dma2 semaphore(%arg13 : memref<!tpu.dma_semaphore, #tpu.memory_space<semaphore_mem>>) src(%dma_wait3A_35 : memref<640x64xf32, #tpu.memory_space<hbm>>) dst(%dma_wait3A_33 : memref<640x64xf32, #tpu.memory_space<vmem_shared>>)
      %mul3A_36 = arith.constant 640 : i32
      %mul3A_37 = arith.muli %arg1, %mul3A_36 : i32
      %dma_wait3A_38 = arith.constant 0 : i32
      %dma_wait3A_39 = tpu.memref_slice %arg12[%mul3A_37, %dma_wait3A_38] : memref<10240x64xf32, #tpu.memory_space<vmem_shared>> -> memref<640x64xf32, #tpu.memory_space<vmem_shared>>
      %dma_wait3A_40 = arith.constant 0 : i32
      %dma_wait3A_41 = arith.constant 0 : i32
      %dma_wait3A_42 = tpu.memref_slice %arg5[%dma_wait3A_40, %dma_wait3A_41] : memref<640x128xf32, #tpu.memory_space<hbm>> -> memref<640x64xf32, #tpu.memory_space<hbm>>
      tpu.wait_dma2 semaphore(%arg14 : memref<!tpu.dma_semaphore, #tpu.memory_space<semaphore_mem>>) src(%dma_wait3A_42 : memref<640x64xf32, #tpu.memory_space<hbm>>) dst(%dma_wait3A_39 : memref<640x64xf32, #tpu.memory_space<vmem_shared>>)
      %barrier3A = arith.constant 0 : index
      tpu.barrier barrier_id(%barrier3A)
      %dma_start3A_43 = arith.constant 0 : i32
      %dma_start3A_44 = arith.constant 0 : i32
      %dma_start3A_45 = tpu.memref_slice %arg7[%dma_start3A_43, %dma_start3A_44] : memref<80x128xi32, #tpu.memory_space<vmem>> -> memref<1x128xi32, #tpu.memory_space<vmem>>
      %dma_start3A_46 = tpu.memref_squeeze %dma_start3A_45 : memref<1x128xi32, #tpu.memory_space<vmem>> -> memref<128xi32, #tpu.memory_space<vmem>>
      %dma_start3A_47 = arith.constant 0 : i32
      %dma_start3A_48 = arith.constant 0 : i32
      %dma_start3A_49 = tpu.memref_slice %arg11[%dma_start3A_47, %dma_start3A_48] : memref<10240x64xf32, #tpu.memory_space<vmem_shared>> -> memref<10240x64xf32, #tpu.memory_space<vmem_shared>>
      tpu.enqueue_indirect_dma source(%dma_start3A_49 : memref<10240x64xf32, #tpu.memory_space<vmem_shared>>) target(%arg9 : memref<128x64xf32, #tpu.memory_space<vmem>>) offsets(%dma_start3A_46 : memref<128xi32, #tpu.memory_space<vmem>>) semaphore(%arg13 : memref<!tpu.dma_semaphore, #tpu.memory_space<semaphore_mem>>)
      %scan3A_50 = arith.constant 0 : i32
      %scan3A_51 = arith.constant 0 : i32
      %scan3A_52 = arith.constant 40 : i32
      %scan3A_53 = arith.addi %scan3A_51, %scan3A_52 : i32
      %scan3A_54 = arith.constant 1 : i32
      %scan3A_55 = scf.for %scan3A_119 = %scan3A_51 to %scan3A_53 step %scan3A_54 iter_args(%scan3A_120 = %scan3A_50) -> (i32)  : i32 {
        %mul3A_121 = arith.constant 2 : i32
        %mul3A_122 = arith.muli %mul3A_121, %scan3A_119 : i32
        %add3A_123 = arith.constant 1 : i32
        %add3A_124 = arith.addi %mul3A_122, %add3A_123 : i32
        %dma_start3A_125 = arith.constant 0 : i32
        %dma_start3A_126 = tpu.memref_slice %arg7[%add3A_124, %dma_start3A_125] : memref<80x128xi32, #tpu.memory_space<vmem>> -> memref<1x128xi32, #tpu.memory_space<vmem>>
        %dma_start3A_127 = tpu.memref_squeeze %dma_start3A_126 : memref<1x128xi32, #tpu.memory_space<vmem>> -> memref<128xi32, #tpu.memory_space<vmem>>
        %dma_start3A_128 = arith.constant 0 : i32
        %dma_start3A_129 = arith.constant 0 : i32
        %dma_start3A_130 = tpu.memref_slice %arg11[%dma_start3A_128, %dma_start3A_129] : memref<10240x64xf32, #tpu.memory_space<vmem_shared>> -> memref<10240x64xf32, #tpu.memory_space<vmem_shared>>
        tpu.enqueue_indirect_dma source(%dma_start3A_130 : memref<10240x64xf32, #tpu.memory_space<vmem_shared>>) target(%arg10 : memref<128x64xf32, #tpu.memory_space<vmem>>) offsets(%dma_start3A_127 : memref<128xi32, #tpu.memory_space<vmem>>) semaphore(%arg14 : memref<!tpu.dma_semaphore, #tpu.memory_space<semaphore_mem>>)
        %dma_wait3A_131 = arith.constant 0 : i32
        %dma_wait3A_132 = tpu.memref_slice %arg7[%mul3A_122, %dma_wait3A_131] : memref<80x128xi32, #tpu.memory_space<vmem>> -> memref<1x128xi32, #tpu.memory_space<vmem>>
        %dma_wait3A_133 = tpu.memref_squeeze %dma_wait3A_132 : memref<1x128xi32, #tpu.memory_space<vmem>> -> memref<128xi32, #tpu.memory_space<vmem>>
        %dma_wait3A_134 = arith.constant 0 : i32
        %dma_wait3A_135 = arith.constant 0 : i32
        %dma_wait3A_136 = tpu.memref_slice %arg11[%dma_wait3A_134, %dma_wait3A_135] : memref<10240x64xf32, #tpu.memory_space<vmem_shared>> -> memref<10240x64xf32, #tpu.memory_space<vmem_shared>>
        tpu.wait_indirect_dma semaphore(%arg13 : memref<!tpu.dma_semaphore, #tpu.memory_space<semaphore_mem>>) src(%dma_wait3A_136 : memref<10240x64xf32, #tpu.memory_space<vmem_shared>>) dst(%arg9 : memref<128x64xf32, #tpu.memory_space<vmem>>)
        "tpu.region"() ({
          %run_scoped3A = tpu.sem_alloc : memref<!tpu.dma_semaphore, #tpu.memory_space<semaphore_mem>>
          %dma_start3A_146 = arith.constant 0 : i32
          %dma_start3A_147 = tpu.memref_slice %arg8[%mul3A_122, %dma_start3A_146] : memref<80x128xi32, #tpu.memory_space<vmem>> -> memref<1x128xi32, #tpu.memory_space<vmem>>
          %dma_start3A_148 = tpu.memref_squeeze %dma_start3A_147 : memref<1x128xi32, #tpu.memory_space<vmem>> -> memref<128xi32, #tpu.memory_space<vmem>>
          %dma_start3A_149 = arith.constant 0 : i32
          %dma_start3A_150 = arith.constant 0 : i32
          %dma_start3A_151 = tpu.memref_slice %arg12[%dma_start3A_149, %dma_start3A_150] : memref<10240x64xf32, #tpu.memory_space<vmem_shared>> -> memref<10240x64xf32, #tpu.memory_space<vmem_shared>>
          tpu.enqueue_indirect_dma source(%arg9 : memref<128x64xf32, #tpu.memory_space<vmem>>) target(%dma_start3A_151 : memref<10240x64xf32, #tpu.memory_space<vmem_shared>>) offsets(%dma_start3A_148 : memref<128xi32, #tpu.memory_space<vmem>>) semaphore(%run_scoped3A : memref<!tpu.dma_semaphore, #tpu.memory_space<semaphore_mem>>) {add = true}
          %dma_wait3A_152 = arith.constant 0 : i32
          %dma_wait3A_153 = tpu.memref_slice %arg8[%mul3A_122, %dma_wait3A_152] : memref<80x128xi32, #tpu.memory_space<vmem>> -> memref<1x128xi32, #tpu.memory_space<vmem>>
          %dma_wait3A_154 = tpu.memref_squeeze %dma_wait3A_153 : memref<1x128xi32, #tpu.memory_space<vmem>> -> memref<128xi32, #tpu.memory_space<vmem>>
          %dma_wait3A_155 = arith.constant 0 : i32
          %dma_wait3A_156 = arith.constant 0 : i32
          %dma_wait3A_157 = tpu.memref_slice %arg12[%dma_wait3A_155, %dma_wait3A_156] : memref<10240x64xf32, #tpu.memory_space<vmem_shared>> -> memref<10240x64xf32, #tpu.memory_space<vmem_shared>>
          tpu.wait_indirect_dma semaphore(%run_scoped3A : memref<!tpu.dma_semaphore, #tpu.memory_space<semaphore_mem>>) src(%arg9 : memref<128x64xf32, #tpu.memory_space<vmem>>) dst(%dma_wait3A_157 : memref<10240x64xf32, #tpu.memory_space<vmem_shared>>)
          tpu.yield
        }) : () -> ()
        %lt3A = arith.constant 39 : i32
        %lt3A_137 = arith.cmpi slt, %scan3A_119, %lt3A : i32
        %convert_element_type3A = arith.extui %lt3A_137 : i1 to i32
        %cond3A = arith.constant 0 : i32
        %cond3A_138 = arith.cmpi ne, %convert_element_type3A, %cond3A : i32
        scf.if %cond3A_138 {
          %add3A_146 = arith.constant 2 : i32
          %add3A_147 = arith.addi %mul3A_122, %add3A_146 : i32
          %dma_start3A_148 = arith.constant 0 : i32
          %dma_start3A_149 = tpu.memref_slice %arg7[%add3A_147, %dma_start3A_148] : memref<80x128xi32, #tpu.memory_space<vmem>> -> memref<1x128xi32, #tpu.memory_space<vmem>>
          %dma_start3A_150 = tpu.memref_squeeze %dma_start3A_149 : memref<1x128xi32, #tpu.memory_space<vmem>> -> memref<128xi32, #tpu.memory_space<vmem>>
          %dma_start3A_151 = arith.constant 0 : i32
          %dma_start3A_152 = arith.constant 0 : i32
          %dma_start3A_153 = tpu.memref_slice %arg11[%dma_start3A_151, %dma_start3A_152] : memref<10240x64xf32, #tpu.memory_space<vmem_shared>> -> memref<10240x64xf32, #tpu.memory_space<vmem_shared>>
          tpu.enqueue_indirect_dma source(%dma_start3A_153 : memref<10240x64xf32, #tpu.memory_space<vmem_shared>>) target(%arg9 : memref<128x64xf32, #tpu.memory_space<vmem>>) offsets(%dma_start3A_150 : memref<128xi32, #tpu.memory_space<vmem>>) semaphore(%arg13 : memref<!tpu.dma_semaphore, #tpu.memory_space<semaphore_mem>>)
        } else {
        }
        %dma_wait3A_139 = arith.constant 0 : i32
        %dma_wait3A_140 = tpu.memref_slice %arg7[%add3A_124, %dma_wait3A_139] : memref<80x128xi32, #tpu.memory_space<vmem>> -> memref<1x128xi32, #tpu.memory_space<vmem>>
        %dma_wait3A_141 = tpu.memref_squeeze %dma_wait3A_140 : memref<1x128xi32, #tpu.memory_space<vmem>> -> memref<128xi32, #tpu.memory_space<vmem>>
        %dma_wait3A_142 = arith.constant 0 : i32
        %dma_wait3A_143 = arith.constant 0 : i32
        %dma_wait3A_144 = tpu.memref_slice %arg11[%dma_wait3A_142, %dma_wait3A_143] : memref<10240x64xf32, #tpu.memory_space<vmem_shared>> -> memref<10240x64xf32, #tpu.memory_space<vmem_shared>>
        tpu.wait_indirect_dma semaphore(%arg14 : memref<!tpu.dma_semaphore, #tpu.memory_space<semaphore_mem>>) src(%dma_wait3A_144 : memref<10240x64xf32, #tpu.memory_space<vmem_shared>>) dst(%arg10 : memref<128x64xf32, #tpu.memory_space<vmem>>)
        "tpu.region"() ({
          %run_scoped3A = tpu.sem_alloc : memref<!tpu.dma_semaphore, #tpu.memory_space<semaphore_mem>>
          %dma_start3A_146 = arith.constant 0 : i32
          %dma_start3A_147 = tpu.memref_slice %arg8[%add3A_124, %dma_start3A_146] : memref<80x128xi32, #tpu.memory_space<vmem>> -> memref<1x128xi32, #tpu.memory_space<vmem>>
          %dma_start3A_148 = tpu.memref_squeeze %dma_start3A_147 : memref<1x128xi32, #tpu.memory_space<vmem>> -> memref<128xi32, #tpu.memory_space<vmem>>
          %dma_start3A_149 = arith.constant 0 : i32
          %dma_start3A_150 = arith.constant 0 : i32
          %dma_start3A_151 = tpu.memref_slice %arg12[%dma_start3A_149, %dma_start3A_150] : memref<10240x64xf32, #tpu.memory_space<vmem_shared>> -> memref<10240x64xf32, #tpu.memory_space<vmem_shared>>
          tpu.enqueue_indirect_dma source(%arg10 : memref<128x64xf32, #tpu.memory_space<vmem>>) target(%dma_start3A_151 : memref<10240x64xf32, #tpu.memory_space<vmem_shared>>) offsets(%dma_start3A_148 : memref<128xi32, #tpu.memory_space<vmem>>) semaphore(%run_scoped3A : memref<!tpu.dma_semaphore, #tpu.memory_space<semaphore_mem>>) {add = true}
          %dma_wait3A_152 = arith.constant 0 : i32
          %dma_wait3A_153 = tpu.memref_slice %arg8[%add3A_124, %dma_wait3A_152] : memref<80x128xi32, #tpu.memory_space<vmem>> -> memref<1x128xi32, #tpu.memory_space<vmem>>
          %dma_wait3A_154 = tpu.memref_squeeze %dma_wait3A_153 : memref<1x128xi32, #tpu.memory_space<vmem>> -> memref<128xi32, #tpu.memory_space<vmem>>
          %dma_wait3A_155 = arith.constant 0 : i32
          %dma_wait3A_156 = arith.constant 0 : i32
          %dma_wait3A_157 = tpu.memref_slice %arg12[%dma_wait3A_155, %dma_wait3A_156] : memref<10240x64xf32, #tpu.memory_space<vmem_shared>> -> memref<10240x64xf32, #tpu.memory_space<vmem_shared>>
          tpu.wait_indirect_dma semaphore(%run_scoped3A : memref<!tpu.dma_semaphore, #tpu.memory_space<semaphore_mem>>) src(%arg10 : memref<128x64xf32, #tpu.memory_space<vmem>>) dst(%dma_wait3A_157 : memref<10240x64xf32, #tpu.memory_space<vmem_shared>>)
          tpu.yield
        }) : () -> ()
        %scan3A_145 = arith.constant 0 : i32
        scf.yield %scan3A_145 : i32
      }
      %scan3A_56 = arith.constant 40 : i32
      %barrier3A_57 = arith.constant 0 : index
      tpu.barrier barrier_id(%barrier3A_57)
      %mul3A_58 = arith.constant 640 : i32
      %mul3A_59 = arith.muli %arg1, %mul3A_58 : i32
      %mul3A_60 = arith.constant 640 : i32
      %mul3A_61 = arith.muli %arg1, %mul3A_60 : i32
      "tpu.region"() ({
        %run_scoped3A = tpu.sem_alloc : memref<!tpu.dma_semaphore, #tpu.memory_space<semaphore_mem>>
        %dma_start3A_119 = arith.constant 0 : i32
        %dma_start3A_120 = tpu.memref_slice %arg6[%arg0, %scan3A_7, %mul3A_61, %dma_start3A_119] : memref<2x12x10240x128xf32, #tpu.memory_space<hbm>> -> memref<1x1x640x64xf32, #tpu.memory_space<hbm>>
        %dma_start3A_121 = tpu.memref_squeeze %dma_start3A_120 : memref<1x1x640x64xf32, #tpu.memory_space<hbm>> -> memref<640x64xf32, #tpu.memory_space<hbm>>
        %dma_start3A_122 = arith.constant 0 : i32
        %dma_start3A_123 = tpu.memref_slice %arg12[%mul3A_59, %dma_start3A_122] : memref<10240x64xf32, #tpu.memory_space<vmem_shared>> -> memref<640x64xf32, #tpu.memory_space<vmem_shared>>
        tpu.enqueue_dma source(%dma_start3A_123 : memref<640x64xf32, #tpu.memory_space<vmem_shared>>) target(%dma_start3A_121 : memref<640x64xf32, #tpu.memory_space<hbm>>) target_semaphore(%run_scoped3A : memref<!tpu.dma_semaphore, #tpu.memory_space<semaphore_mem>>)
        %dma_wait3A_124 = arith.constant 0 : i32
        %dma_wait3A_125 = tpu.memref_slice %arg6[%arg0, %scan3A_7, %mul3A_61, %dma_wait3A_124] : memref<2x12x10240x128xf32, #tpu.memory_space<hbm>> -> memref<1x1x640x64xf32, #tpu.memory_space<hbm>>
        %dma_wait3A_126 = tpu.memref_squeeze %dma_wait3A_125 : memref<1x1x640x64xf32, #tpu.memory_space<hbm>> -> memref<640x64xf32, #tpu.memory_space<hbm>>
        %dma_wait3A_127 = arith.constant 0 : i32
        %dma_wait3A_128 = tpu.memref_slice %arg12[%mul3A_59, %dma_wait3A_127] : memref<10240x64xf32, #tpu.memory_space<vmem_shared>> -> memref<640x64xf32, #tpu.memory_space<vmem_shared>>
        tpu.wait_dma2 semaphore(%run_scoped3A : memref<!tpu.dma_semaphore, #tpu.memory_space<semaphore_mem>>) src(%dma_wait3A_128 : memref<640x64xf32, #tpu.memory_space<vmem_shared>>) dst(%dma_wait3A_126 : memref<640x64xf32, #tpu.memory_space<hbm>>)
        tpu.yield
      }) : () -> ()
      %mul3A_62 = arith.constant 10240 : i32
      %mul3A_63 = arith.muli %scan3A_7, %mul3A_62 : i32
      %mul3A_64 = arith.constant 640 : i32
      %mul3A_65 = arith.muli %arg1, %mul3A_64 : i32
      %add3A_66 = arith.addi %mul3A_63, %mul3A_65 : i32
      %mul3A_67 = arith.constant 640 : i32
      %mul3A_68 = arith.muli %arg1, %mul3A_67 : i32
      %dma_start3A_69 = arith.constant 0 : i32
      %dma_start3A_70 = tpu.memref_slice %arg11[%mul3A_68, %dma_start3A_69] : memref<10240x64xf32, #tpu.memory_space<vmem_shared>> -> memref<640x64xf32, #tpu.memory_space<vmem_shared>>
      %dma_start3A_71 = arith.constant 64 : i32
      %dma_start3A_72 = tpu.memref_slice %arg2[%add3A_66, %dma_start3A_71] : memref<122880x128xf32, #tpu.memory_space<hbm>> -> memref<640x64xf32, #tpu.memory_space<hbm>>
      tpu.enqueue_dma source(%dma_start3A_72 : memref<640x64xf32, #tpu.memory_space<hbm>>) target(%dma_start3A_70 : memref<640x64xf32, #tpu.memory_space<vmem_shared>>) target_semaphore(%arg13 : memref<!tpu.dma_semaphore, #tpu.memory_space<semaphore_mem>>)
      %mul3A_73 = arith.constant 640 : i32
      %mul3A_74 = arith.muli %arg1, %mul3A_73 : i32
      %dma_start3A_75 = arith.constant 0 : i32
      %dma_start3A_76 = tpu.memref_slice %arg12[%mul3A_74, %dma_start3A_75] : memref<10240x64xf32, #tpu.memory_space<vmem_shared>> -> memref<640x64xf32, #tpu.memory_space<vmem_shared>>
      %dma_start3A_77 = arith.constant 0 : i32
      %dma_start3A_78 = arith.constant 0 : i32
      %dma_start3A_79 = tpu.memref_slice %arg5[%dma_start3A_77, %dma_start3A_78] : memref<640x128xf32, #tpu.memory_space<hbm>> -> memref<640x64xf32, #tpu.memory_space<hbm>>
      tpu.enqueue_dma source(%dma_start3A_79 : memref<640x64xf32, #tpu.memory_space<hbm>>) target(%dma_start3A_76 : memref<640x64xf32, #tpu.memory_space<vmem_shared>>) target_semaphore(%arg14 : memref<!tpu.dma_semaphore, #tpu.memory_space<semaphore_mem>>)
      %mul3A_80 = arith.constant 10240 : i32
      %mul3A_81 = arith.muli %scan3A_7, %mul3A_80 : i32
      %mul3A_82 = arith.constant 640 : i32
      %mul3A_83 = arith.muli %arg1, %mul3A_82 : i32
      %add3A_84 = arith.addi %mul3A_81, %mul3A_83 : i32
      %mul3A_85 = arith.constant 640 : i32
      %mul3A_86 = arith.muli %arg1, %mul3A_85 : i32
      %dma_wait3A_87 = arith.constant 0 : i32
      %dma_wait3A_88 = tpu.memref_slice %arg11[%mul3A_86, %dma_wait3A_87] : memref<10240x64xf32, #tpu.memory_space<vmem_shared>> -> memref<640x64xf32, #tpu.memory_space<vmem_shared>>
      %dma_wait3A_89 = arith.constant 64 : i32
      %dma_wait3A_90 = tpu.memref_slice %arg2[%add3A_84, %dma_wait3A_89] : memref<122880x128xf32, #tpu.memory_space<hbm>> -> memref<640x64xf32, #tpu.memory_space<hbm>>
      tpu.wait_dma2 semaphore(%arg13 : memref<!tpu.dma_semaphore, #tpu.memory_space<semaphore_mem>>) src(%dma_wait3A_90 : memref<640x64xf32, #tpu.memory_space<hbm>>) dst(%dma_wait3A_88 : memref<640x64xf32, #tpu.memory_space<vmem_shared>>)
      %mul3A_91 = arith.constant 640 : i32
      %mul3A_92 = arith.muli %arg1, %mul3A_91 : i32
      %dma_wait3A_93 = arith.constant 0 : i32
      %dma_wait3A_94 = tpu.memref_slice %arg12[%mul3A_92, %dma_wait3A_93] : memref<10240x64xf32, #tpu.memory_space<vmem_shared>> -> memref<640x64xf32, #tpu.memory_space<vmem_shared>>
      %dma_wait3A_95 = arith.constant 0 : i32
      %dma_wait3A_96 = arith.constant 0 : i32
      %dma_wait3A_97 = tpu.memref_slice %arg5[%dma_wait3A_95, %dma_wait3A_96] : memref<640x128xf32, #tpu.memory_space<hbm>> -> memref<640x64xf32, #tpu.memory_space<hbm>>
      tpu.wait_dma2 semaphore(%arg14 : memref<!tpu.dma_semaphore, #tpu.memory_space<semaphore_mem>>) src(%dma_wait3A_97 : memref<640x64xf32, #tpu.memory_space<hbm>>) dst(%dma_wait3A_94 : memref<640x64xf32, #tpu.memory_space<vmem_shared>>)
      %barrier3A_98 = arith.constant 0 : index
      tpu.barrier barrier_id(%barrier3A_98)
      %dma_start3A_99 = arith.constant 0 : i32
      %dma_start3A_100 = arith.constant 0 : i32
      %dma_start3A_101 = tpu.memref_slice %arg7[%dma_start3A_99, %dma_start3A_100] : memref<80x128xi32, #tpu.memory_space<vmem>> -> memref<1x128xi32, #tpu.memory_space<vmem>>
      %dma_start3A_102 = tpu.memref_squeeze %dma_start3A_101 : memref<1x128xi32, #tpu.memory_space<vmem>> -> memref<128xi32, #tpu.memory_space<vmem>>
      %dma_start3A_103 = arith.constant 0 : i32
      %dma_start3A_104 = arith.constant 0 : i32
      %dma_start3A_105 = tpu.memref_slice %arg11[%dma_start3A_103, %dma_start3A_104] : memref<10240x64xf32, #tpu.memory_space<vmem_shared>> -> memref<10240x64xf32, #tpu.memory_space<vmem_shared>>
      tpu.enqueue_indirect_dma source(%dma_start3A_105 : memref<10240x64xf32, #tpu.memory_space<vmem_shared>>) target(%arg9 : memref<128x64xf32, #tpu.memory_space<vmem>>) offsets(%dma_start3A_102 : memref<128xi32, #tpu.memory_space<vmem>>) semaphore(%arg13 : memref<!tpu.dma_semaphore, #tpu.memory_space<semaphore_mem>>)
      %scan3A_106 = arith.constant 0 : i32
      %scan3A_107 = arith.constant 0 : i32
      %scan3A_108 = arith.constant 40 : i32
      %scan3A_109 = arith.addi %scan3A_107, %scan3A_108 : i32
      %scan3A_110 = arith.constant 1 : i32
      %scan3A_111 = scf.for %scan3A_119 = %scan3A_107 to %scan3A_109 step %scan3A_110 iter_args(%scan3A_120 = %scan3A_106) -> (i32)  : i32 {
        %mul3A_121 = arith.constant 2 : i32
        %mul3A_122 = arith.muli %mul3A_121, %scan3A_119 : i32
        %add3A_123 = arith.constant 1 : i32
        %add3A_124 = arith.addi %mul3A_122, %add3A_123 : i32
        %dma_start3A_125 = arith.constant 0 : i32
        %dma_start3A_126 = tpu.memref_slice %arg7[%add3A_124, %dma_start3A_125] : memref<80x128xi32, #tpu.memory_space<vmem>> -> memref<1x128xi32, #tpu.memory_space<vmem>>
        %dma_start3A_127 = tpu.memref_squeeze %dma_start3A_126 : memref<1x128xi32, #tpu.memory_space<vmem>> -> memref<128xi32, #tpu.memory_space<vmem>>
        %dma_start3A_128 = arith.constant 0 : i32
        %dma_start3A_129 = arith.constant 0 : i32
        %dma_start3A_130 = tpu.memref_slice %arg11[%dma_start3A_128, %dma_start3A_129] : memref<10240x64xf32, #tpu.memory_space<vmem_shared>> -> memref<10240x64xf32, #tpu.memory_space<vmem_shared>>
        tpu.enqueue_indirect_dma source(%dma_start3A_130 : memref<10240x64xf32, #tpu.memory_space<vmem_shared>>) target(%arg10 : memref<128x64xf32, #tpu.memory_space<vmem>>) offsets(%dma_start3A_127 : memref<128xi32, #tpu.memory_space<vmem>>) semaphore(%arg14 : memref<!tpu.dma_semaphore, #tpu.memory_space<semaphore_mem>>)
        %dma_wait3A_131 = arith.constant 0 : i32
        %dma_wait3A_132 = tpu.memref_slice %arg7[%mul3A_122, %dma_wait3A_131] : memref<80x128xi32, #tpu.memory_space<vmem>> -> memref<1x128xi32, #tpu.memory_space<vmem>>
        %dma_wait3A_133 = tpu.memref_squeeze %dma_wait3A_132 : memref<1x128xi32, #tpu.memory_space<vmem>> -> memref<128xi32, #tpu.memory_space<vmem>>
        %dma_wait3A_134 = arith.constant 0 : i32
        %dma_wait3A_135 = arith.constant 0 : i32
        %dma_wait3A_136 = tpu.memref_slice %arg11[%dma_wait3A_134, %dma_wait3A_135] : memref<10240x64xf32, #tpu.memory_space<vmem_shared>> -> memref<10240x64xf32, #tpu.memory_space<vmem_shared>>
        tpu.wait_indirect_dma semaphore(%arg13 : memref<!tpu.dma_semaphore, #tpu.memory_space<semaphore_mem>>) src(%dma_wait3A_136 : memref<10240x64xf32, #tpu.memory_space<vmem_shared>>) dst(%arg9 : memref<128x64xf32, #tpu.memory_space<vmem>>)
        "tpu.region"() ({
          %run_scoped3A = tpu.sem_alloc : memref<!tpu.dma_semaphore, #tpu.memory_space<semaphore_mem>>
          %dma_start3A_146 = arith.constant 0 : i32
          %dma_start3A_147 = tpu.memref_slice %arg8[%mul3A_122, %dma_start3A_146] : memref<80x128xi32, #tpu.memory_space<vmem>> -> memref<1x128xi32, #tpu.memory_space<vmem>>
          %dma_start3A_148 = tpu.memref_squeeze %dma_start3A_147 : memref<1x128xi32, #tpu.memory_space<vmem>> -> memref<128xi32, #tpu.memory_space<vmem>>
          %dma_start3A_149 = arith.constant 0 : i32
          %dma_start3A_150 = arith.constant 0 : i32
          %dma_start3A_151 = tpu.memref_slice %arg12[%dma_start3A_149, %dma_start3A_150] : memref<10240x64xf32, #tpu.memory_space<vmem_shared>> -> memref<10240x64xf32, #tpu.memory_space<vmem_shared>>
          tpu.enqueue_indirect_dma source(%arg9 : memref<128x64xf32, #tpu.memory_space<vmem>>) target(%dma_start3A_151 : memref<10240x64xf32, #tpu.memory_space<vmem_shared>>) offsets(%dma_start3A_148 : memref<128xi32, #tpu.memory_space<vmem>>) semaphore(%run_scoped3A : memref<!tpu.dma_semaphore, #tpu.memory_space<semaphore_mem>>) {add = true}
          %dma_wait3A_152 = arith.constant 0 : i32
          %dma_wait3A_153 = tpu.memref_slice %arg8[%mul3A_122, %dma_wait3A_152] : memref<80x128xi32, #tpu.memory_space<vmem>> -> memref<1x128xi32, #tpu.memory_space<vmem>>
          %dma_wait3A_154 = tpu.memref_squeeze %dma_wait3A_153 : memref<1x128xi32, #tpu.memory_space<vmem>> -> memref<128xi32, #tpu.memory_space<vmem>>
          %dma_wait3A_155 = arith.constant 0 : i32
          %dma_wait3A_156 = arith.constant 0 : i32
          %dma_wait3A_157 = tpu.memref_slice %arg12[%dma_wait3A_155, %dma_wait3A_156] : memref<10240x64xf32, #tpu.memory_space<vmem_shared>> -> memref<10240x64xf32, #tpu.memory_space<vmem_shared>>
          tpu.wait_indirect_dma semaphore(%run_scoped3A : memref<!tpu.dma_semaphore, #tpu.memory_space<semaphore_mem>>) src(%arg9 : memref<128x64xf32, #tpu.memory_space<vmem>>) dst(%dma_wait3A_157 : memref<10240x64xf32, #tpu.memory_space<vmem_shared>>)
          tpu.yield
        }) : () -> ()
        %lt3A = arith.constant 39 : i32
        %lt3A_137 = arith.cmpi slt, %scan3A_119, %lt3A : i32
        %convert_element_type3A = arith.extui %lt3A_137 : i1 to i32
        %cond3A = arith.constant 0 : i32
        %cond3A_138 = arith.cmpi ne, %convert_element_type3A, %cond3A : i32
        scf.if %cond3A_138 {
          %add3A_146 = arith.constant 2 : i32
          %add3A_147 = arith.addi %mul3A_122, %add3A_146 : i32
          %dma_start3A_148 = arith.constant 0 : i32
          %dma_start3A_149 = tpu.memref_slice %arg7[%add3A_147, %dma_start3A_148] : memref<80x128xi32, #tpu.memory_space<vmem>> -> memref<1x128xi32, #tpu.memory_space<vmem>>
          %dma_start3A_150 = tpu.memref_squeeze %dma_start3A_149 : memref<1x128xi32, #tpu.memory_space<vmem>> -> memref<128xi32, #tpu.memory_space<vmem>>
          %dma_start3A_151 = arith.constant 0 : i32
          %dma_start3A_152 = arith.constant 0 : i32
          %dma_start3A_153 = tpu.memref_slice %arg11[%dma_start3A_151, %dma_start3A_152] : memref<10240x64xf32, #tpu.memory_space<vmem_shared>> -> memref<10240x64xf32, #tpu.memory_space<vmem_shared>>
          tpu.enqueue_indirect_dma source(%dma_start3A_153 : memref<10240x64xf32, #tpu.memory_space<vmem_shared>>) target(%arg9 : memref<128x64xf32, #tpu.memory_space<vmem>>) offsets(%dma_start3A_150 : memref<128xi32, #tpu.memory_space<vmem>>) semaphore(%arg13 : memref<!tpu.dma_semaphore, #tpu.memory_space<semaphore_mem>>)
        } else {
        }
        %dma_wait3A_139 = arith.constant 0 : i32
        %dma_wait3A_140 = tpu.memref_slice %arg7[%add3A_124, %dma_wait3A_139] : memref<80x128xi32, #tpu.memory_space<vmem>> -> memref<1x128xi32, #tpu.memory_space<vmem>>
        %dma_wait3A_141 = tpu.memref_squeeze %dma_wait3A_140 : memref<1x128xi32, #tpu.memory_space<vmem>> -> memref<128xi32, #tpu.memory_space<vmem>>
        %dma_wait3A_142 = arith.constant 0 : i32
        %dma_wait3A_143 = arith.constant 0 : i32
        %dma_wait3A_144 = tpu.memref_slice %arg11[%dma_wait3A_142, %dma_wait3A_143] : memref<10240x64xf32, #tpu.memory_space<vmem_shared>> -> memref<10240x64xf32, #tpu.memory_space<vmem_shared>>
        tpu.wait_indirect_dma semaphore(%arg14 : memref<!tpu.dma_semaphore, #tpu.memory_space<semaphore_mem>>) src(%dma_wait3A_144 : memref<10240x64xf32, #tpu.memory_space<vmem_shared>>) dst(%arg10 : memref<128x64xf32, #tpu.memory_space<vmem>>)
        "tpu.region"() ({
          %run_scoped3A = tpu.sem_alloc : memref<!tpu.dma_semaphore, #tpu.memory_space<semaphore_mem>>
          %dma_start3A_146 = arith.constant 0 : i32
          %dma_start3A_147 = tpu.memref_slice %arg8[%add3A_124, %dma_start3A_146] : memref<80x128xi32, #tpu.memory_space<vmem>> -> memref<1x128xi32, #tpu.memory_space<vmem>>
          %dma_start3A_148 = tpu.memref_squeeze %dma_start3A_147 : memref<1x128xi32, #tpu.memory_space<vmem>> -> memref<128xi32, #tpu.memory_space<vmem>>
          %dma_start3A_149 = arith.constant 0 : i32
          %dma_start3A_150 = arith.constant 0 : i32
          %dma_start3A_151 = tpu.memref_slice %arg12[%dma_start3A_149, %dma_start3A_150] : memref<10240x64xf32, #tpu.memory_space<vmem_shared>> -> memref<10240x64xf32, #tpu.memory_space<vmem_shared>>
          tpu.enqueue_indirect_dma source(%arg10 : memref<128x64xf32, #tpu.memory_space<vmem>>) target(%dma_start3A_151 : memref<10240x64xf32, #tpu.memory_space<vmem_shared>>) offsets(%dma_start3A_148 : memref<128xi32, #tpu.memory_space<vmem>>) semaphore(%run_scoped3A : memref<!tpu.dma_semaphore, #tpu.memory_space<semaphore_mem>>) {add = true}
          %dma_wait3A_152 = arith.constant 0 : i32
          %dma_wait3A_153 = tpu.memref_slice %arg8[%add3A_124, %dma_wait3A_152] : memref<80x128xi32, #tpu.memory_space<vmem>> -> memref<1x128xi32, #tpu.memory_space<vmem>>
          %dma_wait3A_154 = tpu.memref_squeeze %dma_wait3A_153 : memref<1x128xi32, #tpu.memory_space<vmem>> -> memref<128xi32, #tpu.memory_space<vmem>>
          %dma_wait3A_155 = arith.constant 0 : i32
          %dma_wait3A_156 = arith.constant 0 : i32
          %dma_wait3A_157 = tpu.memref_slice %arg12[%dma_wait3A_155, %dma_wait3A_156] : memref<10240x64xf32, #tpu.memory_space<vmem_shared>> -> memref<10240x64xf32, #tpu.memory_space<vmem_shared>>
          tpu.wait_indirect_dma semaphore(%run_scoped3A : memref<!tpu.dma_semaphore, #tpu.memory_space<semaphore_mem>>) src(%arg10 : memref<128x64xf32, #tpu.memory_space<vmem>>) dst(%dma_wait3A_157 : memref<10240x64xf32, #tpu.memory_space<vmem_shared>>)
          tpu.yield
        }) : () -> ()
        %scan3A_145 = arith.constant 0 : i32
        scf.yield %scan3A_145 : i32
      }
      %scan3A_112 = arith.constant 40 : i32
      %barrier3A_113 = arith.constant 0 : index
      tpu.barrier barrier_id(%barrier3A_113)
      %mul3A_114 = arith.constant 640 : i32
      %mul3A_115 = arith.muli %arg1, %mul3A_114 : i32
      %mul3A_116 = arith.constant 640 : i32
      %mul3A_117 = arith.muli %arg1, %mul3A_116 : i32
      "tpu.region"() ({
        %run_scoped3A = tpu.sem_alloc : memref<!tpu.dma_semaphore, #tpu.memory_space<semaphore_mem>>
        %dma_start3A_119 = arith.constant 64 : i32
        %dma_start3A_120 = tpu.memref_slice %arg6[%arg0, %scan3A_7, %mul3A_117, %dma_start3A_119] : memref<2x12x10240x128xf32, #tpu.memory_space<hbm>> -> memref<1x1x640x64xf32, #tpu.memory_space<hbm>>
        %dma_start3A_121 = tpu.memref_squeeze %dma_start3A_120 : memref<1x1x640x64xf32, #tpu.memory_space<hbm>> -> memref<640x64xf32, #tpu.memory_space<hbm>>
        %dma_start3A_122 = arith.constant 0 : i32
        %dma_start3A_123 = tpu.memref_slice %arg12[%mul3A_115, %dma_start3A_122] : memref<10240x64xf32, #tpu.memory_space<vmem_shared>> -> memref<640x64xf32, #tpu.memory_space<vmem_shared>>
        tpu.enqueue_dma source(%dma_start3A_123 : memref<640x64xf32, #tpu.memory_space<vmem_shared>>) target(%dma_start3A_121 : memref<640x64xf32, #tpu.memory_space<hbm>>) target_semaphore(%run_scoped3A : memref<!tpu.dma_semaphore, #tpu.memory_space<semaphore_mem>>)
        %dma_wait3A_124 = arith.constant 64 : i32
        %dma_wait3A_125 = tpu.memref_slice %arg6[%arg0, %scan3A_7, %mul3A_117, %dma_wait3A_124] : memref<2x12x10240x128xf32, #tpu.memory_space<hbm>> -> memref<1x1x640x64xf32, #tpu.memory_space<hbm>>
        %dma_wait3A_126 = tpu.memref_squeeze %dma_wait3A_125 : memref<1x1x640x64xf32, #tpu.memory_space<hbm>> -> memref<640x64xf32, #tpu.memory_space<hbm>>
        %dma_wait3A_127 = arith.constant 0 : i32
        %dma_wait3A_128 = tpu.memref_slice %arg12[%mul3A_115, %dma_wait3A_127] : memref<10240x64xf32, #tpu.memory_space<vmem_shared>> -> memref<640x64xf32, #tpu.memory_space<vmem_shared>>
        tpu.wait_dma2 semaphore(%run_scoped3A : memref<!tpu.dma_semaphore, #tpu.memory_space<semaphore_mem>>) src(%dma_wait3A_128 : memref<640x64xf32, #tpu.memory_space<vmem_shared>>) dst(%dma_wait3A_126 : memref<640x64xf32, #tpu.memory_space<hbm>>)
        tpu.yield
      }) : () -> ()
      %scan3A_118 = arith.constant 0 : i32
      scf.yield %scan3A_118 : i32
    }
    %scan3A_6 = arith.constant 12 : i32
    return
  }
}

module attributes {stable_mosaic.version = 14 : i64} {
  func.func @_tc_prep_body(%arg0: i32, %arg1: memref<2x1000x128xf32, #tpu.memory_space<vmem>>, %arg2: memref<1000x1xf32, #tpu.memory_space<vmem>>) attributes {dimension_semantics = [#tpu.dimension_semantics<arbitrary>], iteration_bounds = array<i64: 10>, scalar_prefetch = 0 : i64, scratch_operands = 0 : i64, tpu.core_type = #tpu.core_type<tc>, window_params = [{transform_indices = @transform_0, window_bounds = array<i64: 2, 1000, 128>}, {transform_indices = @transform_1, window_bounds = array<i64: 1000, 1>}]} {
    %get3A = arith.constant 0 : index
    %get3A_0 = arith.constant 0 : index
    %get3A_1 = arith.constant 0 : index
    %get3A_2 = vector.load %arg1[%get3A, %get3A_0, %get3A_1] : memref<2x1000x128xf32, #tpu.memory_space<vmem>>, vector<1x1000x1xf32>
    %get3A_3 = vector.shape_cast %get3A_2 : vector<1x1000x1xf32> to vector<1000x1xf32>
    %get3A_4 = arith.constant 1 : index
    %get3A_5 = arith.constant 0 : index
    %get3A_6 = arith.constant 0 : index
    %get3A_7 = vector.load %arg1[%get3A_4, %get3A_5, %get3A_6] : memref<2x1000x128xf32, #tpu.memory_space<vmem>>, vector<1x1000x1xf32>
    %get3A_8 = vector.shape_cast %get3A_7 : vector<1x1000x1xf32> to vector<1000x1xf32>
    %add3A = arith.addf %get3A_3, %get3A_8 : vector<1000x1xf32>
    %add3A_9 = arith.constant 1.000000e+00 : f32
    %add3A_10 = vector.broadcast %add3A_9 : f32 to vector<1000x1xf32>
    %add3A_11 = arith.addf %add3A, %add3A_10 : vector<1000x1xf32>
    %rsqrt3A = math.rsqrt %add3A_11 : vector<1000x1xf32>
    %swap3A = arith.constant 0 : index
    %swap3A_12 = arith.constant 0 : index
    %swap3A_13 = vector.load %arg2[%swap3A, %swap3A_12] : memref<1000x1xf32, #tpu.memory_space<vmem>>, vector<1000x1xf32>
    tpu.vector_store %arg2[%swap3A, %swap3A_12], %rsqrt3A {strides = array<i32>} : memref<1000x1xf32, #tpu.memory_space<vmem>>, vector<1000x1xf32>,
    return
  }
  func.func @transform_0(%arg0: i32) -> (i32, i32, i32) {
    %c0_i32 = arith.constant 0 : i32
    %c0_i32_0 = arith.constant 0 : i32
    %c0_i32_1 = arith.constant 0 : i32
    return %c0_i32, %arg0, %c0_i32_0 : i32, i32, i32
  }
  func.func @transform_1(%arg0: i32) -> (i32, i32) {
    %c0_i32 = arith.constant 0 : i32
    %c0_i32_0 = arith.constant 0 : i32
    return %arg0, %c0_i32 : i32, i32
  }
}

module attributes {stable_mosaic.version = 14 : i64} {
  func.func @_tc_first_body(%arg0: i32, %arg1: i32, %arg2: memref<1x1000x128xf32, #tpu.memory_space<vmem>>, %arg3: memref<128x128xf32, #tpu.memory_space<vmem>>, %arg4: memref<1000x1xf32, #tpu.memory_space<vmem>>, %arg5: memref<1x1000x128xf32, #tpu.memory_space<vmem>>) attributes {dimension_semantics = [#tpu.dimension_semantics<arbitrary>, #tpu.dimension_semantics<arbitrary>], iteration_bounds = array<i64: 12, 10>, scalar_prefetch = 0 : i64, scratch_operands = 0 : i64, tpu.core_type = #tpu.core_type<tc>, window_params = [{transform_indices = @transform_0, window_bounds = array<i64: 1, 1000, 128>}, {pipeline_mode = #tpu.pipeline_mode<synchronous>, transform_indices = @transform_1, window_bounds = array<i64: 128, 128>}, {transform_indices = @transform_2, window_bounds = array<i64: 1000, 1>}, {transform_indices = @transform_3, window_bounds = array<i64: 1, 1000, 128>}]} {
    %get3A = arith.constant 0 : index
    %get3A_0 = arith.constant 0 : index
    %get3A_1 = arith.constant 0 : index
    %get3A_2 = vector.load %arg2[%get3A, %get3A_0, %get3A_1] : memref<1x1000x128xf32, #tpu.memory_space<vmem>>, vector<1x1000x128xf32>
    %get3A_3 = vector.shape_cast %get3A_2 : vector<1x1000x128xf32> to vector<1000x128xf32>
    %get3A_4 = arith.constant 0 : index
    %get3A_5 = arith.constant 0 : index
    %get3A_6 = vector.load %arg3[%get3A_4, %get3A_5] : memref<128x128xf32, #tpu.memory_space<vmem>>, vector<128x128xf32>
    %dot_general3A = arith.constant dense<0.000000e+00> : vector<1000x128xf32>
    %dot_general3A_7 = tpu.matmul %get3A_3, %get3A_6, %dot_general3A {dimension_numbers = #tpu.dot_dimension_numbers<[1], [0], [0], [1], [0, 0, 1, 1], [], []>, transpose_lhs_hint = false} : vector<1000x128xf32>, vector<128x128xf32>, vector<1000x128xf32> -> vector<1000x128xf32>
    %get3A_8 = arith.constant 0 : index
    %get3A_9 = arith.constant 0 : index
    %get3A_10 = vector.load %arg4[%get3A_8, %get3A_9] : memref<1000x1xf32, #tpu.memory_space<vmem>>, vector<1000x1xf32>
    %mul3A = vector.broadcast %get3A_10 : vector<1000x1xf32> to vector<1000x128xf32>
    %mul3A_11 = arith.mulf %dot_general3A_7, %mul3A : vector<1000x128xf32>
    %swap3A = arith.constant 0 : index
    %swap3A_12 = arith.constant 0 : index
    %swap3A_13 = arith.constant 0 : index
    %swap3A_14 = vector.load %arg5[%swap3A, %swap3A_12, %swap3A_13] : memref<1x1000x128xf32, #tpu.memory_space<vmem>>, vector<1x1000x128xf32>
    %swap3A_15 = vector.shape_cast %swap3A_14 : vector<1x1000x128xf32> to vector<1000x128xf32>
    %swap3A_16 = vector.shape_cast %mul3A_11 : vector<1000x128xf32> to vector<1x1000x128xf32>
    tpu.vector_store %arg5[%swap3A, %swap3A_12, %swap3A_13], %swap3A_16 {strides = array<i32>} : memref<1x1000x128xf32, #tpu.memory_space<vmem>>, vector<1x1000x128xf32>,
    return
  }
  func.func @transform_0(%arg0: i32, %arg1: i32) -> (i32, i32, i32) {
    %c0_i32 = arith.constant 0 : i32
    %c0_i32_0 = arith.constant 0 : i32
    return %arg0, %arg1, %c0_i32 : i32, i32, i32
  }
  func.func @transform_1(%arg0: i32, %arg1: i32) -> (i32, i32) {
    %c0_i32 = arith.constant 0 : i32
    %c0_i32_0 = arith.constant 0 : i32
    %c0_i32_1 = arith.constant 0 : i32
    return %c0_i32, %c0_i32_0 : i32, i32
  }
  func.func @transform_2(%arg0: i32, %arg1: i32) -> (i32, i32) {
    %c0_i32 = arith.constant 0 : i32
    %c0_i32_0 = arith.constant 0 : i32
    return %arg1, %c0_i32 : i32, i32
  }
  func.func @transform_3(%arg0: i32, %arg1: i32) -> (i32, i32, i32) {
    %c0_i32 = arith.constant 0 : i32
    %c0_i32_0 = arith.constant 0 : i32
    return %arg0, %arg1, %c0_i32 : i32, i32, i32
  }
}

module attributes {stable_mosaic.version = 14 : i64} {
  func.func @_tc_mid_body(%arg0: i32, %arg1: i32, %arg2: memref<2x1x1000x128xf32, #tpu.memory_space<vmem>>, %arg3: memref<1x1000x128xf32, #tpu.memory_space<vmem>>, %arg4: memref<1x128xf32, #tpu.memory_space<vmem>>, %arg5: memref<1000x1xf32, #tpu.memory_space<vmem>>, %arg6: memref<128x128xf32, #tpu.memory_space<vmem>>, %arg7: memref<1x1000x128xf32, #tpu.memory_space<vmem>>) attributes {dimension_semantics = [#tpu.dimension_semantics<arbitrary>, #tpu.dimension_semantics<arbitrary>], iteration_bounds = array<i64: 12, 10>, scalar_prefetch = 0 : i64, scratch_operands = 0 : i64, tpu.core_type = #tpu.core_type<tc>, window_params = [{transform_indices = @transform_0, window_bounds = array<i64: 2, 1, 1000, 128>}, {transform_indices = @transform_1, window_bounds = array<i64: 1, 1000, 128>}, {pipeline_mode = #tpu.pipeline_mode<synchronous>, transform_indices = @transform_2, window_bounds = array<i64: 1, 128>}, {transform_indices = @transform_3, window_bounds = array<i64: 1000, 1>}, {pipeline_mode = #tpu.pipeline_mode<synchronous>, transform_indices = @transform_4, window_bounds = array<i64: 128, 128>}, {transform_indices = @transform_5, window_bounds = array<i64: 1, 1000, 128>}]} {
    %get3A = arith.constant 0 : index
    %get3A_0 = arith.constant 0 : index
    %get3A_1 = vector.load %arg5[%get3A, %get3A_0] : memref<1000x1xf32, #tpu.memory_space<vmem>>, vector<1000x1xf32>
    %get3A_2 = arith.constant 0 : index
    %get3A_3 = arith.constant 0 : index
    %get3A_4 = arith.constant 0 : index
    %get3A_5 = arith.constant 0 : index
    %get3A_6 = vector.load %arg2[%get3A_2, %get3A_3, %get3A_4, %get3A_5] : memref<2x1x1000x128xf32, #tpu.memory_space<vmem>>, vector<1x1x1000x128xf32>
    %get3A_7 = vector.shape_cast %get3A_6 : vector<1x1x1000x128xf32> to vector<1000x128xf32>
    %get3A_8 = arith.constant 1 : index
    %get3A_9 = arith.constant 0 : index
    %get3A_10 = arith.constant 0 : index
    %get3A_11 = arith.constant 0 : index
    %get3A_12 = vector.load %arg2[%get3A_8, %get3A_9, %get3A_10, %get3A_11] : memref<2x1x1000x128xf32, #tpu.memory_space<vmem>>, vector<1x1x1000x128xf32>
    %get3A_13 = vector.shape_cast %get3A_12 : vector<1x1x1000x128xf32> to vector<1000x128xf32>
    %add3A = arith.addf %get3A_7, %get3A_13 : vector<1000x128xf32>
    %get3A_14 = arith.constant 0 : index
    %get3A_15 = arith.constant 0 : index
    %get3A_16 = arith.constant 0 : index
    %get3A_17 = vector.load %arg3[%get3A_14, %get3A_15, %get3A_16] : memref<1x1000x128xf32, #tpu.memory_space<vmem>>, vector<1x1000x128xf32>
    %get3A_18 = vector.shape_cast %get3A_17 : vector<1x1000x128xf32> to vector<1000x128xf32>
    %add3A_19 = arith.addf %add3A, %get3A_18 : vector<1000x128xf32>
    %mul3A = vector.broadcast %get3A_1 : vector<1000x1xf32> to vector<1000x128xf32>
    %mul3A_20 = arith.mulf %mul3A, %add3A_19 : vector<1000x128xf32>
    %get3A_21 = arith.constant 0 : index
    %get3A_22 = arith.constant 0 : index
    %get3A_23 = vector.load %arg4[%get3A_21, %get3A_22] : memref<1x128xf32, #tpu.memory_space<vmem>>, vector<1x128xf32>
    %add3A_24 = vector.broadcast %get3A_23 : vector<1x128xf32> to vector<1000x128xf32>
    %add3A_25 = arith.addf %mul3A_20, %add3A_24 : vector<1000x128xf32>
    %max3A = arith.constant 0.000000e+00 : f32
    %max3A_26 = vector.broadcast %max3A : f32 to vector<1000x128xf32>
    %max3A_27 = arith.maximumf %add3A_25, %max3A_26 : vector<1000x128xf32>
    %get3A_28 = arith.constant 0 : index
    %get3A_29 = arith.constant 0 : index
    %get3A_30 = vector.load %arg6[%get3A_28, %get3A_29] : memref<128x128xf32, #tpu.memory_space<vmem>>, vector<128x128xf32>
    %dot_general3A = arith.constant dense<0.000000e+00> : vector<1000x128xf32>
    %dot_general3A_31 = tpu.matmul %max3A_27, %get3A_30, %dot_general3A {dimension_numbers = #tpu.dot_dimension_numbers<[1], [0], [0], [1], [0, 0, 1, 1], [], []>, transpose_lhs_hint = false} : vector<1000x128xf32>, vector<128x128xf32>, vector<1000x128xf32> -> vector<1000x128xf32>
    %mul3A_32 = vector.broadcast %get3A_1 : vector<1000x1xf32> to vector<1000x128xf32>
    %mul3A_33 = arith.mulf %dot_general3A_31, %mul3A_32 : vector<1000x128xf32>
    %swap3A = arith.constant 0 : index
    %swap3A_34 = arith.constant 0 : index
    %swap3A_35 = arith.constant 0 : index
    %swap3A_36 = vector.load %arg7[%swap3A, %swap3A_34, %swap3A_35] : memref<1x1000x128xf32, #tpu.memory_space<vmem>>, vector<1x1000x128xf32>
    %swap3A_37 = vector.shape_cast %swap3A_36 : vector<1x1000x128xf32> to vector<1000x128xf32>
    %swap3A_38 = vector.shape_cast %mul3A_33 : vector<1000x128xf32> to vector<1x1000x128xf32>
    tpu.vector_store %arg7[%swap3A, %swap3A_34, %swap3A_35], %swap3A_38 {strides = array<i32>} : memref<1x1000x128xf32, #tpu.memory_space<vmem>>, vector<1x1000x128xf32>,
    return
  }
  func.func @transform_0(%arg0: i32, %arg1: i32) -> (i32, i32, i32, i32) {
    %c0_i32 = arith.constant 0 : i32
    %c0_i32_0 = arith.constant 0 : i32
    %c0_i32_1 = arith.constant 0 : i32
    return %c0_i32, %arg0, %arg1, %c0_i32_0 : i32, i32, i32, i32
  }
  func.func @transform_1(%arg0: i32, %arg1: i32) -> (i32, i32, i32) {
    %c0_i32 = arith.constant 0 : i32
    %c0_i32_0 = arith.constant 0 : i32
    return %arg0, %arg1, %c0_i32 : i32, i32, i32
  }
  func.func @transform_2(%arg0: i32, %arg1: i32) -> (i32, i32) {
    %c0_i32 = arith.constant 0 : i32
    %c0_i32_0 = arith.constant 0 : i32
    %c0_i32_1 = arith.constant 0 : i32
    return %c0_i32, %c0_i32_0 : i32, i32
  }
  func.func @transform_3(%arg0: i32, %arg1: i32) -> (i32, i32) {
    %c0_i32 = arith.constant 0 : i32
    %c0_i32_0 = arith.constant 0 : i32
    return %arg1, %c0_i32 : i32, i32
  }
  func.func @transform_4(%arg0: i32, %arg1: i32) -> (i32, i32) {
    %c0_i32 = arith.constant 0 : i32
    %c0_i32_0 = arith.constant 0 : i32
    %c0_i32_1 = arith.constant 0 : i32
    return %c0_i32, %c0_i32_0 : i32, i32
  }
  func.func @transform_5(%arg0: i32, %arg1: i32) -> (i32, i32, i32) {
    %c0_i32 = arith.constant 0 : i32
    %c0_i32_0 = arith.constant 0 : i32
    return %arg0, %arg1, %c0_i32 : i32, i32, i32
  }
}

module attributes {stable_mosaic.version = 14 : i64} {
  func.func @_tc_final_body(%arg0: i32, %arg1: i32, %arg2: memref<2x1x1000x128xf32, #tpu.memory_space<vmem>>, %arg3: memref<1x1000x128xf32, #tpu.memory_space<vmem>>, %arg4: memref<1x128xf32, #tpu.memory_space<vmem>>, %arg5: memref<1000x1xf32, #tpu.memory_space<vmem>>, %arg6: memref<128x128xf32, #tpu.memory_space<vmem>>, %arg7: memref<1x128xf32, #tpu.memory_space<vmem>>, %arg8: memref<1000x128xf32, #tpu.memory_space<vmem>>, %arg9: memref<1000x128xf32, #tpu.memory_space<vmem>>) attributes {dimension_semantics = [#tpu.dimension_semantics<arbitrary>, #tpu.dimension_semantics<arbitrary>], iteration_bounds = array<i64: 10, 12>, scalar_prefetch = 0 : i64, scratch_operands = 1 : i64, tpu.core_type = #tpu.core_type<tc>, window_params = [{transform_indices = @transform_0, window_bounds = array<i64: 2, 1, 1000, 128>}, {transform_indices = @transform_1, window_bounds = array<i64: 1, 1000, 128>}, {pipeline_mode = #tpu.pipeline_mode<synchronous>, transform_indices = @transform_2, window_bounds = array<i64: 1, 128>}, {transform_indices = @transform_3, window_bounds = array<i64: 1000, 1>}, {pipeline_mode = #tpu.pipeline_mode<synchronous>, transform_indices = @transform_4, window_bounds = array<i64: 128, 128>}, {pipeline_mode = #tpu.pipeline_mode<synchronous>, transform_indices = @transform_5, window_bounds = array<i64: 1, 128>}, {transform_indices = @transform_6, window_bounds = array<i64: 1000, 128>}]} {
    %get3A = arith.constant 0 : index
    %get3A_0 = arith.constant 0 : index
    %get3A_1 = vector.load %arg5[%get3A, %get3A_0] : memref<1000x1xf32, #tpu.memory_space<vmem>>, vector<1000x1xf32>
    %get3A_2 = arith.constant 0 : index
    %get3A_3 = arith.constant 0 : index
    %get3A_4 = arith.constant 0 : index
    %get3A_5 = arith.constant 0 : index
    %get3A_6 = vector.load %arg2[%get3A_2, %get3A_3, %get3A_4, %get3A_5] : memref<2x1x1000x128xf32, #tpu.memory_space<vmem>>, vector<1x1x1000x128xf32>
    %get3A_7 = vector.shape_cast %get3A_6 : vector<1x1x1000x128xf32> to vector<1000x128xf32>
    %get3A_8 = arith.constant 1 : index
    %get3A_9 = arith.constant 0 : index
    %get3A_10 = arith.constant 0 : index
    %get3A_11 = arith.constant 0 : index
    %get3A_12 = vector.load %arg2[%get3A_8, %get3A_9, %get3A_10, %get3A_11] : memref<2x1x1000x128xf32, #tpu.memory_space<vmem>>, vector<1x1x1000x128xf32>
    %get3A_13 = vector.shape_cast %get3A_12 : vector<1x1x1000x128xf32> to vector<1000x128xf32>
    %add3A = arith.addf %get3A_7, %get3A_13 : vector<1000x128xf32>
    %get3A_14 = arith.constant 0 : index
    %get3A_15 = arith.constant 0 : index
    %get3A_16 = arith.constant 0 : index
    %get3A_17 = vector.load %arg3[%get3A_14, %get3A_15, %get3A_16] : memref<1x1000x128xf32, #tpu.memory_space<vmem>>, vector<1x1000x128xf32>
    %get3A_18 = vector.shape_cast %get3A_17 : vector<1x1000x128xf32> to vector<1000x128xf32>
    %add3A_19 = arith.addf %add3A, %get3A_18 : vector<1000x128xf32>
    %mul3A = vector.broadcast %get3A_1 : vector<1000x1xf32> to vector<1000x128xf32>
    %mul3A_20 = arith.mulf %mul3A, %add3A_19 : vector<1000x128xf32>
    %get3A_21 = arith.constant 0 : index
    %get3A_22 = arith.constant 0 : index
    %get3A_23 = vector.load %arg4[%get3A_21, %get3A_22] : memref<1x128xf32, #tpu.memory_space<vmem>>, vector<1x128xf32>
    %add3A_24 = vector.broadcast %get3A_23 : vector<1x128xf32> to vector<1000x128xf32>
    %add3A_25 = arith.addf %mul3A_20, %add3A_24 : vector<1000x128xf32>
    %max3A = arith.constant 0.000000e+00 : f32
    %max3A_26 = vector.broadcast %max3A : f32 to vector<1000x128xf32>
    %max3A_27 = arith.maximumf %add3A_25, %max3A_26 : vector<1000x128xf32>
    %eq3A = arith.constant 0 : i32
    %eq3A_28 = arith.cmpi eq, %arg1, %eq3A : i32
    %convert_element_type3A = arith.extui %eq3A_28 : i1 to i32
    %cond3A = arith.constant 0 : i32
    %cond3A_29 = arith.cmpi ne, %convert_element_type3A, %cond3A : i32
    scf.if %cond3A_29 {
      %swap3A = arith.constant 0 : index
      %swap3A_39 = arith.constant 0 : index
      %swap3A_40 = vector.load %arg9[%swap3A, %swap3A_39] : memref<1000x128xf32, #tpu.memory_space<vmem>>, vector<1000x128xf32>
      tpu.vector_store %arg9[%swap3A, %swap3A_39], %max3A_27 {strides = array<i32>} : memref<1000x128xf32, #tpu.memory_space<vmem>>, vector<1000x128xf32>,
    } else {
    }
    %ne3A = arith.constant 0 : i32
    %ne3A_30 = arith.cmpi ne, %arg1, %ne3A : i32
    %convert_element_type3A_31 = arith.extui %ne3A_30 : i1 to i32
    %cond3A_32 = arith.constant 0 : i32
    %cond3A_33 = arith.cmpi ne, %convert_element_type3A_31, %cond3A_32 : i32
    scf.if %cond3A_33 {
      %get3A_39 = arith.constant 0 : index
      %get3A_40 = arith.constant 0 : index
      %get3A_41 = vector.load %arg9[%get3A_39, %get3A_40] : memref<1000x128xf32, #tpu.memory_space<vmem>>, vector<1000x128xf32>
      %add3A_42 = arith.addf %get3A_41, %max3A_27 : vector<1000x128xf32>
      %swap3A = arith.constant 0 : index
      %swap3A_43 = arith.constant 0 : index
      %swap3A_44 = vector.load %arg9[%swap3A, %swap3A_43] : memref<1000x128xf32, #tpu.memory_space<vmem>>, vector<1000x128xf32>
      tpu.vector_store %arg9[%swap3A, %swap3A_43], %add3A_42 {strides = array<i32>} : memref<1000x128xf32, #tpu.memory_space<vmem>>, vector<1000x128xf32>,
    } else {
    }
    %eq3A_34 = arith.constant 11 : i32
    %eq3A_35 = arith.cmpi eq, %arg1, %eq3A_34 : i32
    %convert_element_type3A_36 = arith.extui %eq3A_35 : i1 to i32
    %cond3A_37 = arith.constant 0 : i32
    %cond3A_38 = arith.cmpi ne, %convert_element_type3A_36, %cond3A_37 : i32
    scf.if %cond3A_38 {
      %get3A_39 = arith.constant 0 : index
      %get3A_40 = arith.constant 0 : index
      %get3A_41 = vector.load %arg9[%get3A_39, %get3A_40] : memref<1000x128xf32, #tpu.memory_space<vmem>>, vector<1000x128xf32>
      %mul3A_42 = arith.constant 0.0833333358 : f32
      %mul3A_43 = vector.broadcast %mul3A_42 : f32 to vector<1000x128xf32>
      %mul3A_44 = arith.mulf %get3A_41, %mul3A_43 : vector<1000x128xf32>
      %get3A_45 = arith.constant 0 : index
      %get3A_46 = arith.constant 0 : index
      %get3A_47 = vector.load %arg6[%get3A_45, %get3A_46] : memref<128x128xf32, #tpu.memory_space<vmem>>, vector<128x128xf32>
      %dot_general3A = arith.constant dense<0.000000e+00> : vector<1000x128xf32>
      %dot_general3A_48 = tpu.matmul %mul3A_44, %get3A_47, %dot_general3A {dimension_numbers = #tpu.dot_dimension_numbers<[1], [0], [0], [1], [0, 0, 1, 1], [], []>, transpose_lhs_hint = false} : vector<1000x128xf32>, vector<128x128xf32>, vector<1000x128xf32> -> vector<1000x128xf32>
      %get3A_49 = arith.constant 0 : index
      %get3A_50 = arith.constant 0 : index
      %get3A_51 = vector.load %arg7[%get3A_49, %get3A_50] : memref<1x128xf32, #tpu.memory_space<vmem>>, vector<1x128xf32>
      %add3A_52 = vector.broadcast %get3A_51 : vector<1x128xf32> to vector<1000x128xf32>
      %add3A_53 = arith.addf %dot_general3A_48, %add3A_52 : vector<1000x128xf32>
      %swap3A = arith.constant 0 : index
      %swap3A_54 = arith.constant 0 : index
      %swap3A_55 = vector.load %arg8[%swap3A, %swap3A_54] : memref<1000x128xf32, #tpu.memory_space<vmem>>, vector<1000x128xf32>
      tpu.vector_store %arg8[%swap3A, %swap3A_54], %add3A_53 {strides = array<i32>} : memref<1000x128xf32, #tpu.memory_space<vmem>>, vector<1000x128xf32>,
    } else {
    }
    return
  }
  func.func @transform_0(%arg0: i32, %arg1: i32) -> (i32, i32, i32, i32) {
    %c0_i32 = arith.constant 0 : i32
    %c0_i32_0 = arith.constant 0 : i32
    %c0_i32_1 = arith.constant 0 : i32
    return %c0_i32, %arg1, %arg0, %c0_i32_0 : i32, i32, i32, i32
  }
  func.func @transform_1(%arg0: i32, %arg1: i32) -> (i32, i32, i32) {
    %c0_i32 = arith.constant 0 : i32
    %c0_i32_0 = arith.constant 0 : i32
    return %arg1, %arg0, %c0_i32 : i32, i32, i32
  }
  func.func @transform_2(%arg0: i32, %arg1: i32) -> (i32, i32) {
    %c0_i32 = arith.constant 0 : i32
    %c0_i32_0 = arith.constant 0 : i32
    %c0_i32_1 = arith.constant 0 : i32
    return %c0_i32, %c0_i32_0 : i32, i32
  }
  func.func @transform_3(%arg0: i32, %arg1: i32) -> (i32, i32) {
    %c0_i32 = arith.constant 0 : i32
    %c0_i32_0 = arith.constant 0 : i32
    return %arg0, %c0_i32 : i32, i32
  }
  func.func @transform_4(%arg0: i32, %arg1: i32) -> (i32, i32) {
    %c0_i32 = arith.constant 0 : i32
    %c0_i32_0 = arith.constant 0 : i32
    %c0_i32_1 = arith.constant 0 : i32
    return %c0_i32, %c0_i32_0 : i32, i32
  }
  func.func @transform_5(%arg0: i32, %arg1: i32) -> (i32, i32) {
    %c0_i32 = arith.constant 0 : i32
    %c0_i32_0 = arith.constant 0 : i32
    %c0_i32_1 = arith.constant 0 : i32
    return %c0_i32, %c0_i32_0 : i32, i32
  }
  func.func @transform_6(%arg0: i32, %arg1: i32) -> (i32, i32) {
    %c0_i32 = arith.constant 0 : i32
    %c0_i32_0 = arith.constant 0 : i32
    return %arg0, %c0_i32 : i32, i32
  }
}

</mosaic_0001>

<sc_bundles>
// kernel: kernel.11.cloned.1.call-start
scs
__scs_entry_jumppad:
0x0: {  	(pc) =	sbr.rel $0x88, $3  }
0x1: {  	(tag) =	ssettag $0x0;
	lr =	simm.s32 $0x1  }
0x2: {  	[smem:$0x3F97] =	sst lr;
	_ =	strace $0xD0000000  }
0x3: {  	_ = 	snop  }
0x4: {  	_ = 	snop  }
0x5: {  	_ = 	snop  }
0x6: {  	_ = 	snop  }
0x7: {  	_ = 	snop  }
__scs_overlays_trampoline_lowered:
0x8: {  	[smem:$0x3FA6] =	sst s0  }
0x9: {  	[smem:$0x3FA7] =	sst s1  }
0xa: {  	[smem:$0x3FA8] =	sst s2  }
0xb: {  	[smem:$0x3FA9] =	sst s3  }
0xc: {  	[smem:$0x3FAA] =	sst s4  }
0xd: {  	[smem:$0x3FAB] =	sst s5  }
0xe: {  	[smem:$0x3FAC] =	sst s6  }
0xf: {  	[smem:$0x3FAD] =	sst s7  }
0x10: {  	[smem:$0x3FAE] =	sst s8  }
0x11: {  	[smem:$0x3FAF] =	sst s9;
	s0 =	simm.s32 @!p0 $0x0  }
0x12: {  	s1 =	sld [smem:$0x3F95];
	s0 =	simm.s32 @p0 $0x1  }
0x13: {  	[smem:$0x3FB0] =	sst s0;
	s0 =	simm.s32 @!p1 $0x0  }
0x14: {  	s2 =	sld [smem:$0x3F94];
	s0 =	simm.s32 @p1 $0x1  }
0x15: {  	[smem:$0x3FB1] =	sst s0;
	s0 =	simm.s32 @!p2 $0x0  }
0x16: {  	s3 =	sld [smem:$0x3FDB];
	s0 =	simm.s32 @p2 $0x1  }
0x17: {  	s4 =	simm.s32 $0x1BF5;
	[smem:$0x3FB3] =	sst s0  }
0x18: {  	s0 =	sld [smem:$0x3F96];
	_ =	swait.ge [sflag:s4], $0x0  }
0x19: {  	s7 =	sld [smem:$0x3F97]  }
0x1a: {  	s8 =	sadd.s32 $0xFFFFE003, lr  }
0x1b: {  	s9 =	sadd.s32 $0xFFFFFEF7, lr;
	s5 =	simm.s32 $0xFFFFFFFF;
	p2 =	slt.u32 s8, $0xFFFFF086  }
0x1c: {  	p1 =	slt.u32 s9, $0xF7A;
	s5 =	simm.s32 @!p2 $0x0  }
0x1d: {  	s5 =	simm.s32 @p1 $0x1;
	p0 =	seq.s32 s7, s2  }
0x1e: {  	s7 =	smul.u32 @!p0 $0xF7A, s2;
	p2 =	seq.s32 @!p0 s5, $0x0  }
0x1f: {  	s9 =	smul.u32 $0xF7A, s1;
	s8 =	simm.s32 @!p0 $0x1BF5;
	p2 =	por !p2, p0  }
0x20: {  	[sflag:s8] =	ssyncset.s32 @!p0 $0xFFFFF086;
	s6 =	sadd.s32 @!p0 s3, s7;
	s7 =	simm.s32 @!p0 $0x108  }
0x21: {  	s3 =	sadd.s32 s3, s9;
	s6 =	sadd.s32 @!p0 $0x88, s6;
	s7 =	simm.s32 @p2 $0x1082  }
0x22: {  	[simem:s7], [sflag:s8] =	dma.local @!p0 [hbm:s6], $0xF7A  }
0x23: {  	s9 =	sor.u32 $0xD0000000, s2;
	s6 =	simm.s32 $0x108;
	_ =	swait.ge @!p0 [sflag:s8], $0x0  }
0x24: {  	s3 =	sadd.s32 $0x88, s3;
	s6 =	simm.s32 @!p1 $0x1082;
	[sflag:s4] =	ssyncset.s32 $0xFFFFF086  }
0x25: {  	[simem:s6], [sflag:s4] =	dma.local [hbm:s3], $0xF7A  }
0x26: {  	[smem:$0x3F97] =	sst s1;
	(tag) =	ssettag s2;
	_ =	strace s9  }
0x27: {  	s1 =	sld [smem:$0x3FA7]  }
0x28: {  	s2 =	sld [smem:$0x3FA8]  }
0x29: {  	s4 =	sld [smem:$0x3FAA]  }
0x2a: {  	p0 =	seq.s32 s5, $0x0;
	s5 =	sld [smem:$0x3FAB]  }
0x2b: {  	s6 =	sld [smem:$0x3FAC]  }
0x2c: {  	s7 =	sld [smem:$0x3FAD]  }
0x2d: {  	s3 =	simm.s32 $0x108;
	s8 =	sld [smem:$0x3FAE]  }
0x2e: {  	s3 =	simm.s32 @!p0 $0x1082;
	s9 =	sld [smem:$0x3FAF]  }
0x2f: {  	lr =	sadd.s32 s0, s3;
	s0 =	sld [smem:$0x3FA6]  }
0x30: {  	s3 =	sld [smem:$0x3FA9]  }
0x31: {  	[smem:$0x3FB2] =	sst s10  }
0x32: {  	s10 =	sld [smem:$0x3FB0];
	_ =	sdelay $0x3  }
0x33: {  	p0 =	seq.s32 s10, $0x1;
	s10 =	sld [smem:$0x3FB2];
	_ =	sdelay $0x3  }
0x34: {  	[smem:$0x3FB2] =	sst s10  }
0x35: {  	s10 =	sld [smem:$0x3FB1];
	_ =	sdelay $0x3  }
0x36: {  	p1 =	seq.s32 s10, $0x1;
	s10 =	sld [smem:$0x3FB2];
	_ =	sdelay $0x3  }
0x37: {  	[smem:$0x3FB2] =	sst s10  }
0x38: {  	s10 =	sld [smem:$0x3FB3]  }
0x39: {  	_ = 	snop;
	(pc) =	sbr.ind lr, $3  }
0x3a: {  	_ = 	snop  }
0x3b: {  	_ = 	snop  }
0x3c: {  	p2 =	seq.s32 s10, $0x1;
	s10 =	sld [smem:$0x3FB2]  }
0x3d: {  	_ =	shalt  }
0x3e: {  	_ =	shalt  }
0x3f: {  	_ =	shalt  }
0x40: {  	_ =	shalt  }
0x41: {  	_ =	shalt  }
0x42: {  	_ =	shalt  }
0x43: {  	_ =	shalt  }
0x44: {  	_ =	shalt  }
0x45: {  	_ =	shalt  }
0x46: {  	_ =	shalt  }
0x47: {  	_ =	shalt  }
0x48: {  	_ =	shalt  }
0x49: {  	_ =	shalt  }
0x4a: {  	_ =	shalt  }
0x4b: {  	_ =	shalt  }
0x4c: {  	_ =	shalt  }
0x4d: {  	_ =	shalt  }
0x4e: {  	_ =	shalt  }
0x4f: {  	_ =	shalt  }
0x50: {  	_ =	shalt  }
0x51: {  	_ =	shalt  }
0x52: {  	_ =	shalt  }
0x53: {  	_ =	shalt  }
0x54: {  	_ =	shalt  }
0x55: {  	_ =	shalt  }
0x56: {  	_ =	shalt  }
0x57: {  	_ =	shalt  }
0x58: {  	_ =	shalt  }
0x59: {  	_ =	shalt  }
0x5a: {  	_ =	shalt  }
0x5b: {  	_ =	shalt  }
0x5c: {  	_ =	shalt  }
0x5d: {  	_ =	shalt  }
0x5e: {  	_ =	shalt  }
0x5f: {  	_ =	shalt  }
0x60: {  	_ =	shalt  }
0x61: {  	_ =	shalt  }
0x62: {  	_ =	shalt  }
0x63: {  	_ =	shalt  }
0x64: {  	_ =	shalt  }
0x65: {  	_ =	shalt  }
0x66: {  	_ =	shalt  }
0x67: {  	_ =	shalt  }
0x68: {  	_ =	shalt  }
0x69: {  	_ =	shalt  }
0x6a: {  	_ =	shalt  }
0x6b: {  	_ =	shalt  }
0x6c: {  	_ =	shalt  }
0x6d: {  	_ =	shalt  }
0x6e: {  	_ =	shalt  }
0x6f: {  	_ =	shalt  }
0x70: {  	_ =	shalt  }
0x71: {  	_ =	shalt  }
0x72: {  	_ =	shalt  }
0x73: {  	_ =	shalt  }
0x74: {  	_ =	shalt  }
0x75: {  	_ =	shalt  }
0x76: {  	_ =	shalt  }
0x77: {  	_ =	shalt  }
0x78: {  	_ =	shalt  }
0x79: {  	_ =	shalt  }
0x7a: {  	_ =	shalt  }
0x7b: {  	_ =	shalt  }
0x7c: {  	_ =	shalt  }
0x7d: {  	_ =	shalt  }
0x7e: {  	_ =	shalt  }
0x7f: {  	_ =	shalt  }
0x80: {  	_ =	shalt  }
0x81: {  	_ =	shalt  }
0x82: {  	_ =	shalt  }
0x83: {  	_ =	shalt  }
0x84: {  	_ =	shalt  }
0x85: {  	_ =	shalt  }
0x86: {  	_ =	shalt  }
0x87: {  	_ =	shalt  }
.Lfunc_end0:
.L_simem_size_0:
called_computation_lowered:
.L_overlay_start_0:
0x88: {  	s2 =	sld [smem:$0x3FD9]  }
0x89: {  	s3 =	sld [smem:$0x3FFE];
	_ =	sdelay $0x1  }
0x8a: {  	s1 =	srdreg.scid  }
0x8b: {  	s0 =	sand.u32 $0x1, s1  }
0x8c: {  	s16 =	sshll.u32 s0, $0xA;
	s2 =	sadd.s32 s3, s2  }
0x8d: {  	s2 =	sadd.s32 s2, s16  }
0x8e: {  	[smem:$0x3FBE] =	sst s2  }
0x8f: {  	_ = 	snop  }
0x90: {  	(tm) =	ssettm $0x1  }
0x91: {  	s17 =	sld [smem:$0x3FFB];
	_ =	sdelay $0x3  }
0x92: {  	_ =	strace s17  }
0x93: {  	s2 =	sld [smem:$0x3FFC];
	_ =	sdelay $0x3  }
0x94: {  	_ =	strace s2  }
0x95: {  	s2 =	sld [smem:$0x3FFD];
	_ =	sdelay $0x3  }
0x96: {  	_ =	strace s2  }
0x97: {  	_ =	strace $0x8FFFFFFF  }
0x98: {  	s18 =	sld [smem:$0x3FDB];
	_ =	sdelay $0x1  }
0x99: {  	s19 =	simm.s32 $_scs_section_size  }
0x9a: {  	s4 =	simm.s32 $_size__tile_overlayer_lowered;
	s5 =	simm.s32 $_tile_overlayer_lowered  }
0x9b: {  	s22 =	simm.s32 $0x1BFF;
	s21 =	sshll.u32 s5, $0x1;
	s2 =	sadd.s32 s19, s18  }
0x9c: {  	s6 =	simm.s32 $0x0;
	s20 =	sshll.u32 s4, $0x1;
	s4 =	sadd.s32 s21, s2  }
0x9d: {  	[timem:s6], [sflag:s22] =	dma.local [hbm:s4], s20  }
0x9e: {  	_ =	swait.ge [sflag:s22], s20  }
0x9f: {  	s3 =	ssub.s32 $0x0, s20;
	[sflag:s22] =	ssyncset.done $0x0  }
0xa0: {  	[sflag:s22] =	ssyncadd.s32 s3;
	_ =	sdelay $0x1  }
0xa1: {  	s23 =	simm.s32 $0x1B8B  }
0xa2: {  	_ =	swait.ge [sflag:s23], $0x1  }
0xa3: {  	[sflag:s23] =	ssyncset.done $0x0  }
0xa4: {  	s25 =	simm.s32 $0x1B8E;
	s24 =	sld [smem:$0x3FFE];
	[sflag:s23] =	ssyncadd.s32 $0xFFFFFFFF  }
0xa5: {  	s26 =	simm.s32 $execute0_lowered;
	[smem:$0x3FD2] =	sst s25  }
0xa6: {  	s4 =	sshll.u32 s26, $0x1;
	_ =	strace $0x80000046;
	[dreg:$0x1] =	wrdreg $0xFFFFFFFF  }
0xa7: {  	s28 =	simm.s32 $_size_execute0_lowered;
	s2 =	sadd.s32 s2, s4;
	[dreg:$0x0] =	wrdreg $0x0  }
0xa8: {  	s4 =	sshll.u32 s28, $0x1;
	[dreg:$0x2] =	wrdreg s2  }
0xa9: {  	[dreg:$0x3] =	wrdreg s4  }
0xaa: {  	[dreg:$0x4] =	wrdreg $0xC0  }
0xab: {  	_ =	task [dreg:s6], $0x5FFFF  }
0xac: {  	[dreg:$0x1] =	wrdreg $0xFFFFFFFF  }
0xad: {  	[dreg:$0x0] =	wrdreg $0x60  }
0xae: {  	[dreg:$0x2] =	wrdreg s24  }
0xaf: {  	[dreg:$0x3] =	wrdreg $0x88000  }
0xb0: {  	[dreg:$0x4] =	wrdreg $0x9  }
0xb1: {  	_ =	task.clear_ibuf [dreg:s6], $0x5FFFF;
	_ =	strace $0x90000046  }
0xb2: {  	s29 =	simm.s32 $0x9;
	_ =	strace $0x80000048  }
0xb3: {  	_ =	swait.ge [sflag:s29], $0x1  }
0xb4: {  	[sflag:s29] =	ssyncadd.s32 $0xFFFFFFFF  }
0xb5: {  	_ =	strace $0x90000048  }
0xb6: {  	_ =	sfence  }
0xb7: {  	s30 =	sld [smem:$0x0];
	_ =	sdelay $0x2  }
0xb8: {  	s31 =	sshll.u32 s1, $0xD;
	s1 =	sshrl.u32 s1, $0x2  }
0xb9: {  	s3 =	sand.u32 $0x4000, s31;
	s1 =	sadd.s32 s1, s30  }
0xba: {  	s0 =	sor.u32 s3, s0;
	s1 =	sshll.u32 s1, $0x11  }
0xbb: {  	s0 =	sor.u32 s1, s0  }
0xbc: {  	s0 =	sadd.s32 $0x8F2B, s0  }
0xbd: {  	[sflag:s0] =	ssyncadd.remote.s32 $0x1  }
0xbe: {  	_ =	sfence.sel $0xFFFF  }
0xbf: {  	[dreg:$0x0] =	wrdreg $0xFFFFFFFF;
	(pc) =	sbr.abs _section_cstart, $3  }
0xc0: {  	[dreg:$0x1] =	wrdreg $0xFFFFFFFF  }
0xc1: {  	_ =	task.clear_ibuf [dreg:s6], $0x2FFFF;
	_ =	strace $0x9FFFFFFF  }
0xc2: {  	(tm) =	ssettm $0x7FFFFFFF  }
0xc3: {  	_ =	shalt  }
tec
execute0_lowered:
.L_overlay_start_1:
0x0: {  	(tag) =	ssettag $0x1  }
0x1: {  	s1 =	srdreg.scid;
	s7 =	rddreg [dreg:$0x0]  }
0x2: {  	s0 =	stileid.u32;
	s2 =	rddreg [dreg:$0x1]  }
0x3: {  	s3 =	simm.s32 $0x0;
	s19 =	simm.s32 $0x1;
	s20 =	simm.s32 $0x2800  }
0x4: {  	s21 =	simm.s32 $0x6800;
	s22 =	simm.s32 $0x80;
	s25 =	simm.s32 $0x0  }
0x5: {  	s5 =	sand.u32 $0x1, s1;
	s30 =	sshll.u32 s0, $0x1;
	s8 =	smul.u32 $0x14000, s0  }
0x6: {  	[smem:$0x7FF] =	sst s3;
	s10 =	smul.u32 $0x50000, s0;
	s23 =	sshll.u32 s0, $0x6  }
0x7: {  	s1 =	sor.u32 s5, s30;
	s6 =	smul.u32 $0x140000, s5;
	s5 =	ssub.s32 $0x2, s5  }
0x8: {  	s23 =	sor.u32 $0x1C01, s23;
	s4 =	smul.u32 $0x500, s1;
	s1 =	rddreg [dreg:$0x2]  }
0x9: {  	_ =	strace $0x80000047;
	s31 =	sshrl.u32 s5, $0x1;
	s10 =	sshrl.u32 s10, $0x2  }
0xa: {  	s6 =	sadd.s32 s8, s6;
	s18 =	ssub.s32 s5, s31;
	s5 =	sadd.s32 s10, s2  }
0xb: {  	s9 =	sadd.s32 s4, s7;
	s4 =	sadd.s32 $0xC000, s7;
	s6 =	sshrl.u32 s6, $0x3  }
0xc: {  	s8 =	sadd.s32 $0x2000, s5;
	s10 =	sadd.s32 $0x6000, s5;
	s11 =	sadd.s32 $0x8000, s5  }
0xd: {  	s12 =	sadd.s32 $0xA000, s5;
	s13 =	sadd.s32 $0xC000, s5;
	s14 =	sadd.s32 $0xE000, s5  }
0xe: {  	s15 =	sadd.s32 $0x10000, s5;
	s16 =	sadd.s32 $0x12000, s5;
	s18 =	smax.u32 s18, $0x1  }
0xf: {  	s24 =	sshrl.u32 s5, $0x3;
	s17 =	sadd.s32 s6, s7;
	s6 =	sadd.s32 $0x2000, s9  }
0x10: {  	s7 =	sadd.s32 $0xC800, s7;
	s9 =	sadd.s32 $0x4000, s5;
	s17 =	sadd.s32 $0xD000, s17  }
.LBB2_1:
0x11: {  	[tilespmem:s3], [sflag:$0x1] =	stream.linear.gather [hbm4b:s6+s3], $0x2800, $0x38;
	[tilespmem:$0x1C800] =	vst v63  }
0x12: {  	_ =	swait.ge [sflag:s19], $0x2800  }
0x13: {  	[sflag:s19] =	ssyncset.done $0x0  }
0x14: {  	[sflag:s19] =	ssyncadd.s32 $0xFFFFD800  }
0x15: {  	[tilespmem:s20], [sflag:$0x1] =	stream.linear.gather [hbm4b:s4+s3], $0x4000, $0x38;
	[tilespmem:$0x1C800] =	vst v63  }
0x16: {  	_ =	swait.ge [sflag:s19], $0x4000  }
0x17: {  	[sflag:s19] =	ssyncset.done $0x0  }
0x18: {  	[sflag:s19] =	ssyncadd.s32 $0xFFFFC000  }
0x19: {  	[tilespmem:s21], [sflag:$0x1] =	stream.linear.gather [hbm4b:s7+s3], $0x2000, $0x38;
	[tilespmem:$0x1C800] =	vst v63  }
0x1a: {  	_ =	swait.ge [sflag:s19], $0x2000  }
0x1b: {  	[sflag:s19] =	ssyncset.done $0x0  }
0x1c: {  	[sflag:s19] =	ssyncadd.s32 $0xFFFFE000  }
0x1d: {  	[spmem:s5] =	stream.linear.scatter [tilespmem:s21], [sflag:$0x1], $0x2000, $0x38;
	[tilespmem:$0x1C800] =	vst v63  }
0x1e: {  	_ =	swait.ge [sflag:s19], $0x2000  }
0x1f: {  	[sflag:s19] =	ssyncset.done $0x0  }
0x20: {  	[sflag:s19] =	ssyncadd.s32 $0xFFFFE000  }
0x21: {  	[spmem:s8] =	stream.linear.scatter [tilespmem:s21], [sflag:$0x1], $0x2000, $0x38;
	[tilespmem:$0x1C800] =	vst v63  }
0x22: {  	_ =	swait.ge [sflag:s19], $0x2000  }
0x23: {  	[sflag:s19] =	ssyncset.done $0x0  }
0x24: {  	[sflag:s19] =	ssyncadd.s32 $0xFFFFE000  }
0x25: {  	[spmem:s9] =	stream.linear.scatter [tilespmem:s21], [sflag:$0x1], $0x2000, $0x38;
	[tilespmem:$0x1C800] =	vst v63  }
0x26: {  	_ =	swait.ge [sflag:s19], $0x2000  }
0x27: {  	[sflag:s19] =	ssyncset.done $0x0  }
0x28: {  	[sflag:s19] =	ssyncadd.s32 $0xFFFFE000  }
0x29: {  	[spmem:s10] =	stream.linear.scatter [tilespmem:s21], [sflag:$0x1], $0x2000, $0x38;
	[tilespmem:$0x1C800] =	vst v63  }
0x2a: {  	_ =	swait.ge [sflag:s19], $0x2000  }
0x2b: {  	[sflag:s19] =	ssyncset.done $0x0  }
0x2c: {  	[sflag:s19] =	ssyncadd.s32 $0xFFFFE000  }
0x2d: {  	[spmem:s11] =	stream.linear.scatter [tilespmem:s21], [sflag:$0x1], $0x2000, $0x38;
	[tilespmem:$0x1C800] =	vst v63  }
0x2e: {  	_ =	swait.ge [sflag:s19], $0x2000  }
0x2f: {  	[sflag:s19] =	ssyncset.done $0x0  }
0x30: {  	[sflag:s19] =	ssyncadd.s32 $0xFFFFE000  }
0x31: {  	[spmem:s12] =	stream.linear.scatter [tilespmem:s21], [sflag:$0x1], $0x2000, $0x38;
	[tilespmem:$0x1C800] =	vst v63  }
0x32: {  	_ =	swait.ge [sflag:s19], $0x2000  }
0x33: {  	[sflag:s19] =	ssyncset.done $0x0  }
0x34: {  	[sflag:s19] =	ssyncadd.s32 $0xFFFFE000  }
0x35: {  	[spmem:s13] =	stream.linear.scatter [tilespmem:s21], [sflag:$0x1], $0x2000, $0x38;
	[tilespmem:$0x1C800] =	vst v63  }
0x36: {  	_ =	swait.ge [sflag:s19], $0x2000  }
0x37: {  	[sflag:s19] =	ssyncset.done $0x0  }
0x38: {  	[sflag:s19] =	ssyncadd.s32 $0xFFFFE000  }
0x39: {  	[spmem:s14] =	stream.linear.scatter [tilespmem:s21], [sflag:$0x1], $0x2000, $0x38;
	[tilespmem:$0x1C800] =	vst v63  }
0x3a: {  	_ =	swait.ge [sflag:s19], $0x2000  }
0x3b: {  	[sflag:s19] =	ssyncset.done $0x0  }
0x3c: {  	[sflag:s19] =	ssyncadd.s32 $0xFFFFE000  }
0x3d: {  	[spmem:s15] =	stream.linear.scatter [tilespmem:s21], [sflag:$0x1], $0x2000, $0x38;
	[tilespmem:$0x1C800] =	vst v63  }
0x3e: {  	_ =	swait.ge [sflag:s19], $0x2000  }
0x3f: {  	[sflag:s19] =	ssyncset.done $0x0  }
0x40: {  	[sflag:s19] =	ssyncadd.s32 $0xFFFFE000  }
0x41: {  	[spmem:s16] =	stream.linear.scatter [tilespmem:s21], [sflag:$0x1], $0x2000, $0x38;
	[tilespmem:$0x1C800] =	vst v63  }
0x42: {  	_ =	swait.ge [sflag:s19], $0x2000  }
0x43: {  	[sflag:s19] =	ssyncset.done $0x0  }
0x44: {  	[sflag:s19] =	ssyncadd.s32 $0xFFFFE000  }
0x45: {  	s26 =	simm.s32 $0x0;
	[bflag:$0x0] =	sbarrier.arrive $0xFFFF  }
0x46: {  	[spmem:s2] =	stream.indirect.scatter.add.f32 [tilespmem:s20], [sflag:$0x1], $0x80, s26, s22, $0xb8;
	[tilespmem:$0x1C800] =	vst v63  }
0x47: {  	_ =	swait.ge [sflag:s19], $0x4000  }
0x48: {  	s26 =	simm.s32 $0x200;
	[sflag:s19] =	ssyncset.done $0x0  }
.LBB2_2:
0x49: {  	s28 =	sshra.s32 s26, $0x2;
	[sflag:s19] =	ssyncadd.s32 $0xFFFFC000;
	p0 =	sne.s32 s26, $0x9E00  }
0x4a: {  	[spmem:s2] =	stream.indirect.scatter.add.f32 [tilespmem:s20], [sflag:$0x1], $0x80, s28, s22, $0xb8;
	[tilespmem:$0x1C800] =	vst v63  }
.Ltmp0:
0x4b: {  	_ = 	snop;
	(pc) =	sbr.rel @p0 .LBB2_2-.Ltmp0, $4  }
0x4c: {  	_ = 	snop  }
0x4d: {  	s26 =	sadd.s32 $0x200, s26  }
0x4e: {  	_ =	swait.ge [sflag:s19], $0x4000  }
0x4f: {  	[sflag:s19] =	ssyncset.done $0x0  }
0x50: {  	s25 =	sadd.s32 $0x1, s25  }
0x51: {  	[sflag:s19] =	ssyncadd.s32 $0xFFFFC000;
	p0 =	sne.s32 s25, s18  }
.Ltmp1:
0x52: {  	[bflag:$0x0] =	sbarrier.arrive $0xFFFF;
	(pc) =	sbr.rel @p0 .LBB2_1-.Ltmp1, $4  }
0x53: {  	[hbm:s17], [sflag:s23] =	dma.local [spmem:s24], $0x2800  }
0x54: {  	_ =	swait.ge [sflag:s19], $0x2800  }
0x55: {  	[sflag:s19] =	ssyncset.done $0x0  }
0x56: {  	[sflag:s19] =	ssyncadd.s32 $0xFFFFD800  }
0x57: {  	_ =	sfence.sel $0x180000  }
0x58: {  	[bflag:$0x0] =	sbarrier.arrive $0xFFFF  }
0x59: {  	p0 =	sne.s32 s0, $0x0;
	_ =	strace $0x90000047  }
0x5a: {  	s0 =	sadd.s32 @!p0 $0x100000, s1;
	[bflag:$0x2] =	sbarrier.arrive $0xFFFF  }
0x5b: {  	[sflag:s0] =	ssyncadd.tile.s32 @!p0 $0x1;
	_ =	shalt  }
.Lfunc_end2:
_tile_overlayer_lowered:
.L_overlay_start_2:
0x5c: {  	(tag) =	ssettag $0x2  }
0x5d: {  	s0 =	rddreg [dreg:$0x0];
	s2 =	stileid.u32  }
0x5e: {  	s1 =	rddreg [dreg:$0x1];
	p0 =	sne.s32 s2, $0x0  }
0x5f: {  	s3 =	rddreg [dreg:$0x2];
	[bflag:$0x3] =	sbarrier.arrive $0xFFFF;
	s2 =	simm.s32 @!p0 $0x1C01  }
0x60: {  	[timem:s3], [sflag:s2] =	dma.local @!p0 [hbm:s0], s1  }
0x61: {  	s0 =	simm.s32 @!p0 $0x1  }
0x62: {  	_ =	swait.ge @!p0 [sflag:s0], s1  }
0x63: {  	s1 =	ssub.s32 @!p0 $0x0, s1;
	[sflag:s0] =	ssyncset.done @!p0 $0x0  }
0x64: {  	[sflag:s0] =	ssyncadd.s32 @!p0 s1  }
0x65: {  	[bflag:$0x3] =	sbarrier.arrive $0xFFFF  }
0x66: {  	_ =	shalt  }

// kernel: kernel.14.cloned.1.call-start
scs
__scs_entry_jumppad:
0x0: {  	(pc) =	sbr.rel $0x88, $3  }
0x1: {  	(tag) =	ssettag $0x0;
	lr =	simm.s32 $0x1  }
0x2: {  	[smem:$0x3F97] =	sst lr;
	_ =	strace $0xD0000000  }
0x3: {  	_ = 	snop  }
0x4: {  	_ = 	snop  }
0x5: {  	_ = 	snop  }
0x6: {  	_ = 	snop  }
0x7: {  	_ = 	snop  }
__scs_overlays_trampoline_lowered:
0x8: {  	[smem:$0x3FA6] =	sst s0  }
0x9: {  	[smem:$0x3FA7] =	sst s1  }
0xa: {  	[smem:$0x3FA8] =	sst s2  }
0xb: {  	[smem:$0x3FA9] =	sst s3  }
0xc: {  	[smem:$0x3FAA] =	sst s4  }
0xd: {  	[smem:$0x3FAB] =	sst s5  }
0xe: {  	[smem:$0x3FAC] =	sst s6  }
0xf: {  	[smem:$0x3FAD] =	sst s7  }
0x10: {  	[smem:$0x3FAE] =	sst s8  }
0x11: {  	[smem:$0x3FAF] =	sst s9;
	s0 =	simm.s32 @!p0 $0x0  }
0x12: {  	s1 =	sld [smem:$0x3F95];
	s0 =	simm.s32 @p0 $0x1  }
0x13: {  	[smem:$0x3FB0] =	sst s0;
	s0 =	simm.s32 @!p1 $0x0  }
0x14: {  	s2 =	sld [smem:$0x3F94];
	s0 =	simm.s32 @p1 $0x1  }
0x15: {  	[smem:$0x3FB1] =	sst s0;
	s0 =	simm.s32 @!p2 $0x0  }
0x16: {  	s3 =	sld [smem:$0x3FDB];
	s0 =	simm.s32 @p2 $0x1  }
0x17: {  	s4 =	simm.s32 $0x1BF5;
	[smem:$0x3FB3] =	sst s0  }
0x18: {  	s0 =	sld [smem:$0x3F96];
	_ =	swait.ge [sflag:s4], $0x0  }
0x19: {  	s7 =	sld [smem:$0x3F97]  }
0x1a: {  	s8 =	sadd.s32 $0xFFFFE003, lr  }
0x1b: {  	s9 =	sadd.s32 $0xFFFFFEF7, lr;
	s5 =	simm.s32 $0xFFFFFFFF;
	p2 =	slt.u32 s8, $0xFFFFF086  }
0x1c: {  	p1 =	slt.u32 s9, $0xF7A;
	s5 =	simm.s32 @!p2 $0x0  }
0x1d: {  	s5 =	simm.s32 @p1 $0x1;
	p0 =	seq.s32 s7, s2  }
0x1e: {  	s7 =	smul.u32 @!p0 $0xF7A, s2;
	p2 =	seq.s32 @!p0 s5, $0x0  }
0x1f: {  	s9 =	smul.u32 $0xF7A, s1;
	s8 =	simm.s32 @!p0 $0x1BF5;
	p2 =	por !p2, p0  }
0x20: {  	[sflag:s8] =	ssyncset.s32 @!p0 $0xFFFFF086;
	s6 =	sadd.s32 @!p0 s3, s7;
	s7 =	simm.s32 @!p0 $0x108  }
0x21: {  	s3 =	sadd.s32 s3, s9;
	s6 =	sadd.s32 @!p0 $0x88, s6;
	s7 =	simm.s32 @p2 $0x1082  }
0x22: {  	[simem:s7], [sflag:s8] =	dma.local @!p0 [hbm:s6], $0xF7A  }
0x23: {  	s9 =	sor.u32 $0xD0000000, s2;
	s6 =	simm.s32 $0x108;
	_ =	swait.ge @!p0 [sflag:s8], $0x0  }
0x24: {  	s3 =	sadd.s32 $0x88, s3;
	s6 =	simm.s32 @!p1 $0x1082;
	[sflag:s4] =	ssyncset.s32 $0xFFFFF086  }
0x25: {  	[simem:s6], [sflag:s4] =	dma.local [hbm:s3], $0xF7A  }
0x26: {  	[smem:$0x3F97] =	sst s1;
	(tag) =	ssettag s2;
	_ =	strace s9  }
0x27: {  	s1 =	sld [smem:$0x3FA7]  }
0x28: {  	s2 =	sld [smem:$0x3FA8]  }
0x29: {  	s4 =	sld [smem:$0x3FAA]  }
0x2a: {  	p0 =	seq.s32 s5, $0x0;
	s5 =	sld [smem:$0x3FAB]  }
0x2b: {  	s6 =	sld [smem:$0x3FAC]  }
0x2c: {  	s7 =	sld [smem:$0x3FAD]  }
0x2d: {  	s3 =	simm.s32 $0x108;
	s8 =	sld [smem:$0x3FAE]  }
0x2e: {  	s3 =	simm.s32 @!p0 $0x1082;
	s9 =	sld [smem:$0x3FAF]  }
0x2f: {  	lr =	sadd.s32 s0, s3;
	s0 =	sld [smem:$0x3FA6]  }
0x30: {  	s3 =	sld [smem:$0x3FA9]  }
0x31: {  	[smem:$0x3FB2] =	sst s10  }
0x32: {  	s10 =	sld [smem:$0x3FB0];
	_ =	sdelay $0x3  }
0x33: {  	p0 =	seq.s32 s10, $0x1;
	s10 =	sld [smem:$0x3FB2];
	_ =	sdelay $0x3  }
0x34: {  	[smem:$0x3FB2] =	sst s10  }
0x35: {  	s10 =	sld [smem:$0x3FB1];
	_ =	sdelay $0x3  }
0x36: {  	p1 =	seq.s32 s10, $0x1;
	s10 =	sld [smem:$0x3FB2];
	_ =	sdelay $0x3  }
0x37: {  	[smem:$0x3FB2] =	sst s10  }
0x38: {  	s10 =	sld [smem:$0x3FB3]  }
0x39: {  	_ = 	snop;
	(pc) =	sbr.ind lr, $3  }
0x3a: {  	_ = 	snop  }
0x3b: {  	_ = 	snop  }
0x3c: {  	p2 =	seq.s32 s10, $0x1;
	s10 =	sld [smem:$0x3FB2]  }
0x3d: {  	_ =	shalt  }
0x3e: {  	_ =	shalt  }
0x3f: {  	_ =	shalt  }
0x40: {  	_ =	shalt  }
0x41: {  	_ =	shalt  }
0x42: {  	_ =	shalt  }
0x43: {  	_ =	shalt  }
0x44: {  	_ =	shalt  }
0x45: {  	_ =	shalt  }
0x46: {  	_ =	shalt  }
0x47: {  	_ =	shalt  }
0x48: {  	_ =	shalt  }
0x49: {  	_ =	shalt  }
0x4a: {  	_ =	shalt  }
0x4b: {  	_ =	shalt  }
0x4c: {  	_ =	shalt  }
0x4d: {  	_ =	shalt  }
0x4e: {  	_ =	shalt  }
0x4f: {  	_ =	shalt  }
0x50: {  	_ =	shalt  }
0x51: {  	_ =	shalt  }
0x52: {  	_ =	shalt  }
0x53: {  	_ =	shalt  }
0x54: {  	_ =	shalt  }
0x55: {  	_ =	shalt  }
0x56: {  	_ =	shalt  }
0x57: {  	_ =	shalt  }
0x58: {  	_ =	shalt  }
0x59: {  	_ =	shalt  }
0x5a: {  	_ =	shalt  }
0x5b: {  	_ =	shalt  }
0x5c: {  	_ =	shalt  }
0x5d: {  	_ =	shalt  }
0x5e: {  	_ =	shalt  }
0x5f: {  	_ =	shalt  }
0x60: {  	_ =	shalt  }
0x61: {  	_ =	shalt  }
0x62: {  	_ =	shalt  }
0x63: {  	_ =	shalt  }
0x64: {  	_ =	shalt  }
0x65: {  	_ =	shalt  }
0x66: {  	_ =	shalt  }
0x67: {  	_ =	shalt  }
0x68: {  	_ =	shalt  }
0x69: {  	_ =	shalt  }
0x6a: {  	_ =	shalt  }
0x6b: {  	_ =	shalt  }
0x6c: {  	_ =	shalt  }
0x6d: {  	_ =	shalt  }
0x6e: {  	_ =	shalt  }
0x6f: {  	_ =	shalt  }
0x70: {  	_ =	shalt  }
0x71: {  	_ =	shalt  }
0x72: {  	_ =	shalt  }
0x73: {  	_ =	shalt  }
0x74: {  	_ =	shalt  }
0x75: {  	_ =	shalt  }
0x76: {  	_ =	shalt  }
0x77: {  	_ =	shalt  }
0x78: {  	_ =	shalt  }
0x79: {  	_ =	shalt  }
0x7a: {  	_ =	shalt  }
0x7b: {  	_ =	shalt  }
0x7c: {  	_ =	shalt  }
0x7d: {  	_ =	shalt  }
0x7e: {  	_ =	shalt  }
0x7f: {  	_ =	shalt  }
0x80: {  	_ =	shalt  }
0x81: {  	_ =	shalt  }
0x82: {  	_ =	shalt  }
0x83: {  	_ =	shalt  }
0x84: {  	_ =	shalt  }
0x85: {  	_ =	shalt  }
0x86: {  	_ =	shalt  }
0x87: {  	_ =	shalt  }
.Lfunc_end0:
.L_simem_size_0:
called_computation.1_lowered:
.L_overlay_start_0:
0x88: {  	s2 =	sld [smem:$0x3FD9]  }
0x89: {  	s3 =	sld [smem:$0x3FFE];
	_ =	sdelay $0x1  }
0x8a: {  	s1 =	srdreg.scid  }
0x8b: {  	s0 =	sand.u32 $0x1, s1  }
0x8c: {  	s16 =	sshll.u32 s0, $0xA;
	s2 =	sadd.s32 s3, s2  }
0x8d: {  	s2 =	sadd.s32 s2, s16  }
0x8e: {  	[smem:$0x3FBE] =	sst s2  }
0x8f: {  	_ = 	snop  }
0x90: {  	(tm) =	ssettm $0x1  }
0x91: {  	s17 =	sld [smem:$0x3FFB];
	_ =	sdelay $0x3  }
0x92: {  	_ =	strace s17  }
0x93: {  	s2 =	sld [smem:$0x3FFC];
	_ =	sdelay $0x3  }
0x94: {  	_ =	strace s2  }
0x95: {  	s2 =	sld [smem:$0x3FFD];
	_ =	sdelay $0x3  }
0x96: {  	_ =	strace s2  }
0x97: {  	_ =	strace $0x8FFFFFFF  }
0x98: {  	s18 =	sld [smem:$0x3FDB];
	_ =	sdelay $0x1  }
0x99: {  	s19 =	simm.s32 $_scs_section_size  }
0x9a: {  	s4 =	simm.s32 $_size__tile_overlayer_lowered;
	s5 =	simm.s32 $_tile_overlayer_lowered  }
0x9b: {  	s22 =	simm.s32 $0x1BFF;
	s21 =	sshll.u32 s5, $0x1;
	s2 =	sadd.s32 s19, s18  }
0x9c: {  	s6 =	simm.s32 $0x0;
	s20 =	sshll.u32 s4, $0x1;
	s4 =	sadd.s32 s21, s2  }
0x9d: {  	[timem:s6], [sflag:s22] =	dma.local [hbm:s4], s20  }
0x9e: {  	_ =	swait.ge [sflag:s22], s20  }
0x9f: {  	s3 =	ssub.s32 $0x0, s20;
	[sflag:s22] =	ssyncset.done $0x0  }
0xa0: {  	[sflag:s22] =	ssyncadd.s32 s3;
	_ =	sdelay $0x1  }
0xa1: {  	s23 =	simm.s32 $0x1B8B  }
0xa2: {  	_ =	swait.ge [sflag:s23], $0x1  }
0xa3: {  	[sflag:s23] =	ssyncset.done $0x0  }
0xa4: {  	s25 =	simm.s32 $0x1B8E;
	s24 =	sld [smem:$0x3FFE];
	[sflag:s23] =	ssyncadd.s32 $0xFFFFFFFF  }
0xa5: {  	s26 =	simm.s32 $execute0_lowered;
	[smem:$0x3FD2] =	sst s25  }
0xa6: {  	s4 =	sshll.u32 s26, $0x1;
	_ =	strace $0x80000049;
	[dreg:$0x1] =	wrdreg $0xFFFFFFFF  }
0xa7: {  	s28 =	simm.s32 $_size_execute0_lowered;
	s2 =	sadd.s32 s2, s4;
	[dreg:$0x0] =	wrdreg $0x0  }
0xa8: {  	s4 =	sshll.u32 s28, $0x1;
	[dreg:$0x2] =	wrdreg s2  }
0xa9: {  	[dreg:$0x3] =	wrdreg s4  }
0xaa: {  	[dreg:$0x4] =	wrdreg $0xC0  }
0xab: {  	_ =	task [dreg:s6], $0x5FFFF  }
0xac: {  	[dreg:$0x1] =	wrdreg $0xFFFFFFFF  }
0xad: {  	[dreg:$0x0] =	wrdreg $0x60  }
0xae: {  	[dreg:$0x2] =	wrdreg s24  }
0xaf: {  	[dreg:$0x3] =	wrdreg $0x90000  }
0xb0: {  	[dreg:$0x4] =	wrdreg $0x130000  }
0xb1: {  	[dreg:$0x5] =	wrdreg $0x9  }
0xb2: {  	_ =	task.clear_ibuf [dreg:s6], $0x6FFFF;
	_ =	strace $0x90000049  }
0xb3: {  	s29 =	simm.s32 $0x9;
	_ =	strace $0x8000004B  }
0xb4: {  	_ =	swait.ge [sflag:s29], $0x1  }
0xb5: {  	[sflag:s29] =	ssyncadd.s32 $0xFFFFFFFF  }
0xb6: {  	_ =	strace $0x9000004B  }
0xb7: {  	_ =	sfence  }
0xb8: {  	s30 =	sld [smem:$0x0];
	_ =	sdelay $0x2  }
0xb9: {  	s31 =	sshll.u32 s1, $0xD;
	s1 =	sshrl.u32 s1, $0x2  }
0xba: {  	s3 =	sand.u32 $0x4000, s31;
	s1 =	sadd.s32 s1, s30  }
0xbb: {  	s0 =	sor.u32 s3, s0;
	s1 =	sshll.u32 s1, $0x11  }
0xbc: {  	s0 =	sor.u32 s1, s0  }
0xbd: {  	s0 =	sadd.s32 $0x8F2B, s0  }
0xbe: {  	[sflag:s0] =	ssyncadd.remote.s32 $0x1  }
0xbf: {  	_ =	sfence.sel $0xFFFF  }
0xc0: {  	[dreg:$0x0] =	wrdreg $0xFFFFFFFF;
	(pc) =	sbr.abs _section_cstart, $3  }
0xc1: {  	[dreg:$0x1] =	wrdreg $0xFFFFFFFF  }
0xc2: {  	_ =	task.clear_ibuf [dreg:s6], $0x2FFFF;
	_ =	strace $0x9FFFFFFF  }
0xc3: {  	(tm) =	ssettm $0x7FFFFFFF  }
tec
execute0_lowered:
.L_overlay_start_1:
0x0: {  	(tag) =	ssettag $0x1  }
0x1: {  	s0 =	rddreg [dreg:$0x0]  }
0x2: {  	s2 =	rddreg [dreg:$0x1];
	s1 =	srdreg.scid  }
0x3: {  	s5 =	stileid.u32;
	s3 =	rddreg [dreg:$0x2]  }
0x4: {  	s6 =	simm.s32 $0x0;
	s16 =	simm.s32 $0x3;
	s28 =	simm.s32 $0x5000  }
0x5: {  	s29 =	simm.s32 $0x7000;
	s30 =	simm.s32 $0x2780;
	s31 =	simm.s32 $0x4F00  }
0x6: {  	s1 =	sand.u32 $0x1, s1;
	s4 =	sshll.u32 s5, $0x1;
	s11 =	smul.u32 $0xA000, s5  }
0x7: {  	[smem:$0x7FF] =	sst s6;
	s21 =	sadd.s32 $0x67000, s0;
	s23 =	smul.u32 $0x14000, s5  }
0x8: {  	s6 =	sadd.s32 $0x33200, s0;
	s7 =	sadd.s32 $0x247000, s0;
	s24 =	smul.u32 $0x280, s5  }
0x9: {  	s13 =	sadd.s32 $0x67008, s0;
	s14 =	sadd.s32 $0x247008, s0;
	s17 =	sshll.u32 s5, $0x6  }
0xa: {  	s4 =	sor.u32 s1, s4;
	_ =	strace $0x8000004A;
	[dreg:$0x4] =	wrdreg s21  }
0xb: {  	s8 =	ssub.s32 $0x2, s1;
	[dreg:$0x5] =	wrdreg s7;
	s1 =	smul.u32 $0xF00000, s1  }
0xc: {  	s19 =	sor.u32 $0x1C01, s17;
	s21 =	simm.s32 $0x1;
	s4 =	smul.u32 $0x500, s4  }
0xd: {  	s9 =	sshrl.u32 s8, $0x1;
	[dreg:$0x8] =	wrdreg s24;
	s25 =	sadd.s32 s11, s2  }
0xe: {  	s11 =	sadd.s32 s11, s3;
	s24 =	sor.u32 $0x1C02, s17;
	s8 =	ssub.s32 s8, s9  }
0xf: {  	s12 =	sadd.s32 s1, s23;
	s20 =	sshrl.u32 s25, $0x3;
	s23 =	simm.s32 $0x10  }
0x10: {  	s25 =	simm.s32 $0x2;
	s4 =	sadd.s32 s4, s0;
	s26 =	smax.u32 s8, $0x1  }
0x11: {  	s1 =	simm.s32 $0x4F80;
	s22 =	sadd.s32 $0x5D000, s4;
	[dreg:$0x9] =	wrdreg s26  }
0x12: {  	s4 =	sadd.s32 $0x2000, s4;
	s26 =	simm.s32 $0x80;
	[dreg:$0x6] =	wrdreg s22  }
0x13: {  	[dreg:$0x7] =	wrdreg s4;
	s22 =	simm.s32 $0x8;
	s4 =	simm.s32 $0x0  }
.LBB2_1:
0x14: {  	[dreg:$0xa] =	wrdreg s4  }
0x15: {  	s0 =	simm.s32 $0x0;
	s15 =	rddreg [dreg:$0x6]  }
0x16: {  	[tilespmem:s0], [sflag:$0x3] =	stream.linear.gather [hbm4b:s15+s0], $0x2800, $0x38;
	[tilespmem:$0x1D000] =	vst v63  }
0x17: {  	_ =	swait.ge [sflag:s16], $0x2800  }
0x18: {  	[sflag:s16] =	ssyncset.done $0x0  }
0x19: {  	s5 =	simm.s32 $0x2800;
	s18 =	rddreg [dreg:$0x7];
	[sflag:s16] =	ssyncadd.s32 $0xFFFFD800  }
0x1a: {  	[tilespmem:s5], [sflag:$0x3] =	stream.linear.gather [hbm4b:s18+s0], $0x2800, $0x38;
	[tilespmem:$0x1D000] =	vst v63  }
0x1b: {  	_ =	swait.ge [sflag:s16], $0x2800  }
0x1c: {  	[sflag:s16] =	ssyncset.done $0x0  }
0x1d: {  	s18 =	simm.s32 $0x0;
	[sflag:s16] =	ssyncadd.s32 $0xFFFFD800  }
.LBB2_2:
0x1e: {  	s0 =	smul.u32 $0x2800, s18  }
0x1f: {  	s4 =	rddreg [dreg:$0x8]  }
0x20: {  	s0 =	sadd.s32 s4, s0  }
0x21: {  	s4 =	rddreg [dreg:$0x4];
	s8 =	sshll.u32 s0, $0x4  }
0x22: {  	s0 =	sadd.s32 s4, s8;
	s4 =	sshrl.u32 s11, $0x3  }
0x23: {  	[spmem:s20@s22], [sflag:s19] =	dma.strided [hbm:s0@s23], $0x1400, s21, $0x8   }
0x24: {  	[spmem:s4@s22], [sflag:s24] =	dma.strided [hbm:s6@s23], $0x1400, s21, $0x8   }
0x25: {  	_ =	swait.ge [sflag:s21], $0x1400  }
0x26: {  	[sflag:s21] =	ssyncset.done $0x0  }
0x27: {  	[sflag:s21] =	ssyncadd.s32 $0xFFFFEC00  }
0x28: {  	_ =	swait.ge [sflag:s25], $0x1400  }
0x29: {  	[sflag:s25] =	ssyncset.done $0x0  }
0x2a: {  	[sflag:s25] =	ssyncadd.s32 $0xFFFFEC00  }
0x2b: {  	s5 =	simm.s32 $0x0;
	[bflag:$0x0] =	sbarrier.arrive $0xFFFF  }
0x2c: {  	[tilespmem:s28], [sflag:$0x1] =	stream.indirect.gather [spmem:s2], $0x40, s5, s26, $0xb8;
	[tilespmem:$0x1D000] =	vst v63  }
0x2d: {  	s7 =	simm.s32 $0x80  }
0x2e: {  	[tilespmem:s29], [sflag:$0x2] =	stream.indirect.gather [spmem:s2], $0x40, s7, s26, $0xb8;
	[tilespmem:$0x1D000] =	vst v63  }
0x2f: {  	_ =	swait.ge [sflag:s21], $0x2000  }
0x30: {  	[sflag:s21] =	ssyncset.done $0x0  }
0x31: {  	s9 =	simm.s32 $0x2800;
	[sflag:s21] =	ssyncadd.s32 $0xFFFFE000  }
0x32: {  	[spmem:s3] =	stream.indirect.scatter.add.f32 [tilespmem:s28], [sflag:$0x3], $0x40, s9, s26, $0xb8;
	[tilespmem:$0x1D000] =	vst v63  }
0x33: {  	_ =	swait.ge [sflag:s16], $0x2000  }
0x34: {  	[sflag:s16] =	ssyncset.done $0x0  }
0x35: {  	s10 =	simm.s32 $0x100;
	[sflag:s16] =	ssyncadd.s32 $0xFFFFE000  }
0x36: {  	[tilespmem:s28], [sflag:$0x1] =	stream.indirect.gather [spmem:s2], $0x40, s10, s26, $0xb8;
	[tilespmem:$0x1D000] =	vst v63  }
0x37: {  	_ =	swait.ge [sflag:s25], $0x2000  }
0x38: {  	[sflag:s25] =	ssyncset.done $0x0  }
0x39: {  	s15 =	simm.s32 $0x2880;
	[sflag:s25] =	ssyncadd.s32 $0xFFFFE000  }
0x3a: {  	[spmem:s3] =	stream.indirect.scatter.add.f32 [tilespmem:s29], [sflag:$0x3], $0x40, s15, s26, $0xb8;
	[tilespmem:$0x1D000] =	vst v63  }
0x3b: {  	_ =	swait.ge [sflag:s16], $0x2000  }
0x3c: {  	s9 =	simm.s32 $0x100;
	s15 =	simm.s32 $0x800;
	[sflag:s16] =	ssyncset.done $0x0  }
.LBB2_3:
0x3d: {  	s0 =	sadd.s32 $0x80, s9  }
0x3e: {  	[sflag:s16] =	ssyncadd.s32 $0xFFFFE000;
	s5 =	smov.u32 s15;
	s7 =	sadd.s32 $0x400, s15  }
0x3f: {  	[tilespmem:s29], [sflag:$0x2] =	stream.indirect.gather [spmem:s2], $0x40, s0, s26, $0xb8;
	[tilespmem:$0x1D000] =	vst v63  }
0x40: {  	p0 =	sne.s32 s15, $0x9800;
	_ =	swait.ge [sflag:s21], $0x2000  }
0x41: {  	[sflag:s21] =	ssyncset.done $0x0  }
0x42: {  	s0 =	sadd.s32 $0x2800, s9;
	[sflag:s21] =	ssyncadd.s32 $0xFFFFE000  }
0x43: {  	[spmem:s3] =	stream.indirect.scatter.add.f32 [tilespmem:s28], [sflag:$0x3], $0x40, s0, s26, $0xb8;
	[tilespmem:$0x1D000] =	vst v63  }
0x44: {  	_ =	swait.ge [sflag:s16], $0x2000  }
0x45: {  	[sflag:s16] =	ssyncset.done $0x0  }
0x46: {  	s0 =	sadd.s32 $0x100, s9;
	[sflag:s16] =	ssyncadd.s32 $0xFFFFE000  }
0x47: {  	[tilespmem:s28], [sflag:$0x1] =	stream.indirect.gather [spmem:s2], $0x40, s0, s26, $0xb8;
	[tilespmem:$0x1D000] =	vst v63  }
0x48: {  	_ =	swait.ge [sflag:s25], $0x2000  }
.Ltmp0:
0x49: {  	[sflag:s25] =	ssyncset.done $0x0;
	(pc) =	sbr.rel @p0 .LBB2_3-.Ltmp0, $4  }
0x4a: {  	s0 =	sadd.s32 $0x2880, s9;
	[sflag:s25] =	ssyncadd.s32 $0xFFFFE000  }
0x4b: {  	[spmem:s3] =	stream.indirect.scatter.add.f32 [tilespmem:s29], [sflag:$0x3], $0x40, s0, s26, $0xb8;
	[tilespmem:$0x1D000] =	vst v63  }
0x4c: {  	_ =	swait.ge [sflag:s16], $0x2000  }
0x4d: {  	s15 =	smov.u32 s7;
	s9 =	sshra.s32 s5, $0x2;
	[sflag:s16] =	ssyncset.done $0x0  }
0x4e: {  	s0 =	sadd.s32 $0x80, s9;
	[sflag:s16] =	ssyncadd.s32 $0xFFFFE000  }
0x4f: {  	[tilespmem:s29], [sflag:$0x2] =	stream.indirect.gather [spmem:s2], $0x40, s0, s26, $0xb8;
	[tilespmem:$0x1D000] =	vst v63  }
0x50: {  	_ =	swait.ge [sflag:s21], $0x2000  }
0x51: {  	[sflag:s21] =	ssyncset.done $0x0  }
0x52: {  	s7 =	sadd.s32 $0x2800, s9;
	[sflag:s21] =	ssyncadd.s32 $0xFFFFE000  }
0x53: {  	[spmem:s3] =	stream.indirect.scatter.add.f32 [tilespmem:s28], [sflag:$0x3], $0x40, s7, s26, $0xb8;
	[tilespmem:$0x1D000] =	vst v63  }
0x54: {  	_ =	swait.ge [sflag:s16], $0x2000  }
0x55: {  	[sflag:s16] =	ssyncset.done $0x0  }
0x56: {  	s10 =	sadd.s32 $0x100, s9;
	[sflag:s16] =	ssyncadd.s32 $0xFFFFE000  }
0x57: {  	[tilespmem:s28], [sflag:$0x1] =	stream.indirect.gather [spmem:s2], $0x40, s10, s26, $0xb8;
	[tilespmem:$0x1D000] =	vst v63  }
0x58: {  	_ =	swait.ge [sflag:s25], $0x2000  }
0x59: {  	[sflag:s25] =	ssyncset.done $0x0  }
0x5a: {  	s15 =	sadd.s32 $0x2880, s9;
	[sflag:s25] =	ssyncadd.s32 $0xFFFFE000  }
0x5b: {  	[spmem:s3] =	stream.indirect.scatter.add.f32 [tilespmem:s29], [sflag:$0x3], $0x40, s15, s26, $0xb8;
	[tilespmem:$0x1D000] =	vst v63  }
0x5c: {  	_ =	swait.ge [sflag:s16], $0x2000  }
0x5d: {  	[sflag:s16] =	ssyncset.done $0x0  }
0x5e: {  	[sflag:s16] =	ssyncadd.s32 $0xFFFFE000  }
0x5f: {  	[tilespmem:s29], [sflag:$0x2] =	stream.indirect.gather [spmem:s2], $0x40, s30, s26, $0xb8;
	[tilespmem:$0x1D000] =	vst v63  }
0x60: {  	_ =	swait.ge [sflag:s21], $0x2000  }
0x61: {  	[sflag:s21] =	ssyncset.done $0x0  }
0x62: {  	[sflag:s21] =	ssyncadd.s32 $0xFFFFE000  }
0x63: {  	[spmem:s3] =	stream.indirect.scatter.add.f32 [tilespmem:s28], [sflag:$0x3], $0x40, s31, s26, $0xb8;
	[tilespmem:$0x1D000] =	vst v63  }
0x64: {  	_ =	swait.ge [sflag:s16], $0x2000  }
0x65: {  	[sflag:s16] =	ssyncset.done $0x0  }
0x66: {  	[sflag:s16] =	ssyncadd.s32 $0xFFFFE000  }
0x67: {  	_ =	swait.ge [sflag:s25], $0x2000  }
0x68: {  	[sflag:s25] =	ssyncset.done $0x0  }
0x69: {  	[sflag:s25] =	ssyncadd.s32 $0xFFFFE000  }
0x6a: {  	[spmem:s3] =	stream.indirect.scatter.add.f32 [tilespmem:s29], [sflag:$0x3], $0x40, s1, s26, $0xb8;
	[tilespmem:$0x1D000] =	vst v63  }
0x6b: {  	_ =	swait.ge [sflag:s16], $0x2000  }
0x6c: {  	s5 =	smul.u32 $0x140000, s18;
	[sflag:s16] =	ssyncset.done $0x0  }
0x6d: {  	[sflag:s16] =	ssyncadd.s32 $0xFFFFE000  }
0x6e: {  	s0 =	sadd.s32 s5, s12;
	[bflag:$0x0] =	sbarrier.arrive $0xFFFF  }
0x6f: {  	s9 =	sshrl.u32 s0, $0x3;
	s7 =	rddreg [dreg:$0x5]  }
0x70: {  	s15 =	sor.u32 $0x1C03, s17;
	s0 =	sadd.s32 s7, s9  }
0x71: {  	[hbm:s0@s23], [sflag:s15] =	dma.strided [spmem:s4@s22], $0x1400, s21, $0x8   }
0x72: {  	_ =	swait.ge [sflag:s16], $0x1400  }
0x73: {  	[sflag:s16] =	ssyncset.done $0x0  }
0x74: {  	s8 =	sadd.s32 s8, s13;
	[sflag:s16] =	ssyncadd.s32 $0xFFFFEC00  }
0x75: {  	[spmem:s20@s22], [sflag:s19] =	dma.strided [hbm:s8@s23], $0x1400, s21, $0x8   }
0x76: {  	[spmem:s4@s22], [sflag:s24] =	dma.strided [hbm:s6@s23], $0x1400, s21, $0x8   }
0x77: {  	_ =	swait.ge [sflag:s21], $0x1400  }
0x78: {  	[sflag:s21] =	ssyncset.done $0x0  }
0x79: {  	[sflag:s21] =	ssyncadd.s32 $0xFFFFEC00  }
0x7a: {  	_ =	swait.ge [sflag:s25], $0x1400  }
0x7b: {  	[sflag:s25] =	ssyncset.done $0x0  }
0x7c: {  	[sflag:s25] =	ssyncadd.s32 $0xFFFFEC00  }
0x7d: {  	s10 =	simm.s32 $0x0;
	[bflag:$0x0] =	sbarrier.arrive $0xFFFF  }
0x7e: {  	[tilespmem:s28], [sflag:$0x1] =	stream.indirect.gather [spmem:s2], $0x40, s10, s26, $0xb8;
	[tilespmem:$0x1D000] =	vst v63  }
0x7f: {  	s5 =	simm.s32 $0x80  }
0x80: {  	[tilespmem:s29], [sflag:$0x2] =	stream.indirect.gather [spmem:s2], $0x40, s5, s26, $0xb8;
	[tilespmem:$0x1D000] =	vst v63  }
0x81: {  	_ =	swait.ge [sflag:s21], $0x2000  }
0x82: {  	[sflag:s21] =	ssyncset.done $0x0  }
0x83: {  	s7 =	simm.s32 $0x2800;
	[sflag:s21] =	ssyncadd.s32 $0xFFFFE000  }
0x84: {  	[spmem:s3] =	stream.indirect.scatter.add.f32 [tilespmem:s28], [sflag:$0x3], $0x40, s7, s26, $0xb8;
	[tilespmem:$0x1D000] =	vst v63  }
0x85: {  	_ =	swait.ge [sflag:s16], $0x2000  }
0x86: {  	[sflag:s16] =	ssyncset.done $0x0  }
0x87: {  	s8 =	simm.s32 $0x100;
	[sflag:s16] =	ssyncadd.s32 $0xFFFFE000  }
0x88: {  	[tilespmem:s28], [sflag:$0x1] =	stream.indirect.gather [spmem:s2], $0x40, s8, s26, $0xb8;
	[tilespmem:$0x1D000] =	vst v63  }
0x89: {  	_ =	swait.ge [sflag:s25], $0x2000  }
0x8a: {  	[sflag:s25] =	ssyncset.done $0x0  }
0x8b: {  	s10 =	simm.s32 $0x2880;
	[sflag:s25] =	ssyncadd.s32 $0xFFFFE000  }
0x8c: {  	[spmem:s3] =	stream.indirect.scatter.add.f32 [tilespmem:s29], [sflag:$0x3], $0x40, s10, s26, $0xb8;
	[tilespmem:$0x1D000] =	vst v63  }
0x8d: {  	_ =	swait.ge [sflag:s16], $0x2000  }
0x8e: {  	s0 =	simm.s32 $0x800;
	s8 =	simm.s32 $0x100;
	[sflag:s16] =	ssyncset.done $0x0  }
.LBB2_5:
0x8f: {  	s5 =	sadd.s32 $0x80, s8  }
0x90: {  	[sflag:s16] =	ssyncadd.s32 $0xFFFFE000;
	s7 =	smov.u32 s0;
	s10 =	sadd.s32 $0x400, s0  }
0x91: {  	[tilespmem:s29], [sflag:$0x2] =	stream.indirect.gather [spmem:s2], $0x40, s5, s26, $0xb8;
	[tilespmem:$0x1D000] =	vst v63  }
0x92: {  	p0 =	sne.s32 s0, $0x9800;
	_ =	swait.ge [sflag:s21], $0x2000  }
0x93: {  	[sflag:s21] =	ssyncset.done $0x0  }
0x94: {  	s0 =	sadd.s32 $0x2800, s8;
	[sflag:s21] =	ssyncadd.s32 $0xFFFFE000  }
0x95: {  	[spmem:s3] =	stream.indirect.scatter.add.f32 [tilespmem:s28], [sflag:$0x3], $0x40, s0, s26, $0xb8;
	[tilespmem:$0x1D000] =	vst v63  }
0x96: {  	_ =	swait.ge [sflag:s16], $0x2000  }
0x97: {  	[sflag:s16] =	ssyncset.done $0x0  }
0x98: {  	s0 =	sadd.s32 $0x100, s8;
	[sflag:s16] =	ssyncadd.s32 $0xFFFFE000  }
0x99: {  	[tilespmem:s28], [sflag:$0x1] =	stream.indirect.gather [spmem:s2], $0x40, s0, s26, $0xb8;
	[tilespmem:$0x1D000] =	vst v63  }
0x9a: {  	_ =	swait.ge [sflag:s25], $0x2000  }
.Ltmp1:
0x9b: {  	[sflag:s25] =	ssyncset.done $0x0;
	(pc) =	sbr.rel @p0 .LBB2_5-.Ltmp1, $4  }
0x9c: {  	s0 =	sadd.s32 $0x2880, s8;
	[sflag:s25] =	ssyncadd.s32 $0xFFFFE000  }
0x9d: {  	[spmem:s3] =	stream.indirect.scatter.add.f32 [tilespmem:s29], [sflag:$0x3], $0x40, s0, s26, $0xb8;
	[tilespmem:$0x1D000] =	vst v63  }
0x9e: {  	_ =	swait.ge [sflag:s16], $0x2000  }
0x9f: {  	s8 =	sshra.s32 s7, $0x2;
	s0 =	smov.u32 s10;
	[sflag:s16] =	ssyncset.done $0x0  }
0xa0: {  	s0 =	sadd.s32 $0x80, s8;
	[sflag:s16] =	ssyncadd.s32 $0xFFFFE000  }
0xa1: {  	[tilespmem:s29], [sflag:$0x2] =	stream.indirect.gather [spmem:s2], $0x40, s0, s26, $0xb8;
	[tilespmem:$0x1D000] =	vst v63  }
0xa2: {  	_ =	swait.ge [sflag:s21], $0x2000  }
0xa3: {  	[sflag:s21] =	ssyncset.done $0x0  }
0xa4: {  	s5 =	sadd.s32 $0x2800, s8;
	[sflag:s21] =	ssyncadd.s32 $0xFFFFE000  }
0xa5: {  	[spmem:s3] =	stream.indirect.scatter.add.f32 [tilespmem:s28], [sflag:$0x3], $0x40, s5, s26, $0xb8;
	[tilespmem:$0x1D000] =	vst v63  }
0xa6: {  	_ =	swait.ge [sflag:s16], $0x2000  }
0xa7: {  	[sflag:s16] =	ssyncset.done $0x0  }
0xa8: {  	s7 =	sadd.s32 $0x100, s8;
	[sflag:s16] =	ssyncadd.s32 $0xFFFFE000  }
0xa9: {  	[tilespmem:s28], [sflag:$0x1] =	stream.indirect.gather [spmem:s2], $0x40, s7, s26, $0xb8;
	[tilespmem:$0x1D000] =	vst v63  }
0xaa: {  	_ =	swait.ge [sflag:s25], $0x2000  }
0xab: {  	[sflag:s25] =	ssyncset.done $0x0  }
0xac: {  	s8 =	sadd.s32 $0x2880, s8;
	[sflag:s25] =	ssyncadd.s32 $0xFFFFE000  }
0xad: {  	[spmem:s3] =	stream.indirect.scatter.add.f32 [tilespmem:s29], [sflag:$0x3], $0x40, s8, s26, $0xb8;
	[tilespmem:$0x1D000] =	vst v63  }
0xae: {  	_ =	swait.ge [sflag:s16], $0x2000  }
0xaf: {  	[sflag:s16] =	ssyncset.done $0x0  }
0xb0: {  	[sflag:s16] =	ssyncadd.s32 $0xFFFFE000  }
0xb1: {  	[tilespmem:s29], [sflag:$0x2] =	stream.indirect.gather [spmem:s2], $0x40, s30, s26, $0xb8;
	[tilespmem:$0x1D000] =	vst v63  }
0xb2: {  	_ =	swait.ge [sflag:s21], $0x2000  }
0xb3: {  	[sflag:s21] =	ssyncset.done $0x0  }
0xb4: {  	[sflag:s21] =	ssyncadd.s32 $0xFFFFE000  }
0xb5: {  	[spmem:s3] =	stream.indirect.scatter.add.f32 [tilespmem:s28], [sflag:$0x3], $0x40, s31, s26, $0xb8;
	[tilespmem:$0x1D000] =	vst v63  }
0xb6: {  	_ =	swait.ge [sflag:s16], $0x2000  }
0xb7: {  	[sflag:s16] =	ssyncset.done $0x0  }
0xb8: {  	[sflag:s16] =	ssyncadd.s32 $0xFFFFE000  }
0xb9: {  	_ =	swait.ge [sflag:s25], $0x2000  }
0xba: {  	[sflag:s25] =	ssyncset.done $0x0  }
0xbb: {  	[sflag:s25] =	ssyncadd.s32 $0xFFFFE000  }
0xbc: {  	[spmem:s3] =	stream.indirect.scatter.add.f32 [tilespmem:s29], [sflag:$0x3], $0x40, s1, s26, $0xb8;
	[tilespmem:$0x1D000] =	vst v63  }
0xbd: {  	_ =	swait.ge [sflag:s16], $0x2000  }
0xbe: {  	s18 =	sadd.s32 $0x1, s18;
	[sflag:s16] =	ssyncset.done $0x0  }
0xbf: {  	p0 =	sne.s32 s18, $0xC;
	[sflag:s16] =	ssyncadd.s32 $0xFFFFE000  }
.Ltmp2:
0xc0: {  	s10 =	sadd.s32 s9, s14;
	[bflag:$0x0] =	sbarrier.arrive $0xFFFF;
	(pc) =	sbr.rel @p0 .LBB2_2-.Ltmp2, $4  }
0xc1: {  	[hbm:s10@s23], [sflag:s15] =	dma.strided [spmem:s4@s22], $0x1400, s21, $0x8   }
0xc2: {  	_ =	swait.ge [sflag:s16], $0x1400  }
0xc3: {  	[sflag:s16] =	ssyncset.done $0x0  }
0xc4: {  	[sflag:s16] =	ssyncadd.s32 $0xFFFFEC00  }
0xc5: {  	s4 =	rddreg [dreg:$0xa]  }
0xc6: {  	s0 =	rddreg [dreg:$0x9];
	s4 =	sadd.s32 $0x1, s4  }
0xc7: {  	p0 =	sne.s32 s4, s0  }
.Ltmp3:
0xc8: {  	_ = 	snop;
	(pc) =	sbr.rel @p0 .LBB2_1-.Ltmp3, $1  }
0xc9: {  	_ =	sdelay $0x3  }
0xca: {  	_ =	sfence.sel $0x180000  }
0xcb: {  	[bflag:$0x0] =	sbarrier.arrive $0xFFFF  }
0xcc: {  	_ =	strace $0x9000004A  }
0xcd: {  	s0 =	stileid.u32;
	[bflag:$0x2] =	sbarrier.arrive $0xFFFF  }
0xce: {  	p0 =	sne.s32 s0, $0x0;
	s0 =	rddreg [dreg:$0x3]  }
0xcf: {  	s0 =	sadd.s32 @!p0 $0x100000, s0  }
0xd0: {  	[sflag:s0] =	ssyncadd.tile.s32 @!p0 $0x1;
	_ =	shalt  }
.Lfunc_end2:
_tile_overlayer_lowered:
.L_overlay_start_2:
0xd1: {  	(tag) =	ssettag $0x2  }
0xd2: {  	s0 =	rddreg [dreg:$0x0];
	s2 =	stileid.u32  }
0xd3: {  	s1 =	rddreg [dreg:$0x1];
	p0 =	sne.s32 s2, $0x0  }
0xd4: {  	s3 =	rddreg [dreg:$0x2];
	[bflag:$0x3] =	sbarrier.arrive $0xFFFF;
	s2 =	simm.s32 @!p0 $0x1C03  }
0xd5: {  	[timem:s3], [sflag:s2] =	dma.local @!p0 [hbm:s0], s1  }
0xd6: {  	s0 =	simm.s32 @!p0 $0x3  }
0xd7: {  	_ =	swait.ge @!p0 [sflag:s0], s1  }
0xd8: {  	s1 =	ssub.s32 @!p0 $0x0, s1;
	[sflag:s0] =	ssyncset.done @!p0 $0x0  }
0xd9: {  	[sflag:s0] =	ssyncadd.s32 @!p0 s1  }
0xda: {  	[bflag:$0x3] =	sbarrier.arrive $0xFFFF  }
0xdb: {  	_ =	shalt  }

// kernel: kernel.17.cloned.1.call-start
scs
__scs_entry_jumppad:
0x0: {  	(pc) =	sbr.rel $0x88, $3  }
0x1: {  	(tag) =	ssettag $0x0;
	lr =	simm.s32 $0x1  }
0x2: {  	[smem:$0x3F97] =	sst lr;
	_ =	strace $0xD0000000  }
0x3: {  	_ = 	snop  }
0x4: {  	_ = 	snop  }
0x5: {  	_ = 	snop  }
0x6: {  	_ = 	snop  }
0x7: {  	_ = 	snop  }
__scs_overlays_trampoline_lowered:
0x8: {  	[smem:$0x3FA6] =	sst s0  }
0x9: {  	[smem:$0x3FA7] =	sst s1  }
0xa: {  	[smem:$0x3FA8] =	sst s2  }
0xb: {  	[smem:$0x3FA9] =	sst s3  }
0xc: {  	[smem:$0x3FAA] =	sst s4  }
0xd: {  	[smem:$0x3FAB] =	sst s5  }
0xe: {  	[smem:$0x3FAC] =	sst s6  }
0xf: {  	[smem:$0x3FAD] =	sst s7  }
0x10: {  	[smem:$0x3FAE] =	sst s8  }
0x11: {  	[smem:$0x3FAF] =	sst s9;
	s0 =	simm.s32 @!p0 $0x0  }
0x12: {  	s1 =	sld [smem:$0x3F95];
	s0 =	simm.s32 @p0 $0x1  }
0x13: {  	[smem:$0x3FB0] =	sst s0;
	s0 =	simm.s32 @!p1 $0x0  }
0x14: {  	s2 =	sld [smem:$0x3F94];
	s0 =	simm.s32 @p1 $0x1  }
0x15: {  	[smem:$0x3FB1] =	sst s0;
	s0 =	simm.s32 @!p2 $0x0  }
0x16: {  	s3 =	sld [smem:$0x3FDB];
	s0 =	simm.s32 @p2 $0x1  }
0x17: {  	s4 =	simm.s32 $0x1BF5;
	[smem:$0x3FB3] =	sst s0  }
0x18: {  	s0 =	sld [smem:$0x3F96];
	_ =	swait.ge [sflag:s4], $0x0  }
0x19: {  	s7 =	sld [smem:$0x3F97]  }
0x1a: {  	s8 =	sadd.s32 $0xFFFFE003, lr  }
0x1b: {  	s9 =	sadd.s32 $0xFFFFFEF7, lr;
	s5 =	simm.s32 $0xFFFFFFFF;
	p2 =	slt.u32 s8, $0xFFFFF086  }
0x1c: {  	p1 =	slt.u32 s9, $0xF7A;
	s5 =	simm.s32 @!p2 $0x0  }
0x1d: {  	s5 =	simm.s32 @p1 $0x1;
	p0 =	seq.s32 s7, s2  }
0x1e: {  	s7 =	smul.u32 @!p0 $0xF7A, s2;
	p2 =	seq.s32 @!p0 s5, $0x0  }
0x1f: {  	s9 =	smul.u32 $0xF7A, s1;
	s8 =	simm.s32 @!p0 $0x1BF5;
	p2 =	por !p2, p0  }
0x20: {  	[sflag:s8] =	ssyncset.s32 @!p0 $0xFFFFF086;
	s6 =	sadd.s32 @!p0 s3, s7;
	s7 =	simm.s32 @!p0 $0x108  }
0x21: {  	s3 =	sadd.s32 s3, s9;
	s6 =	sadd.s32 @!p0 $0x88, s6;
	s7 =	simm.s32 @p2 $0x1082  }
0x22: {  	[simem:s7], [sflag:s8] =	dma.local @!p0 [hbm:s6], $0xF7A  }
0x23: {  	s9 =	sor.u32 $0xD0000000, s2;
	s6 =	simm.s32 $0x108;
	_ =	swait.ge @!p0 [sflag:s8], $0x0  }
0x24: {  	s3 =	sadd.s32 $0x88, s3;
	s6 =	simm.s32 @!p1 $0x1082;
	[sflag:s4] =	ssyncset.s32 $0xFFFFF086  }
0x25: {  	[simem:s6], [sflag:s4] =	dma.local [hbm:s3], $0xF7A  }
0x26: {  	[smem:$0x3F97] =	sst s1;
	(tag) =	ssettag s2;
	_ =	strace s9  }
0x27: {  	s1 =	sld [smem:$0x3FA7]  }
0x28: {  	s2 =	sld [smem:$0x3FA8]  }
0x29: {  	s4 =	sld [smem:$0x3FAA]  }
0x2a: {  	p0 =	seq.s32 s5, $0x0;
	s5 =	sld [smem:$0x3FAB]  }
0x2b: {  	s6 =	sld [smem:$0x3FAC]  }
0x2c: {  	s7 =	sld [smem:$0x3FAD]  }
0x2d: {  	s3 =	simm.s32 $0x108;
	s8 =	sld [smem:$0x3FAE]  }
0x2e: {  	s3 =	simm.s32 @!p0 $0x1082;
	s9 =	sld [smem:$0x3FAF]  }
0x2f: {  	lr =	sadd.s32 s0, s3;
	s0 =	sld [smem:$0x3FA6]  }
0x30: {  	s3 =	sld [smem:$0x3FA9]  }
0x31: {  	[smem:$0x3FB2] =	sst s10  }
0x32: {  	s10 =	sld [smem:$0x3FB0];
	_ =	sdelay $0x3  }
0x33: {  	p0 =	seq.s32 s10, $0x1;
	s10 =	sld [smem:$0x3FB2];
	_ =	sdelay $0x3  }
0x34: {  	[smem:$0x3FB2] =	sst s10  }
0x35: {  	s10 =	sld [smem:$0x3FB1];
	_ =	sdelay $0x3  }
0x36: {  	p1 =	seq.s32 s10, $0x1;
	s10 =	sld [smem:$0x3FB2];
	_ =	sdelay $0x3  }
0x37: {  	[smem:$0x3FB2] =	sst s10  }
0x38: {  	s10 =	sld [smem:$0x3FB3]  }
0x39: {  	_ = 	snop;
	(pc) =	sbr.ind lr, $3  }
0x3a: {  	_ = 	snop  }
0x3b: {  	_ = 	snop  }
0x3c: {  	p2 =	seq.s32 s10, $0x1;
	s10 =	sld [smem:$0x3FB2]  }
0x3d: {  	_ =	shalt  }
0x3e: {  	_ =	shalt  }
0x3f: {  	_ =	shalt  }
0x40: {  	_ =	shalt  }
0x41: {  	_ =	shalt  }
0x42: {  	_ =	shalt  }
0x43: {  	_ =	shalt  }
0x44: {  	_ =	shalt  }
0x45: {  	_ =	shalt  }
0x46: {  	_ =	shalt  }
0x47: {  	_ =	shalt  }
0x48: {  	_ =	shalt  }
0x49: {  	_ =	shalt  }
0x4a: {  	_ =	shalt  }
0x4b: {  	_ =	shalt  }
0x4c: {  	_ =	shalt  }
0x4d: {  	_ =	shalt  }
0x4e: {  	_ =	shalt  }
0x4f: {  	_ =	shalt  }
0x50: {  	_ =	shalt  }
0x51: {  	_ =	shalt  }
0x52: {  	_ =	shalt  }
0x53: {  	_ =	shalt  }
0x54: {  	_ =	shalt  }
0x55: {  	_ =	shalt  }
0x56: {  	_ =	shalt  }
0x57: {  	_ =	shalt  }
0x58: {  	_ =	shalt  }
0x59: {  	_ =	shalt  }
0x5a: {  	_ =	shalt  }
0x5b: {  	_ =	shalt  }
0x5c: {  	_ =	shalt  }
0x5d: {  	_ =	shalt  }
0x5e: {  	_ =	shalt  }
0x5f: {  	_ =	shalt  }
0x60: {  	_ =	shalt  }
0x61: {  	_ =	shalt  }
0x62: {  	_ =	shalt  }
0x63: {  	_ =	shalt  }
0x64: {  	_ =	shalt  }
0x65: {  	_ =	shalt  }
0x66: {  	_ =	shalt  }
0x67: {  	_ =	shalt  }
0x68: {  	_ =	shalt  }
0x69: {  	_ =	shalt  }
0x6a: {  	_ =	shalt  }
0x6b: {  	_ =	shalt  }
0x6c: {  	_ =	shalt  }
0x6d: {  	_ =	shalt  }
0x6e: {  	_ =	shalt  }
0x6f: {  	_ =	shalt  }
0x70: {  	_ =	shalt  }
0x71: {  	_ =	shalt  }
0x72: {  	_ =	shalt  }
0x73: {  	_ =	shalt  }
0x74: {  	_ =	shalt  }
0x75: {  	_ =	shalt  }
0x76: {  	_ =	shalt  }
0x77: {  	_ =	shalt  }
0x78: {  	_ =	shalt  }
0x79: {  	_ =	shalt  }
0x7a: {  	_ =	shalt  }
0x7b: {  	_ =	shalt  }
0x7c: {  	_ =	shalt  }
0x7d: {  	_ =	shalt  }
0x7e: {  	_ =	shalt  }
0x7f: {  	_ =	shalt  }
0x80: {  	_ =	shalt  }
0x81: {  	_ =	shalt  }
0x82: {  	_ =	shalt  }
0x83: {  	_ =	shalt  }
0x84: {  	_ =	shalt  }
0x85: {  	_ =	shalt  }
0x86: {  	_ =	shalt  }
0x87: {  	_ =	shalt  }
.Lfunc_end0:
.L_simem_size_0:
called_computation.2_lowered:
.L_overlay_start_0:
0x88: {  	s2 =	sld [smem:$0x3FD9]  }
0x89: {  	s3 =	sld [smem:$0x3FFE];
	_ =	sdelay $0x1  }
0x8a: {  	s1 =	srdreg.scid  }
0x8b: {  	s0 =	sand.u32 $0x1, s1  }
0x8c: {  	s16 =	sshll.u32 s0, $0xA;
	s2 =	sadd.s32 s3, s2  }
0x8d: {  	s2 =	sadd.s32 s2, s16  }
0x8e: {  	[smem:$0x3FBE] =	sst s2  }
0x8f: {  	_ = 	snop  }
0x90: {  	(tm) =	ssettm $0x1  }
0x91: {  	s17 =	sld [smem:$0x3FFB];
	_ =	sdelay $0x3  }
0x92: {  	_ =	strace s17  }
0x93: {  	s2 =	sld [smem:$0x3FFC];
	_ =	sdelay $0x3  }
0x94: {  	_ =	strace s2  }
0x95: {  	s2 =	sld [smem:$0x3FFD];
	_ =	sdelay $0x3  }
0x96: {  	_ =	strace s2  }
0x97: {  	_ =	strace $0x8FFFFFFF  }
0x98: {  	s18 =	sld [smem:$0x3FDB];
	_ =	sdelay $0x1  }
0x99: {  	s19 =	simm.s32 $_scs_section_size  }
0x9a: {  	s4 =	simm.s32 $_size__tile_overlayer_lowered;
	s5 =	simm.s32 $_tile_overlayer_lowered  }
0x9b: {  	s22 =	simm.s32 $0x1BFF;
	s21 =	sshll.u32 s5, $0x1;
	s2 =	sadd.s32 s19, s18  }
0x9c: {  	s6 =	simm.s32 $0x0;
	s20 =	sshll.u32 s4, $0x1;
	s4 =	sadd.s32 s21, s2  }
0x9d: {  	[timem:s6], [sflag:s22] =	dma.local [hbm:s4], s20  }
0x9e: {  	_ =	swait.ge [sflag:s22], s20  }
0x9f: {  	s3 =	ssub.s32 $0x0, s20;
	[sflag:s22] =	ssyncset.done $0x0  }
0xa0: {  	[sflag:s22] =	ssyncadd.s32 s3;
	_ =	sdelay $0x1  }
0xa1: {  	s23 =	simm.s32 $0x1B8B  }
0xa2: {  	_ =	swait.ge [sflag:s23], $0x1  }
0xa3: {  	[sflag:s23] =	ssyncset.done $0x0  }
0xa4: {  	s25 =	simm.s32 $0x1B8E;
	s24 =	sld [smem:$0x3FFE];
	[sflag:s23] =	ssyncadd.s32 $0xFFFFFFFF  }
0xa5: {  	s26 =	simm.s32 $execute0_lowered;
	[smem:$0x3FD2] =	sst s25  }
0xa6: {  	s4 =	sshll.u32 s26, $0x1;
	_ =	strace $0x8000004C;
	[dreg:$0x1] =	wrdreg $0xFFFFFFFF  }
0xa7: {  	s28 =	simm.s32 $_size_execute0_lowered;
	s2 =	sadd.s32 s2, s4;
	[dreg:$0x0] =	wrdreg $0x0  }
0xa8: {  	s4 =	sshll.u32 s28, $0x1;
	[dreg:$0x2] =	wrdreg s2  }
0xa9: {  	[dreg:$0x3] =	wrdreg s4  }
0xaa: {  	[dreg:$0x4] =	wrdreg $0xC0  }
0xab: {  	_ =	task [dreg:s6], $0x5FFFF  }
0xac: {  	[dreg:$0x1] =	wrdreg $0xFFFFFFFF  }
0xad: {  	[dreg:$0x0] =	wrdreg $0x60  }
0xae: {  	[dreg:$0x2] =	wrdreg s24  }
0xaf: {  	[dreg:$0x3] =	wrdreg $0x90000  }
0xb0: {  	[dreg:$0x4] =	wrdreg $0x130000  }
0xb1: {  	[dreg:$0x5] =	wrdreg $0x9  }
0xb2: {  	_ =	task.clear_ibuf [dreg:s6], $0x6FFFF;
	_ =	strace $0x9000004C  }
0xb3: {  	s29 =	simm.s32 $0x9;
	_ =	strace $0x8000004E  }
0xb4: {  	_ =	swait.ge [sflag:s29], $0x1  }
0xb5: {  	[sflag:s29] =	ssyncadd.s32 $0xFFFFFFFF  }
0xb6: {  	_ =	strace $0x9000004E  }
0xb7: {  	_ =	sfence  }
0xb8: {  	s30 =	sld [smem:$0x0];
	_ =	sdelay $0x2  }
0xb9: {  	s31 =	sshll.u32 s1, $0xD;
	s1 =	sshrl.u32 s1, $0x2  }
0xba: {  	s3 =	sand.u32 $0x4000, s31;
	s1 =	sadd.s32 s1, s30  }
0xbb: {  	s0 =	sor.u32 s3, s0;
	s1 =	sshll.u32 s1, $0x11  }
0xbc: {  	s0 =	sor.u32 s1, s0  }
0xbd: {  	s0 =	sadd.s32 $0x8F2B, s0  }
0xbe: {  	[sflag:s0] =	ssyncadd.remote.s32 $0x1  }
0xbf: {  	_ =	sfence.sel $0xFFFF  }
0xc0: {  	[dreg:$0x0] =	wrdreg $0xFFFFFFFF;
	(pc) =	sbr.abs _section_cstart, $3  }
0xc1: {  	[dreg:$0x1] =	wrdreg $0xFFFFFFFF  }
0xc2: {  	_ =	task.clear_ibuf [dreg:s6], $0x2FFFF;
	_ =	strace $0x9FFFFFFF  }
0xc3: {  	(tm) =	ssettm $0x7FFFFFFF  }
tec
execute0_lowered:
.L_overlay_start_1:
0x0: {  	(tag) =	ssettag $0x1  }
0x1: {  	s0 =	rddreg [dreg:$0x0]  }
0x2: {  	s2 =	rddreg [dreg:$0x1];
	s1 =	srdreg.scid  }
0x3: {  	s5 =	stileid.u32;
	s3 =	rddreg [dreg:$0x2]  }
0x4: {  	s6 =	simm.s32 $0x0;
	s16 =	simm.s32 $0x3;
	s28 =	simm.s32 $0x5000  }
0x5: {  	s29 =	simm.s32 $0x7000;
	s30 =	simm.s32 $0x2780;
	s31 =	simm.s32 $0x4F00  }
0x6: {  	s1 =	sand.u32 $0x1, s1;
	s4 =	sshll.u32 s5, $0x1;
	s11 =	smul.u32 $0xA000, s5  }
0x7: {  	[smem:$0x7FF] =	sst s6;
	s21 =	sadd.s32 $0x607000, s0;
	s23 =	smul.u32 $0x14000, s5  }
0x8: {  	s6 =	sadd.s32 $0x33200, s0;
	s7 =	sadd.s32 $0x67000, s0;
	s24 =	smul.u32 $0x280, s5  }
0x9: {  	s13 =	sadd.s32 $0x607008, s0;
	s14 =	sadd.s32 $0x67008, s0;
	s17 =	sshll.u32 s5, $0x6  }
0xa: {  	s4 =	sor.u32 s1, s4;
	_ =	strace $0x8000004D;
	[dreg:$0x4] =	wrdreg s21  }
0xb: {  	s8 =	ssub.s32 $0x2, s1;
	[dreg:$0x5] =	wrdreg s7;
	s1 =	smul.u32 $0xF00000, s1  }
0xc: {  	s19 =	sor.u32 $0x1C01, s17;
	s21 =	simm.s32 $0x1;
	s4 =	smul.u32 $0x500, s4  }
0xd: {  	s9 =	sshrl.u32 s8, $0x1;
	[dreg:$0x8] =	wrdreg s24;
	s25 =	sadd.s32 s11, s2  }
0xe: {  	s11 =	sadd.s32 s11, s3;
	s24 =	sor.u32 $0x1C02, s17;
	s8 =	ssub.s32 s8, s9  }
0xf: {  	s12 =	sadd.s32 s1, s23;
	s20 =	sshrl.u32 s25, $0x3;
	s23 =	simm.s32 $0x10  }
0x10: {  	s25 =	simm.s32 $0x2;
	s4 =	sadd.s32 s4, s0;
	s26 =	smax.u32 s8, $0x1  }
0x11: {  	s1 =	simm.s32 $0x4F80;
	s22 =	sadd.s32 $0x5D000, s4;
	[dreg:$0x9] =	wrdreg s26  }
0x12: {  	s4 =	sadd.s32 $0x2000, s4;
	s26 =	simm.s32 $0x80;
	[dreg:$0x6] =	wrdreg s22  }
0x13: {  	[dreg:$0x7] =	wrdreg s4;
	s22 =	simm.s32 $0x8;
	s4 =	simm.s32 $0x0  }
.LBB2_1:
0x14: {  	[dreg:$0xa] =	wrdreg s4  }
0x15: {  	s0 =	simm.s32 $0x0;
	s15 =	rddreg [dreg:$0x6]  }
0x16: {  	[tilespmem:s0], [sflag:$0x3] =	stream.linear.gather [hbm4b:s15+s0], $0x2800, $0x38;
	[tilespmem:$0x1D000] =	vst v63  }
0x17: {  	_ =	swait.ge [sflag:s16], $0x2800  }
0x18: {  	[sflag:s16] =	ssyncset.done $0x0  }
0x19: {  	s5 =	simm.s32 $0x2800;
	s18 =	rddreg [dreg:$0x7];
	[sflag:s16] =	ssyncadd.s32 $0xFFFFD800  }
0x1a: {  	[tilespmem:s5], [sflag:$0x3] =	stream.linear.gather [hbm4b:s18+s0], $0x2800, $0x38;
	[tilespmem:$0x1D000] =	vst v63  }
0x1b: {  	_ =	swait.ge [sflag:s16], $0x2800  }
0x1c: {  	[sflag:s16] =	ssyncset.done $0x0  }
0x1d: {  	s18 =	simm.s32 $0x0;
	[sflag:s16] =	ssyncadd.s32 $0xFFFFD800  }
.LBB2_2:
0x1e: {  	s0 =	smul.u32 $0x2800, s18  }
0x1f: {  	s4 =	rddreg [dreg:$0x8]  }
0x20: {  	s0 =	sadd.s32 s4, s0  }
0x21: {  	s4 =	rddreg [dreg:$0x4];
	s8 =	sshll.u32 s0, $0x4  }
0x22: {  	s0 =	sadd.s32 s4, s8;
	s4 =	sshrl.u32 s11, $0x3  }
0x23: {  	[spmem:s20@s22], [sflag:s19] =	dma.strided [hbm:s0@s23], $0x1400, s21, $0x8   }
0x24: {  	[spmem:s4@s22], [sflag:s24] =	dma.strided [hbm:s6@s23], $0x1400, s21, $0x8   }
0x25: {  	_ =	swait.ge [sflag:s21], $0x1400  }
0x26: {  	[sflag:s21] =	ssyncset.done $0x0  }
0x27: {  	[sflag:s21] =	ssyncadd.s32 $0xFFFFEC00  }
0x28: {  	_ =	swait.ge [sflag:s25], $0x1400  }
0x29: {  	[sflag:s25] =	ssyncset.done $0x0  }
0x2a: {  	[sflag:s25] =	ssyncadd.s32 $0xFFFFEC00  }
0x2b: {  	s5 =	simm.s32 $0x0;
	[bflag:$0x0] =	sbarrier.arrive $0xFFFF  }
0x2c: {  	[tilespmem:s28], [sflag:$0x1] =	stream.indirect.gather [spmem:s2], $0x40, s5, s26, $0xb8;
	[tilespmem:$0x1D000] =	vst v63  }
0x2d: {  	s7 =	simm.s32 $0x80  }
0x2e: {  	[tilespmem:s29], [sflag:$0x2] =	stream.indirect.gather [spmem:s2], $0x40, s7, s26, $0xb8;
	[tilespmem:$0x1D000] =	vst v63  }
0x2f: {  	_ =	swait.ge [sflag:s21], $0x2000  }
0x30: {  	[sflag:s21] =	ssyncset.done $0x0  }
0x31: {  	s9 =	simm.s32 $0x2800;
	[sflag:s21] =	ssyncadd.s32 $0xFFFFE000  }
0x32: {  	[spmem:s3] =	stream.indirect.scatter.add.f32 [tilespmem:s28], [sflag:$0x3], $0x40, s9, s26, $0xb8;
	[tilespmem:$0x1D000] =	vst v63  }
0x33: {  	_ =	swait.ge [sflag:s16], $0x2000  }
0x34: {  	[sflag:s16] =	ssyncset.done $0x0  }
0x35: {  	s10 =	simm.s32 $0x100;
	[sflag:s16] =	ssyncadd.s32 $0xFFFFE000  }
0x36: {  	[tilespmem:s28], [sflag:$0x1] =	stream.indirect.gather [spmem:s2], $0x40, s10, s26, $0xb8;
	[tilespmem:$0x1D000] =	vst v63  }
0x37: {  	_ =	swait.ge [sflag:s25], $0x2000  }
0x38: {  	[sflag:s25] =	ssyncset.done $0x0  }
0x39: {  	s15 =	simm.s32 $0x2880;
	[sflag:s25] =	ssyncadd.s32 $0xFFFFE000  }
0x3a: {  	[spmem:s3] =	stream.indirect.scatter.add.f32 [tilespmem:s29], [sflag:$0x3], $0x40, s15, s26, $0xb8;
	[tilespmem:$0x1D000] =	vst v63  }
0x3b: {  	_ =	swait.ge [sflag:s16], $0x2000  }
0x3c: {  	s9 =	simm.s32 $0x100;
	s15 =	simm.s32 $0x800;
	[sflag:s16] =	ssyncset.done $0x0  }
.LBB2_3:
0x3d: {  	s0 =	sadd.s32 $0x80, s9  }
0x3e: {  	[sflag:s16] =	ssyncadd.s32 $0xFFFFE000;
	s5 =	smov.u32 s15;
	s7 =	sadd.s32 $0x400, s15  }
0x3f: {  	[tilespmem:s29], [sflag:$0x2] =	stream.indirect.gather [spmem:s2], $0x40, s0, s26, $0xb8;
	[tilespmem:$0x1D000] =	vst v63  }
0x40: {  	p0 =	sne.s32 s15, $0x9800;
	_ =	swait.ge [sflag:s21], $0x2000  }
0x41: {  	[sflag:s21] =	ssyncset.done $0x0  }
0x42: {  	s0 =	sadd.s32 $0x2800, s9;
	[sflag:s21] =	ssyncadd.s32 $0xFFFFE000  }
0x43: {  	[spmem:s3] =	stream.indirect.scatter.add.f32 [tilespmem:s28], [sflag:$0x3], $0x40, s0, s26, $0xb8;
	[tilespmem:$0x1D000] =	vst v63  }
0x44: {  	_ =	swait.ge [sflag:s16], $0x2000  }
0x45: {  	[sflag:s16] =	ssyncset.done $0x0  }
0x46: {  	s0 =	sadd.s32 $0x100, s9;
	[sflag:s16] =	ssyncadd.s32 $0xFFFFE000  }
0x47: {  	[tilespmem:s28], [sflag:$0x1] =	stream.indirect.gather [spmem:s2], $0x40, s0, s26, $0xb8;
	[tilespmem:$0x1D000] =	vst v63  }
0x48: {  	_ =	swait.ge [sflag:s25], $0x2000  }
.Ltmp0:
0x49: {  	[sflag:s25] =	ssyncset.done $0x0;
	(pc) =	sbr.rel @p0 .LBB2_3-.Ltmp0, $4  }
0x4a: {  	s0 =	sadd.s32 $0x2880, s9;
	[sflag:s25] =	ssyncadd.s32 $0xFFFFE000  }
0x4b: {  	[spmem:s3] =	stream.indirect.scatter.add.f32 [tilespmem:s29], [sflag:$0x3], $0x40, s0, s26, $0xb8;
	[tilespmem:$0x1D000] =	vst v63  }
0x4c: {  	_ =	swait.ge [sflag:s16], $0x2000  }
0x4d: {  	s15 =	smov.u32 s7;
	s9 =	sshra.s32 s5, $0x2;
	[sflag:s16] =	ssyncset.done $0x0  }
0x4e: {  	s0 =	sadd.s32 $0x80, s9;
	[sflag:s16] =	ssyncadd.s32 $0xFFFFE000  }
0x4f: {  	[tilespmem:s29], [sflag:$0x2] =	stream.indirect.gather [spmem:s2], $0x40, s0, s26, $0xb8;
	[tilespmem:$0x1D000] =	vst v63  }
0x50: {  	_ =	swait.ge [sflag:s21], $0x2000  }
0x51: {  	[sflag:s21] =	ssyncset.done $0x0  }
0x52: {  	s7 =	sadd.s32 $0x2800, s9;
	[sflag:s21] =	ssyncadd.s32 $0xFFFFE000  }
0x53: {  	[spmem:s3] =	stream.indirect.scatter.add.f32 [tilespmem:s28], [sflag:$0x3], $0x40, s7, s26, $0xb8;
	[tilespmem:$0x1D000] =	vst v63  }
0x54: {  	_ =	swait.ge [sflag:s16], $0x2000  }
0x55: {  	[sflag:s16] =	ssyncset.done $0x0  }
0x56: {  	s10 =	sadd.s32 $0x100, s9;
	[sflag:s16] =	ssyncadd.s32 $0xFFFFE000  }
0x57: {  	[tilespmem:s28], [sflag:$0x1] =	stream.indirect.gather [spmem:s2], $0x40, s10, s26, $0xb8;
	[tilespmem:$0x1D000] =	vst v63  }
0x58: {  	_ =	swait.ge [sflag:s25], $0x2000  }
0x59: {  	[sflag:s25] =	ssyncset.done $0x0  }
0x5a: {  	s15 =	sadd.s32 $0x2880, s9;
	[sflag:s25] =	ssyncadd.s32 $0xFFFFE000  }
0x5b: {  	[spmem:s3] =	stream.indirect.scatter.add.f32 [tilespmem:s29], [sflag:$0x3], $0x40, s15, s26, $0xb8;
	[tilespmem:$0x1D000] =	vst v63  }
0x5c: {  	_ =	swait.ge [sflag:s16], $0x2000  }
0x5d: {  	[sflag:s16] =	ssyncset.done $0x0  }
0x5e: {  	[sflag:s16] =	ssyncadd.s32 $0xFFFFE000  }
0x5f: {  	[tilespmem:s29], [sflag:$0x2] =	stream.indirect.gather [spmem:s2], $0x40, s30, s26, $0xb8;
	[tilespmem:$0x1D000] =	vst v63  }
0x60: {  	_ =	swait.ge [sflag:s21], $0x2000  }
0x61: {  	[sflag:s21] =	ssyncset.done $0x0  }
0x62: {  	[sflag:s21] =	ssyncadd.s32 $0xFFFFE000  }
0x63: {  	[spmem:s3] =	stream.indirect.scatter.add.f32 [tilespmem:s28], [sflag:$0x3], $0x40, s31, s26, $0xb8;
	[tilespmem:$0x1D000] =	vst v63  }
0x64: {  	_ =	swait.ge [sflag:s16], $0x2000  }
0x65: {  	[sflag:s16] =	ssyncset.done $0x0  }
0x66: {  	[sflag:s16] =	ssyncadd.s32 $0xFFFFE000  }
0x67: {  	_ =	swait.ge [sflag:s25], $0x2000  }
0x68: {  	[sflag:s25] =	ssyncset.done $0x0  }
0x69: {  	[sflag:s25] =	ssyncadd.s32 $0xFFFFE000  }
0x6a: {  	[spmem:s3] =	stream.indirect.scatter.add.f32 [tilespmem:s29], [sflag:$0x3], $0x40, s1, s26, $0xb8;
	[tilespmem:$0x1D000] =	vst v63  }
0x6b: {  	_ =	swait.ge [sflag:s16], $0x2000  }
0x6c: {  	s5 =	smul.u32 $0x140000, s18;
	[sflag:s16] =	ssyncset.done $0x0  }
0x6d: {  	[sflag:s16] =	ssyncadd.s32 $0xFFFFE000  }
0x6e: {  	s0 =	sadd.s32 s5, s12;
	[bflag:$0x0] =	sbarrier.arrive $0xFFFF  }
0x6f: {  	s9 =	sshrl.u32 s0, $0x3;
	s7 =	rddreg [dreg:$0x5]  }
0x70: {  	s15 =	sor.u32 $0x1C03, s17;
	s0 =	sadd.s32 s7, s9  }
0x71: {  	[hbm:s0@s23], [sflag:s15] =	dma.strided [spmem:s4@s22], $0x1400, s21, $0x8   }
0x72: {  	_ =	swait.ge [sflag:s16], $0x1400  }
0x73: {  	[sflag:s16] =	ssyncset.done $0x0  }
0x74: {  	s8 =	sadd.s32 s8, s13;
	[sflag:s16] =	ssyncadd.s32 $0xFFFFEC00  }
0x75: {  	[spmem:s20@s22], [sflag:s19] =	dma.strided [hbm:s8@s23], $0x1400, s21, $0x8   }
0x76: {  	[spmem:s4@s22], [sflag:s24] =	dma.strided [hbm:s6@s23], $0x1400, s21, $0x8   }
0x77: {  	_ =	swait.ge [sflag:s21], $0x1400  }
0x78: {  	[sflag:s21] =	ssyncset.done $0x0  }
0x79: {  	[sflag:s21] =	ssyncadd.s32 $0xFFFFEC00  }
0x7a: {  	_ =	swait.ge [sflag:s25], $0x1400  }
0x7b: {  	[sflag:s25] =	ssyncset.done $0x0  }
0x7c: {  	[sflag:s25] =	ssyncadd.s32 $0xFFFFEC00  }
0x7d: {  	s10 =	simm.s32 $0x0;
	[bflag:$0x0] =	sbarrier.arrive $0xFFFF  }
0x7e: {  	[tilespmem:s28], [sflag:$0x1] =	stream.indirect.gather [spmem:s2], $0x40, s10, s26, $0xb8;
	[tilespmem:$0x1D000] =	vst v63  }
0x7f: {  	s5 =	simm.s32 $0x80  }
0x80: {  	[tilespmem:s29], [sflag:$0x2] =	stream.indirect.gather [spmem:s2], $0x40, s5, s26, $0xb8;
	[tilespmem:$0x1D000] =	vst v63  }
0x81: {  	_ =	swait.ge [sflag:s21], $0x2000  }
0x82: {  	[sflag:s21] =	ssyncset.done $0x0  }
0x83: {  	s7 =	simm.s32 $0x2800;
	[sflag:s21] =	ssyncadd.s32 $0xFFFFE000  }
0x84: {  	[spmem:s3] =	stream.indirect.scatter.add.f32 [tilespmem:s28], [sflag:$0x3], $0x40, s7, s26, $0xb8;
	[tilespmem:$0x1D000] =	vst v63  }
0x85: {  	_ =	swait.ge [sflag:s16], $0x2000  }
0x86: {  	[sflag:s16] =	ssyncset.done $0x0  }
0x87: {  	s8 =	simm.s32 $0x100;
	[sflag:s16] =	ssyncadd.s32 $0xFFFFE000  }
0x88: {  	[tilespmem:s28], [sflag:$0x1] =	stream.indirect.gather [spmem:s2], $0x40, s8, s26, $0xb8;
	[tilespmem:$0x1D000] =	vst v63  }
0x89: {  	_ =	swait.ge [sflag:s25], $0x2000  }
0x8a: {  	[sflag:s25] =	ssyncset.done $0x0  }
0x8b: {  	s10 =	simm.s32 $0x2880;
	[sflag:s25] =	ssyncadd.s32 $0xFFFFE000  }
0x8c: {  	[spmem:s3] =	stream.indirect.scatter.add.f32 [tilespmem:s29], [sflag:$0x3], $0x40, s10, s26, $0xb8;
	[tilespmem:$0x1D000] =	vst v63  }
0x8d: {  	_ =	swait.ge [sflag:s16], $0x2000  }
0x8e: {  	s0 =	simm.s32 $0x800;
	s8 =	simm.s32 $0x100;
	[sflag:s16] =	ssyncset.done $0x0  }
.LBB2_5:
0x8f: {  	s5 =	sadd.s32 $0x80, s8  }
0x90: {  	[sflag:s16] =	ssyncadd.s32 $0xFFFFE000;
	s7 =	smov.u32 s0;
	s10 =	sadd.s32 $0x400, s0  }
0x91: {  	[tilespmem:s29], [sflag:$0x2] =	stream.indirect.gather [spmem:s2], $0x40, s5, s26, $0xb8;
	[tilespmem:$0x1D000] =	vst v63  }
0x92: {  	p0 =	sne.s32 s0, $0x9800;
	_ =	swait.ge [sflag:s21], $0x2000  }
0x93: {  	[sflag:s21] =	ssyncset.done $0x0  }
0x94: {  	s0 =	sadd.s32 $0x2800, s8;
	[sflag:s21] =	ssyncadd.s32 $0xFFFFE000  }
0x95: {  	[spmem:s3] =	stream.indirect.scatter.add.f32 [tilespmem:s28], [sflag:$0x3], $0x40, s0, s26, $0xb8;
	[tilespmem:$0x1D000] =	vst v63  }
0x96: {  	_ =	swait.ge [sflag:s16], $0x2000  }
0x97: {  	[sflag:s16] =	ssyncset.done $0x0  }
0x98: {  	s0 =	sadd.s32 $0x100, s8;
	[sflag:s16] =	ssyncadd.s32 $0xFFFFE000  }
0x99: {  	[tilespmem:s28], [sflag:$0x1] =	stream.indirect.gather [spmem:s2], $0x40, s0, s26, $0xb8;
	[tilespmem:$0x1D000] =	vst v63  }
0x9a: {  	_ =	swait.ge [sflag:s25], $0x2000  }
.Ltmp1:
0x9b: {  	[sflag:s25] =	ssyncset.done $0x0;
	(pc) =	sbr.rel @p0 .LBB2_5-.Ltmp1, $4  }
0x9c: {  	s0 =	sadd.s32 $0x2880, s8;
	[sflag:s25] =	ssyncadd.s32 $0xFFFFE000  }
0x9d: {  	[spmem:s3] =	stream.indirect.scatter.add.f32 [tilespmem:s29], [sflag:$0x3], $0x40, s0, s26, $0xb8;
	[tilespmem:$0x1D000] =	vst v63  }
0x9e: {  	_ =	swait.ge [sflag:s16], $0x2000  }
0x9f: {  	s8 =	sshra.s32 s7, $0x2;
	s0 =	smov.u32 s10;
	[sflag:s16] =	ssyncset.done $0x0  }
0xa0: {  	s0 =	sadd.s32 $0x80, s8;
	[sflag:s16] =	ssyncadd.s32 $0xFFFFE000  }
0xa1: {  	[tilespmem:s29], [sflag:$0x2] =	stream.indirect.gather [spmem:s2], $0x40, s0, s26, $0xb8;
	[tilespmem:$0x1D000] =	vst v63  }
0xa2: {  	_ =	swait.ge [sflag:s21], $0x2000  }
0xa3: {  	[sflag:s21] =	ssyncset.done $0x0  }
0xa4: {  	s5 =	sadd.s32 $0x2800, s8;
	[sflag:s21] =	ssyncadd.s32 $0xFFFFE000  }
0xa5: {  	[spmem:s3] =	stream.indirect.scatter.add.f32 [tilespmem:s28], [sflag:$0x3], $0x40, s5, s26, $0xb8;
	[tilespmem:$0x1D000] =	vst v63  }
0xa6: {  	_ =	swait.ge [sflag:s16], $0x2000  }
0xa7: {  	[sflag:s16] =	ssyncset.done $0x0  }
0xa8: {  	s7 =	sadd.s32 $0x100, s8;
	[sflag:s16] =	ssyncadd.s32 $0xFFFFE000  }
0xa9: {  	[tilespmem:s28], [sflag:$0x1] =	stream.indirect.gather [spmem:s2], $0x40, s7, s26, $0xb8;
	[tilespmem:$0x1D000] =	vst v63  }
0xaa: {  	_ =	swait.ge [sflag:s25], $0x2000  }
0xab: {  	[sflag:s25] =	ssyncset.done $0x0  }
0xac: {  	s8 =	sadd.s32 $0x2880, s8;
	[sflag:s25] =	ssyncadd.s32 $0xFFFFE000  }
0xad: {  	[spmem:s3] =	stream.indirect.scatter.add.f32 [tilespmem:s29], [sflag:$0x3], $0x40, s8, s26, $0xb8;
	[tilespmem:$0x1D000] =	vst v63  }
0xae: {  	_ =	swait.ge [sflag:s16], $0x2000  }
0xaf: {  	[sflag:s16] =	ssyncset.done $0x0  }
0xb0: {  	[sflag:s16] =	ssyncadd.s32 $0xFFFFE000  }
0xb1: {  	[tilespmem:s29], [sflag:$0x2] =	stream.indirect.gather [spmem:s2], $0x40, s30, s26, $0xb8;
	[tilespmem:$0x1D000] =	vst v63  }
0xb2: {  	_ =	swait.ge [sflag:s21], $0x2000  }
0xb3: {  	[sflag:s21] =	ssyncset.done $0x0  }
0xb4: {  	[sflag:s21] =	ssyncadd.s32 $0xFFFFE000  }
0xb5: {  	[spmem:s3] =	stream.indirect.scatter.add.f32 [tilespmem:s28], [sflag:$0x3], $0x40, s31, s26, $0xb8;
	[tilespmem:$0x1D000] =	vst v63  }
0xb6: {  	_ =	swait.ge [sflag:s16], $0x2000  }
0xb7: {  	[sflag:s16] =	ssyncset.done $0x0  }
0xb8: {  	[sflag:s16] =	ssyncadd.s32 $0xFFFFE000  }
0xb9: {  	_ =	swait.ge [sflag:s25], $0x2000  }
0xba: {  	[sflag:s25] =	ssyncset.done $0x0  }
0xbb: {  	[sflag:s25] =	ssyncadd.s32 $0xFFFFE000  }
0xbc: {  	[spmem:s3] =	stream.indirect.scatter.add.f32 [tilespmem:s29], [sflag:$0x3], $0x40, s1, s26, $0xb8;
	[tilespmem:$0x1D000] =	vst v63  }
0xbd: {  	_ =	swait.ge [sflag:s16], $0x2000  }
0xbe: {  	s18 =	sadd.s32 $0x1, s18;
	[sflag:s16] =	ssyncset.done $0x0  }
0xbf: {  	p0 =	sne.s32 s18, $0xC;
	[sflag:s16] =	ssyncadd.s32 $0xFFFFE000  }
.Ltmp2:
0xc0: {  	s10 =	sadd.s32 s9, s14;
	[bflag:$0x0] =	sbarrier.arrive $0xFFFF;
	(pc) =	sbr.rel @p0 .LBB2_2-.Ltmp2, $4  }
0xc1: {  	[hbm:s10@s23], [sflag:s15] =	dma.strided [spmem:s4@s22], $0x1400, s21, $0x8   }
0xc2: {  	_ =	swait.ge [sflag:s16], $0x1400  }
0xc3: {  	[sflag:s16] =	ssyncset.done $0x0  }
0xc4: {  	[sflag:s16] =	ssyncadd.s32 $0xFFFFEC00  }
0xc5: {  	s4 =	rddreg [dreg:$0xa]  }
0xc6: {  	s0 =	rddreg [dreg:$0x9];
	s4 =	sadd.s32 $0x1, s4  }
0xc7: {  	p0 =	sne.s32 s4, s0  }
.Ltmp3:
0xc8: {  	_ = 	snop;
	(pc) =	sbr.rel @p0 .LBB2_1-.Ltmp3, $1  }
0xc9: {  	_ =	sdelay $0x3  }
0xca: {  	_ =	sfence.sel $0x180000  }
0xcb: {  	[bflag:$0x0] =	sbarrier.arrive $0xFFFF  }
0xcc: {  	_ =	strace $0x9000004D  }
0xcd: {  	s0 =	stileid.u32;
	[bflag:$0x2] =	sbarrier.arrive $0xFFFF  }
0xce: {  	p0 =	sne.s32 s0, $0x0;
	s0 =	rddreg [dreg:$0x3]  }
0xcf: {  	s0 =	sadd.s32 @!p0 $0x100000, s0  }
0xd0: {  	[sflag:s0] =	ssyncadd.tile.s32 @!p0 $0x1;
	_ =	shalt  }
.Lfunc_end2:
_tile_overlayer_lowered:
.L_overlay_start_2:
0xd1: {  	(tag) =	ssettag $0x2  }
0xd2: {  	s0 =	rddreg [dreg:$0x0];
	s2 =	stileid.u32  }
0xd3: {  	s1 =	rddreg [dreg:$0x1];
	p0 =	sne.s32 s2, $0x0  }
0xd4: {  	s3 =	rddreg [dreg:$0x2];
	[bflag:$0x3] =	sbarrier.arrive $0xFFFF;
	s2 =	simm.s32 @!p0 $0x1C03  }
0xd5: {  	[timem:s3], [sflag:s2] =	dma.local @!p0 [hbm:s0], s1  }
0xd6: {  	s0 =	simm.s32 @!p0 $0x3  }
0xd7: {  	_ =	swait.ge @!p0 [sflag:s0], s1  }
0xd8: {  	s1 =	ssub.s32 @!p0 $0x0, s1;
	[sflag:s0] =	ssyncset.done @!p0 $0x0  }
0xd9: {  	[sflag:s0] =	ssyncadd.s32 @!p0 s1  }
0xda: {  	[bflag:$0x3] =	sbarrier.arrive $0xFFFF  }
0xdb: {  	_ =	shalt  }

// kernel: kernel.20.cloned.1.call-start
scs
__scs_entry_jumppad:
0x0: {  	(pc) =	sbr.rel $0x88, $3  }
0x1: {  	(tag) =	ssettag $0x0;
	lr =	simm.s32 $0x1  }
0x2: {  	[smem:$0x3F97] =	sst lr;
	_ =	strace $0xD0000000  }
0x3: {  	_ = 	snop  }
0x4: {  	_ = 	snop  }
0x5: {  	_ = 	snop  }
0x6: {  	_ = 	snop  }
0x7: {  	_ = 	snop  }
__scs_overlays_trampoline_lowered:
0x8: {  	[smem:$0x3FA6] =	sst s0  }
0x9: {  	[smem:$0x3FA7] =	sst s1  }
0xa: {  	[smem:$0x3FA8] =	sst s2  }
0xb: {  	[smem:$0x3FA9] =	sst s3  }
0xc: {  	[smem:$0x3FAA] =	sst s4  }
0xd: {  	[smem:$0x3FAB] =	sst s5  }
0xe: {  	[smem:$0x3FAC] =	sst s6  }
0xf: {  	[smem:$0x3FAD] =	sst s7  }
0x10: {  	[smem:$0x3FAE] =	sst s8  }
0x11: {  	[smem:$0x3FAF] =	sst s9;
	s0 =	simm.s32 @!p0 $0x0  }
0x12: {  	s1 =	sld [smem:$0x3F95];
	s0 =	simm.s32 @p0 $0x1  }
0x13: {  	[smem:$0x3FB0] =	sst s0;
	s0 =	simm.s32 @!p1 $0x0  }
0x14: {  	s2 =	sld [smem:$0x3F94];
	s0 =	simm.s32 @p1 $0x1  }
0x15: {  	[smem:$0x3FB1] =	sst s0;
	s0 =	simm.s32 @!p2 $0x0  }
0x16: {  	s3 =	sld [smem:$0x3FDB];
	s0 =	simm.s32 @p2 $0x1  }
0x17: {  	s4 =	simm.s32 $0x1BF5;
	[smem:$0x3FB3] =	sst s0  }
0x18: {  	s0 =	sld [smem:$0x3F96];
	_ =	swait.ge [sflag:s4], $0x0  }
0x19: {  	s7 =	sld [smem:$0x3F97]  }
0x1a: {  	s8 =	sadd.s32 $0xFFFFE003, lr  }
0x1b: {  	s9 =	sadd.s32 $0xFFFFFEF7, lr;
	s5 =	simm.s32 $0xFFFFFFFF;
	p2 =	slt.u32 s8, $0xFFFFF086  }
0x1c: {  	p1 =	slt.u32 s9, $0xF7A;
	s5 =	simm.s32 @!p2 $0x0  }
0x1d: {  	s5 =	simm.s32 @p1 $0x1;
	p0 =	seq.s32 s7, s2  }
0x1e: {  	s7 =	smul.u32 @!p0 $0xF7A, s2;
	p2 =	seq.s32 @!p0 s5, $0x0  }
0x1f: {  	s9 =	smul.u32 $0xF7A, s1;
	s8 =	simm.s32 @!p0 $0x1BF5;
	p2 =	por !p2, p0  }
0x20: {  	[sflag:s8] =	ssyncset.s32 @!p0 $0xFFFFF086;
	s6 =	sadd.s32 @!p0 s3, s7;
	s7 =	simm.s32 @!p0 $0x108  }
0x21: {  	s3 =	sadd.s32 s3, s9;
	s6 =	sadd.s32 @!p0 $0x88, s6;
	s7 =	simm.s32 @p2 $0x1082  }
0x22: {  	[simem:s7], [sflag:s8] =	dma.local @!p0 [hbm:s6], $0xF7A  }
0x23: {  	s9 =	sor.u32 $0xD0000000, s2;
	s6 =	simm.s32 $0x108;
	_ =	swait.ge @!p0 [sflag:s8], $0x0  }
0x24: {  	s3 =	sadd.s32 $0x88, s3;
	s6 =	simm.s32 @!p1 $0x1082;
	[sflag:s4] =	ssyncset.s32 $0xFFFFF086  }
0x25: {  	[simem:s6], [sflag:s4] =	dma.local [hbm:s3], $0xF7A  }
0x26: {  	[smem:$0x3F97] =	sst s1;
	(tag) =	ssettag s2;
	_ =	strace s9  }
0x27: {  	s1 =	sld [smem:$0x3FA7]  }
0x28: {  	s2 =	sld [smem:$0x3FA8]  }
0x29: {  	s4 =	sld [smem:$0x3FAA]  }
0x2a: {  	p0 =	seq.s32 s5, $0x0;
	s5 =	sld [smem:$0x3FAB]  }
0x2b: {  	s6 =	sld [smem:$0x3FAC]  }
0x2c: {  	s7 =	sld [smem:$0x3FAD]  }
0x2d: {  	s3 =	simm.s32 $0x108;
	s8 =	sld [smem:$0x3FAE]  }
0x2e: {  	s3 =	simm.s32 @!p0 $0x1082;
	s9 =	sld [smem:$0x3FAF]  }
0x2f: {  	lr =	sadd.s32 s0, s3;
	s0 =	sld [smem:$0x3FA6]  }
0x30: {  	s3 =	sld [smem:$0x3FA9]  }
0x31: {  	[smem:$0x3FB2] =	sst s10  }
0x32: {  	s10 =	sld [smem:$0x3FB0];
	_ =	sdelay $0x3  }
0x33: {  	p0 =	seq.s32 s10, $0x1;
	s10 =	sld [smem:$0x3FB2];
	_ =	sdelay $0x3  }
0x34: {  	[smem:$0x3FB2] =	sst s10  }
0x35: {  	s10 =	sld [smem:$0x3FB1];
	_ =	sdelay $0x3  }
0x36: {  	p1 =	seq.s32 s10, $0x1;
	s10 =	sld [smem:$0x3FB2];
	_ =	sdelay $0x3  }
0x37: {  	[smem:$0x3FB2] =	sst s10  }
0x38: {  	s10 =	sld [smem:$0x3FB3]  }
0x39: {  	_ = 	snop;
	(pc) =	sbr.ind lr, $3  }
0x3a: {  	_ = 	snop  }
0x3b: {  	_ = 	snop  }
0x3c: {  	p2 =	seq.s32 s10, $0x1;
	s10 =	sld [smem:$0x3FB2]  }
0x3d: {  	_ =	shalt  }
0x3e: {  	_ =	shalt  }
0x3f: {  	_ =	shalt  }
0x40: {  	_ =	shalt  }
0x41: {  	_ =	shalt  }
0x42: {  	_ =	shalt  }
0x43: {  	_ =	shalt  }
0x44: {  	_ =	shalt  }
0x45: {  	_ =	shalt  }
0x46: {  	_ =	shalt  }
0x47: {  	_ =	shalt  }
0x48: {  	_ =	shalt  }
0x49: {  	_ =	shalt  }
0x4a: {  	_ =	shalt  }
0x4b: {  	_ =	shalt  }
0x4c: {  	_ =	shalt  }
0x4d: {  	_ =	shalt  }
0x4e: {  	_ =	shalt  }
0x4f: {  	_ =	shalt  }
0x50: {  	_ =	shalt  }
0x51: {  	_ =	shalt  }
0x52: {  	_ =	shalt  }
0x53: {  	_ =	shalt  }
0x54: {  	_ =	shalt  }
0x55: {  	_ =	shalt  }
0x56: {  	_ =	shalt  }
0x57: {  	_ =	shalt  }
0x58: {  	_ =	shalt  }
0x59: {  	_ =	shalt  }
0x5a: {  	_ =	shalt  }
0x5b: {  	_ =	shalt  }
0x5c: {  	_ =	shalt  }
0x5d: {  	_ =	shalt  }
0x5e: {  	_ =	shalt  }
0x5f: {  	_ =	shalt  }
0x60: {  	_ =	shalt  }
0x61: {  	_ =	shalt  }
0x62: {  	_ =	shalt  }
0x63: {  	_ =	shalt  }
0x64: {  	_ =	shalt  }
0x65: {  	_ =	shalt  }
0x66: {  	_ =	shalt  }
0x67: {  	_ =	shalt  }
0x68: {  	_ =	shalt  }
0x69: {  	_ =	shalt  }
0x6a: {  	_ =	shalt  }
0x6b: {  	_ =	shalt  }
0x6c: {  	_ =	shalt  }
0x6d: {  	_ =	shalt  }
0x6e: {  	_ =	shalt  }
0x6f: {  	_ =	shalt  }
0x70: {  	_ =	shalt  }
0x71: {  	_ =	shalt  }
0x72: {  	_ =	shalt  }
0x73: {  	_ =	shalt  }
0x74: {  	_ =	shalt  }
0x75: {  	_ =	shalt  }
0x76: {  	_ =	shalt  }
0x77: {  	_ =	shalt  }
0x78: {  	_ =	shalt  }
0x79: {  	_ =	shalt  }
0x7a: {  	_ =	shalt  }
0x7b: {  	_ =	shalt  }
0x7c: {  	_ =	shalt  }
0x7d: {  	_ =	shalt  }
0x7e: {  	_ =	shalt  }
0x7f: {  	_ =	shalt  }
0x80: {  	_ =	shalt  }
0x81: {  	_ =	shalt  }
0x82: {  	_ =	shalt  }
0x83: {  	_ =	shalt  }
0x84: {  	_ =	shalt  }
0x85: {  	_ =	shalt  }
0x86: {  	_ =	shalt  }
0x87: {  	_ =	shalt  }
.Lfunc_end0:
.L_simem_size_0:
called_computation.3_lowered:
.L_overlay_start_0:
0x88: {  	s2 =	sld [smem:$0x3FD9]  }
0x89: {  	s3 =	sld [smem:$0x3FFE];
	_ =	sdelay $0x1  }
0x8a: {  	s1 =	srdreg.scid  }
0x8b: {  	s0 =	sand.u32 $0x1, s1  }
0x8c: {  	s16 =	sshll.u32 s0, $0xA;
	s2 =	sadd.s32 s3, s2  }
0x8d: {  	s2 =	sadd.s32 s2, s16  }
0x8e: {  	[smem:$0x3FBE] =	sst s2  }
0x8f: {  	_ = 	snop  }
0x90: {  	(tm) =	ssettm $0x1  }
0x91: {  	s17 =	sld [smem:$0x3FFB];
	_ =	sdelay $0x3  }
0x92: {  	_ =	strace s17  }
0x93: {  	s2 =	sld [smem:$0x3FFC];
	_ =	sdelay $0x3  }
0x94: {  	_ =	strace s2  }
0x95: {  	s2 =	sld [smem:$0x3FFD];
	_ =	sdelay $0x3  }
0x96: {  	_ =	strace s2  }
0x97: {  	_ =	strace $0x8FFFFFFF  }
0x98: {  	s18 =	sld [smem:$0x3FDB];
	_ =	sdelay $0x1  }
0x99: {  	s19 =	simm.s32 $_scs_section_size  }
0x9a: {  	s4 =	simm.s32 $_size__tile_overlayer_lowered;
	s5 =	simm.s32 $_tile_overlayer_lowered  }
0x9b: {  	s22 =	simm.s32 $0x1BFF;
	s21 =	sshll.u32 s5, $0x1;
	s2 =	sadd.s32 s19, s18  }
0x9c: {  	s6 =	simm.s32 $0x0;
	s20 =	sshll.u32 s4, $0x1;
	s4 =	sadd.s32 s21, s2  }
0x9d: {  	[timem:s6], [sflag:s22] =	dma.local [hbm:s4], s20  }
0x9e: {  	_ =	swait.ge [sflag:s22], s20  }
0x9f: {  	s3 =	ssub.s32 $0x0, s20;
	[sflag:s22] =	ssyncset.done $0x0  }
0xa0: {  	[sflag:s22] =	ssyncadd.s32 s3;
	_ =	sdelay $0x1  }
0xa1: {  	s23 =	simm.s32 $0x1B8B  }
0xa2: {  	_ =	swait.ge [sflag:s23], $0x1  }
0xa3: {  	[sflag:s23] =	ssyncset.done $0x0  }
0xa4: {  	s25 =	simm.s32 $0x1B8E;
	s24 =	sld [smem:$0x3FFE];
	[sflag:s23] =	ssyncadd.s32 $0xFFFFFFFF  }
0xa5: {  	s26 =	simm.s32 $execute0_lowered;
	[smem:$0x3FD2] =	sst s25  }
0xa6: {  	s4 =	sshll.u32 s26, $0x1;
	_ =	strace $0x8000004F;
	[dreg:$0x1] =	wrdreg $0xFFFFFFFF  }
0xa7: {  	s28 =	simm.s32 $_size_execute0_lowered;
	s2 =	sadd.s32 s2, s4;
	[dreg:$0x0] =	wrdreg $0x0  }
0xa8: {  	s4 =	sshll.u32 s28, $0x1;
	[dreg:$0x2] =	wrdreg s2  }
0xa9: {  	[dreg:$0x3] =	wrdreg s4  }
0xaa: {  	[dreg:$0x4] =	wrdreg $0xC0  }
0xab: {  	_ =	task [dreg:s6], $0x5FFFF  }
0xac: {  	[dreg:$0x1] =	wrdreg $0xFFFFFFFF  }
0xad: {  	[dreg:$0x0] =	wrdreg $0x60  }
0xae: {  	[dreg:$0x2] =	wrdreg s24  }
0xaf: {  	[dreg:$0x3] =	wrdreg $0x90000  }
0xb0: {  	[dreg:$0x4] =	wrdreg $0x130000  }
0xb1: {  	[dreg:$0x5] =	wrdreg $0x9  }
0xb2: {  	_ =	task.clear_ibuf [dreg:s6], $0x6FFFF;
	_ =	strace $0x9000004F  }
0xb3: {  	s29 =	simm.s32 $0x9;
	_ =	strace $0x80000051  }
0xb4: {  	_ =	swait.ge [sflag:s29], $0x1  }
0xb5: {  	[sflag:s29] =	ssyncadd.s32 $0xFFFFFFFF  }
0xb6: {  	_ =	strace $0x90000051  }
0xb7: {  	_ =	sfence  }
0xb8: {  	s30 =	sld [smem:$0x0];
	_ =	sdelay $0x2  }
0xb9: {  	s31 =	sshll.u32 s1, $0xD;
	s1 =	sshrl.u32 s1, $0x2  }
0xba: {  	s3 =	sand.u32 $0x4000, s31;
	s1 =	sadd.s32 s1, s30  }
0xbb: {  	s0 =	sor.u32 s3, s0;
	s1 =	sshll.u32 s1, $0x11  }
0xbc: {  	s0 =	sor.u32 s1, s0  }
0xbd: {  	s0 =	sadd.s32 $0x8F2B, s0  }
0xbe: {  	[sflag:s0] =	ssyncadd.remote.s32 $0x1  }
0xbf: {  	_ =	sfence.sel $0xFFFF  }
0xc0: {  	[dreg:$0x0] =	wrdreg $0xFFFFFFFF;
	(pc) =	sbr.abs _section_cstart, $3  }
0xc1: {  	[dreg:$0x1] =	wrdreg $0xFFFFFFFF  }
0xc2: {  	_ =	task.clear_ibuf [dreg:s6], $0x2FFFF;
	_ =	strace $0x9FFFFFFF  }
0xc3: {  	(tm) =	ssettm $0x7FFFFFFF  }
tec
execute0_lowered:
.L_overlay_start_1:
0x0: {  	(tag) =	ssettag $0x1  }
0x1: {  	s0 =	rddreg [dreg:$0x0]  }
0x2: {  	s2 =	rddreg [dreg:$0x1];
	s1 =	srdreg.scid  }
0x3: {  	s5 =	stileid.u32;
	s3 =	rddreg [dreg:$0x2]  }
0x4: {  	s6 =	simm.s32 $0x0;
	s16 =	simm.s32 $0x3;
	s28 =	simm.s32 $0x5000  }
0x5: {  	s29 =	simm.s32 $0x7000;
	s30 =	simm.s32 $0x2780;
	s31 =	simm.s32 $0x4F00  }
0x6: {  	s1 =	sand.u32 $0x1, s1;
	s4 =	sshll.u32 s5, $0x1;
	s11 =	smul.u32 $0xA000, s5  }
0x7: {  	[smem:$0x7FF] =	sst s6;
	s21 =	sadd.s32 $0x427000, s0;
	s23 =	smul.u32 $0x14000, s5  }
0x8: {  	s6 =	sadd.s32 $0x33200, s0;
	s7 =	sadd.s32 $0x67000, s0;
	s24 =	smul.u32 $0x280, s5  }
0x9: {  	s13 =	sadd.s32 $0x427008, s0;
	s14 =	sadd.s32 $0x67008, s0;
	s17 =	sshll.u32 s5, $0x6  }
0xa: {  	s4 =	sor.u32 s1, s4;
	_ =	strace $0x80000050;
	[dreg:$0x4] =	wrdreg s21  }
0xb: {  	s8 =	ssub.s32 $0x2, s1;
	[dreg:$0x5] =	wrdreg s7;
	s1 =	smul.u32 $0xF00000, s1  }
0xc: {  	s19 =	sor.u32 $0x1C01, s17;
	s21 =	simm.s32 $0x1;
	s4 =	smul.u32 $0x500, s4  }
0xd: {  	s9 =	sshrl.u32 s8, $0x1;
	[dreg:$0x8] =	wrdreg s24;
	s25 =	sadd.s32 s11, s2  }
0xe: {  	s11 =	sadd.s32 s11, s3;
	s24 =	sor.u32 $0x1C02, s17;
	s8 =	ssub.s32 s8, s9  }
0xf: {  	s12 =	sadd.s32 s1, s23;
	s20 =	sshrl.u32 s25, $0x3;
	s23 =	simm.s32 $0x10  }
0x10: {  	s25 =	simm.s32 $0x2;
	s4 =	sadd.s32 s4, s0;
	s26 =	smax.u32 s8, $0x1  }
0x11: {  	s1 =	simm.s32 $0x4F80;
	s22 =	sadd.s32 $0x5D000, s4;
	[dreg:$0x9] =	wrdreg s26  }
0x12: {  	s4 =	sadd.s32 $0x2000, s4;
	s26 =	simm.s32 $0x80;
	[dreg:$0x6] =	wrdreg s22  }
0x13: {  	[dreg:$0x7] =	wrdreg s4;
	s22 =	simm.s32 $0x8;
	s4 =	simm.s32 $0x0  }
.LBB2_1:
0x14: {  	[dreg:$0xa] =	wrdreg s4  }
0x15: {  	s0 =	simm.s32 $0x0;
	s15 =	rddreg [dreg:$0x6]  }
0x16: {  	[tilespmem:s0], [sflag:$0x3] =	stream.linear.gather [hbm4b:s15+s0], $0x2800, $0x38;
	[tilespmem:$0x1D000] =	vst v63  }
0x17: {  	_ =	swait.ge [sflag:s16], $0x2800  }
0x18: {  	[sflag:s16] =	ssyncset.done $0x0  }
0x19: {  	s5 =	simm.s32 $0x2800;
	s18 =	rddreg [dreg:$0x7];
	[sflag:s16] =	ssyncadd.s32 $0xFFFFD800  }
0x1a: {  	[tilespmem:s5], [sflag:$0x3] =	stream.linear.gather [hbm4b:s18+s0], $0x2800, $0x38;
	[tilespmem:$0x1D000] =	vst v63  }
0x1b: {  	_ =	swait.ge [sflag:s16], $0x2800  }
0x1c: {  	[sflag:s16] =	ssyncset.done $0x0  }
0x1d: {  	s18 =	simm.s32 $0x0;
	[sflag:s16] =	ssyncadd.s32 $0xFFFFD800  }
.LBB2_2:
0x1e: {  	s0 =	smul.u32 $0x2800, s18  }
0x1f: {  	s4 =	rddreg [dreg:$0x8]  }
0x20: {  	s0 =	sadd.s32 s4, s0  }
0x21: {  	s4 =	rddreg [dreg:$0x4];
	s8 =	sshll.u32 s0, $0x4  }
0x22: {  	s0 =	sadd.s32 s4, s8;
	s4 =	sshrl.u32 s11, $0x3  }
0x23: {  	[spmem:s20@s22], [sflag:s19] =	dma.strided [hbm:s0@s23], $0x1400, s21, $0x8   }
0x24: {  	[spmem:s4@s22], [sflag:s24] =	dma.strided [hbm:s6@s23], $0x1400, s21, $0x8   }
0x25: {  	_ =	swait.ge [sflag:s21], $0x1400  }
0x26: {  	[sflag:s21] =	ssyncset.done $0x0  }
0x27: {  	[sflag:s21] =	ssyncadd.s32 $0xFFFFEC00  }
0x28: {  	_ =	swait.ge [sflag:s25], $0x1400  }
0x29: {  	[sflag:s25] =	ssyncset.done $0x0  }
0x2a: {  	[sflag:s25] =	ssyncadd.s32 $0xFFFFEC00  }
0x2b: {  	s5 =	simm.s32 $0x0;
	[bflag:$0x0] =	sbarrier.arrive $0xFFFF  }
0x2c: {  	[tilespmem:s28], [sflag:$0x1] =	stream.indirect.gather [spmem:s2], $0x40, s5, s26, $0xb8;
	[tilespmem:$0x1D000] =	vst v63  }
0x2d: {  	s7 =	simm.s32 $0x80  }
0x2e: {  	[tilespmem:s29], [sflag:$0x2] =	stream.indirect.gather [spmem:s2], $0x40, s7, s26, $0xb8;
	[tilespmem:$0x1D000] =	vst v63  }
0x2f: {  	_ =	swait.ge [sflag:s21], $0x2000  }
0x30: {  	[sflag:s21] =	ssyncset.done $0x0  }
0x31: {  	s9 =	simm.s32 $0x2800;
	[sflag:s21] =	ssyncadd.s32 $0xFFFFE000  }
0x32: {  	[spmem:s3] =	stream.indirect.scatter.add.f32 [tilespmem:s28], [sflag:$0x3], $0x40, s9, s26, $0xb8;
	[tilespmem:$0x1D000] =	vst v63  }
0x33: {  	_ =	swait.ge [sflag:s16], $0x2000  }
0x34: {  	[sflag:s16] =	ssyncset.done $0x0  }
0x35: {  	s10 =	simm.s32 $0x100;
	[sflag:s16] =	ssyncadd.s32 $0xFFFFE000  }
0x36: {  	[tilespmem:s28], [sflag:$0x1] =	stream.indirect.gather [spmem:s2], $0x40, s10, s26, $0xb8;
	[tilespmem:$0x1D000] =	vst v63  }
0x37: {  	_ =	swait.ge [sflag:s25], $0x2000  }
0x38: {  	[sflag:s25] =	ssyncset.done $0x0  }
0x39: {  	s15 =	simm.s32 $0x2880;
	[sflag:s25] =	ssyncadd.s32 $0xFFFFE000  }
0x3a: {  	[spmem:s3] =	stream.indirect.scatter.add.f32 [tilespmem:s29], [sflag:$0x3], $0x40, s15, s26, $0xb8;
	[tilespmem:$0x1D000] =	vst v63  }
0x3b: {  	_ =	swait.ge [sflag:s16], $0x2000  }
0x3c: {  	s9 =	simm.s32 $0x100;
	s15 =	simm.s32 $0x800;
	[sflag:s16] =	ssyncset.done $0x0  }
.LBB2_3:
0x3d: {  	s0 =	sadd.s32 $0x80, s9  }
0x3e: {  	[sflag:s16] =	ssyncadd.s32 $0xFFFFE000;
	s5 =	smov.u32 s15;
	s7 =	sadd.s32 $0x400, s15  }
0x3f: {  	[tilespmem:s29], [sflag:$0x2] =	stream.indirect.gather [spmem:s2], $0x40, s0, s26, $0xb8;
	[tilespmem:$0x1D000] =	vst v63  }
0x40: {  	p0 =	sne.s32 s15, $0x9800;
	_ =	swait.ge [sflag:s21], $0x2000  }
0x41: {  	[sflag:s21] =	ssyncset.done $0x0  }
0x42: {  	s0 =	sadd.s32 $0x2800, s9;
	[sflag:s21] =	ssyncadd.s32 $0xFFFFE000  }
0x43: {  	[spmem:s3] =	stream.indirect.scatter.add.f32 [tilespmem:s28], [sflag:$0x3], $0x40, s0, s26, $0xb8;
	[tilespmem:$0x1D000] =	vst v63  }
0x44: {  	_ =	swait.ge [sflag:s16], $0x2000  }
0x45: {  	[sflag:s16] =	ssyncset.done $0x0  }
0x46: {  	s0 =	sadd.s32 $0x100, s9;
	[sflag:s16] =	ssyncadd.s32 $0xFFFFE000  }
0x47: {  	[tilespmem:s28], [sflag:$0x1] =	stream.indirect.gather [spmem:s2], $0x40, s0, s26, $0xb8;
	[tilespmem:$0x1D000] =	vst v63  }
0x48: {  	_ =	swait.ge [sflag:s25], $0x2000  }
.Ltmp0:
0x49: {  	[sflag:s25] =	ssyncset.done $0x0;
	(pc) =	sbr.rel @p0 .LBB2_3-.Ltmp0, $4  }
0x4a: {  	s0 =	sadd.s32 $0x2880, s9;
	[sflag:s25] =	ssyncadd.s32 $0xFFFFE000  }
0x4b: {  	[spmem:s3] =	stream.indirect.scatter.add.f32 [tilespmem:s29], [sflag:$0x3], $0x40, s0, s26, $0xb8;
	[tilespmem:$0x1D000] =	vst v63  }
0x4c: {  	_ =	swait.ge [sflag:s16], $0x2000  }
0x4d: {  	s15 =	smov.u32 s7;
	s9 =	sshra.s32 s5, $0x2;
	[sflag:s16] =	ssyncset.done $0x0  }
0x4e: {  	s0 =	sadd.s32 $0x80, s9;
	[sflag:s16] =	ssyncadd.s32 $0xFFFFE000  }
0x4f: {  	[tilespmem:s29], [sflag:$0x2] =	stream.indirect.gather [spmem:s2], $0x40, s0, s26, $0xb8;
	[tilespmem:$0x1D000] =	vst v63  }
0x50: {  	_ =	swait.ge [sflag:s21], $0x2000  }
0x51: {  	[sflag:s21] =	ssyncset.done $0x0  }
0x52: {  	s7 =	sadd.s32 $0x2800, s9;
	[sflag:s21] =	ssyncadd.s32 $0xFFFFE000  }
0x53: {  	[spmem:s3] =	stream.indirect.scatter.add.f32 [tilespmem:s28], [sflag:$0x3], $0x40, s7, s26, $0xb8;
	[tilespmem:$0x1D000] =	vst v63  }
0x54: {  	_ =	swait.ge [sflag:s16], $0x2000  }
0x55: {  	[sflag:s16] =	ssyncset.done $0x0  }
0x56: {  	s10 =	sadd.s32 $0x100, s9;
	[sflag:s16] =	ssyncadd.s32 $0xFFFFE000  }
0x57: {  	[tilespmem:s28], [sflag:$0x1] =	stream.indirect.gather [spmem:s2], $0x40, s10, s26, $0xb8;
	[tilespmem:$0x1D000] =	vst v63  }
0x58: {  	_ =	swait.ge [sflag:s25], $0x2000  }
0x59: {  	[sflag:s25] =	ssyncset.done $0x0  }
0x5a: {  	s15 =	sadd.s32 $0x2880, s9;
	[sflag:s25] =	ssyncadd.s32 $0xFFFFE000  }
0x5b: {  	[spmem:s3] =	stream.indirect.scatter.add.f32 [tilespmem:s29], [sflag:$0x3], $0x40, s15, s26, $0xb8;
	[tilespmem:$0x1D000] =	vst v63  }
0x5c: {  	_ =	swait.ge [sflag:s16], $0x2000  }
0x5d: {  	[sflag:s16] =	ssyncset.done $0x0  }
0x5e: {  	[sflag:s16] =	ssyncadd.s32 $0xFFFFE000  }
0x5f: {  	[tilespmem:s29], [sflag:$0x2] =	stream.indirect.gather [spmem:s2], $0x40, s30, s26, $0xb8;
	[tilespmem:$0x1D000] =	vst v63  }
0x60: {  	_ =	swait.ge [sflag:s21], $0x2000  }
0x61: {  	[sflag:s21] =	ssyncset.done $0x0  }
0x62: {  	[sflag:s21] =	ssyncadd.s32 $0xFFFFE000  }
0x63: {  	[spmem:s3] =	stream.indirect.scatter.add.f32 [tilespmem:s28], [sflag:$0x3], $0x40, s31, s26, $0xb8;
	[tilespmem:$0x1D000] =	vst v63  }
0x64: {  	_ =	swait.ge [sflag:s16], $0x2000  }
0x65: {  	[sflag:s16] =	ssyncset.done $0x0  }
0x66: {  	[sflag:s16] =	ssyncadd.s32 $0xFFFFE000  }
0x67: {  	_ =	swait.ge [sflag:s25], $0x2000  }
0x68: {  	[sflag:s25] =	ssyncset.done $0x0  }
0x69: {  	[sflag:s25] =	ssyncadd.s32 $0xFFFFE000  }
0x6a: {  	[spmem:s3] =	stream.indirect.scatter.add.f32 [tilespmem:s29], [sflag:$0x3], $0x40, s1, s26, $0xb8;
	[tilespmem:$0x1D000] =	vst v63  }
0x6b: {  	_ =	swait.ge [sflag:s16], $0x2000  }
0x6c: {  	s5 =	smul.u32 $0x140000, s18;
	[sflag:s16] =	ssyncset.done $0x0  }
0x6d: {  	[sflag:s16] =	ssyncadd.s32 $0xFFFFE000  }
0x6e: {  	s0 =	sadd.s32 s5, s12;
	[bflag:$0x0] =	sbarrier.arrive $0xFFFF  }
0x6f: {  	s9 =	sshrl.u32 s0, $0x3;
	s7 =	rddreg [dreg:$0x5]  }
0x70: {  	s15 =	sor.u32 $0x1C03, s17;
	s0 =	sadd.s32 s7, s9  }
0x71: {  	[hbm:s0@s23], [sflag:s15] =	dma.strided [spmem:s4@s22], $0x1400, s21, $0x8   }
0x72: {  	_ =	swait.ge [sflag:s16], $0x1400  }
0x73: {  	[sflag:s16] =	ssyncset.done $0x0  }
0x74: {  	s8 =	sadd.s32 s8, s13;
	[sflag:s16] =	ssyncadd.s32 $0xFFFFEC00  }
0x75: {  	[spmem:s20@s22], [sflag:s19] =	dma.strided [hbm:s8@s23], $0x1400, s21, $0x8   }
0x76: {  	[spmem:s4@s22], [sflag:s24] =	dma.strided [hbm:s6@s23], $0x1400, s21, $0x8   }
0x77: {  	_ =	swait.ge [sflag:s21], $0x1400  }
0x78: {  	[sflag:s21] =	ssyncset.done $0x0  }
0x79: {  	[sflag:s21] =	ssyncadd.s32 $0xFFFFEC00  }
0x7a: {  	_ =	swait.ge [sflag:s25], $0x1400  }
0x7b: {  	[sflag:s25] =	ssyncset.done $0x0  }
0x7c: {  	[sflag:s25] =	ssyncadd.s32 $0xFFFFEC00  }
0x7d: {  	s10 =	simm.s32 $0x0;
	[bflag:$0x0] =	sbarrier.arrive $0xFFFF  }
0x7e: {  	[tilespmem:s28], [sflag:$0x1] =	stream.indirect.gather [spmem:s2], $0x40, s10, s26, $0xb8;
	[tilespmem:$0x1D000] =	vst v63  }
0x7f: {  	s5 =	simm.s32 $0x80  }
0x80: {  	[tilespmem:s29], [sflag:$0x2] =	stream.indirect.gather [spmem:s2], $0x40, s5, s26, $0xb8;
	[tilespmem:$0x1D000] =	vst v63  }
0x81: {  	_ =	swait.ge [sflag:s21], $0x2000  }
0x82: {  	[sflag:s21] =	ssyncset.done $0x0  }
0x83: {  	s7 =	simm.s32 $0x2800;
	[sflag:s21] =	ssyncadd.s32 $0xFFFFE000  }
0x84: {  	[spmem:s3] =	stream.indirect.scatter.add.f32 [tilespmem:s28], [sflag:$0x3], $0x40, s7, s26, $0xb8;
	[tilespmem:$0x1D000] =	vst v63  }
0x85: {  	_ =	swait.ge [sflag:s16], $0x2000  }
0x86: {  	[sflag:s16] =	ssyncset.done $0x0  }
0x87: {  	s8 =	simm.s32 $0x100;
	[sflag:s16] =	ssyncadd.s32 $0xFFFFE000  }
0x88: {  	[tilespmem:s28], [sflag:$0x1] =	stream.indirect.gather [spmem:s2], $0x40, s8, s26, $0xb8;
	[tilespmem:$0x1D000] =	vst v63  }
0x89: {  	_ =	swait.ge [sflag:s25], $0x2000  }
0x8a: {  	[sflag:s25] =	ssyncset.done $0x0  }
0x8b: {  	s10 =	simm.s32 $0x2880;
	[sflag:s25] =	ssyncadd.s32 $0xFFFFE000  }
0x8c: {  	[spmem:s3] =	stream.indirect.scatter.add.f32 [tilespmem:s29], [sflag:$0x3], $0x40, s10, s26, $0xb8;
	[tilespmem:$0x1D000] =	vst v63  }
0x8d: {  	_ =	swait.ge [sflag:s16], $0x2000  }
0x8e: {  	s0 =	simm.s32 $0x800;
	s8 =	simm.s32 $0x100;
	[sflag:s16] =	ssyncset.done $0x0  }
.LBB2_5:
0x8f: {  	s5 =	sadd.s32 $0x80, s8  }
0x90: {  	[sflag:s16] =	ssyncadd.s32 $0xFFFFE000;
	s7 =	smov.u32 s0;
	s10 =	sadd.s32 $0x400, s0  }
0x91: {  	[tilespmem:s29], [sflag:$0x2] =	stream.indirect.gather [spmem:s2], $0x40, s5, s26, $0xb8;
	[tilespmem:$0x1D000] =	vst v63  }
0x92: {  	p0 =	sne.s32 s0, $0x9800;
	_ =	swait.ge [sflag:s21], $0x2000  }
0x93: {  	[sflag:s21] =	ssyncset.done $0x0  }
0x94: {  	s0 =	sadd.s32 $0x2800, s8;
	[sflag:s21] =	ssyncadd.s32 $0xFFFFE000  }
0x95: {  	[spmem:s3] =	stream.indirect.scatter.add.f32 [tilespmem:s28], [sflag:$0x3], $0x40, s0, s26, $0xb8;
	[tilespmem:$0x1D000] =	vst v63  }
0x96: {  	_ =	swait.ge [sflag:s16], $0x2000  }
0x97: {  	[sflag:s16] =	ssyncset.done $0x0  }
0x98: {  	s0 =	sadd.s32 $0x100, s8;
	[sflag:s16] =	ssyncadd.s32 $0xFFFFE000  }
0x99: {  	[tilespmem:s28], [sflag:$0x1] =	stream.indirect.gather [spmem:s2], $0x40, s0, s26, $0xb8;
	[tilespmem:$0x1D000] =	vst v63  }
0x9a: {  	_ =	swait.ge [sflag:s25], $0x2000  }
.Ltmp1:
0x9b: {  	[sflag:s25] =	ssyncset.done $0x0;
	(pc) =	sbr.rel @p0 .LBB2_5-.Ltmp1, $4  }
0x9c: {  	s0 =	sadd.s32 $0x2880, s8;
	[sflag:s25] =	ssyncadd.s32 $0xFFFFE000  }
0x9d: {  	[spmem:s3] =	stream.indirect.scatter.add.f32 [tilespmem:s29], [sflag:$0x3], $0x40, s0, s26, $0xb8;
	[tilespmem:$0x1D000] =	vst v63  }
0x9e: {  	_ =	swait.ge [sflag:s16], $0x2000  }
0x9f: {  	s8 =	sshra.s32 s7, $0x2;
	s0 =	smov.u32 s10;
	[sflag:s16] =	ssyncset.done $0x0  }
0xa0: {  	s0 =	sadd.s32 $0x80, s8;
	[sflag:s16] =	ssyncadd.s32 $0xFFFFE000  }
0xa1: {  	[tilespmem:s29], [sflag:$0x2] =	stream.indirect.gather [spmem:s2], $0x40, s0, s26, $0xb8;
	[tilespmem:$0x1D000] =	vst v63  }
0xa2: {  	_ =	swait.ge [sflag:s21], $0x2000  }
0xa3: {  	[sflag:s21] =	ssyncset.done $0x0  }
0xa4: {  	s5 =	sadd.s32 $0x2800, s8;
	[sflag:s21] =	ssyncadd.s32 $0xFFFFE000  }
0xa5: {  	[spmem:s3] =	stream.indirect.scatter.add.f32 [tilespmem:s28], [sflag:$0x3], $0x40, s5, s26, $0xb8;
	[tilespmem:$0x1D000] =	vst v63  }
0xa6: {  	_ =	swait.ge [sflag:s16], $0x2000  }
0xa7: {  	[sflag:s16] =	ssyncset.done $0x0  }
0xa8: {  	s7 =	sadd.s32 $0x100, s8;
	[sflag:s16] =	ssyncadd.s32 $0xFFFFE000  }
0xa9: {  	[tilespmem:s28], [sflag:$0x1] =	stream.indirect.gather [spmem:s2], $0x40, s7, s26, $0xb8;
	[tilespmem:$0x1D000] =	vst v63  }
0xaa: {  	_ =	swait.ge [sflag:s25], $0x2000  }
0xab: {  	[sflag:s25] =	ssyncset.done $0x0  }
0xac: {  	s8 =	sadd.s32 $0x2880, s8;
	[sflag:s25] =	ssyncadd.s32 $0xFFFFE000  }
0xad: {  	[spmem:s3] =	stream.indirect.scatter.add.f32 [tilespmem:s29], [sflag:$0x3], $0x40, s8, s26, $0xb8;
	[tilespmem:$0x1D000] =	vst v63  }
0xae: {  	_ =	swait.ge [sflag:s16], $0x2000  }
0xaf: {  	[sflag:s16] =	ssyncset.done $0x0  }
0xb0: {  	[sflag:s16] =	ssyncadd.s32 $0xFFFFE000  }
0xb1: {  	[tilespmem:s29], [sflag:$0x2] =	stream.indirect.gather [spmem:s2], $0x40, s30, s26, $0xb8;
	[tilespmem:$0x1D000] =	vst v63  }
0xb2: {  	_ =	swait.ge [sflag:s21], $0x2000  }
0xb3: {  	[sflag:s21] =	ssyncset.done $0x0  }
0xb4: {  	[sflag:s21] =	ssyncadd.s32 $0xFFFFE000  }
0xb5: {  	[spmem:s3] =	stream.indirect.scatter.add.f32 [tilespmem:s28], [sflag:$0x3], $0x40, s31, s26, $0xb8;
	[tilespmem:$0x1D000] =	vst v63  }
0xb6: {  	_ =	swait.ge [sflag:s16], $0x2000  }
0xb7: {  	[sflag:s16] =	ssyncset.done $0x0  }
0xb8: {  	[sflag:s16] =	ssyncadd.s32 $0xFFFFE000  }
0xb9: {  	_ =	swait.ge [sflag:s25], $0x2000  }
0xba: {  	[sflag:s25] =	ssyncset.done $0x0  }
0xbb: {  	[sflag:s25] =	ssyncadd.s32 $0xFFFFE000  }
0xbc: {  	[spmem:s3] =	stream.indirect.scatter.add.f32 [tilespmem:s29], [sflag:$0x3], $0x40, s1, s26, $0xb8;
	[tilespmem:$0x1D000] =	vst v63  }
0xbd: {  	_ =	swait.ge [sflag:s16], $0x2000  }
0xbe: {  	s18 =	sadd.s32 $0x1, s18;
	[sflag:s16] =	ssyncset.done $0x0  }
0xbf: {  	p0 =	sne.s32 s18, $0xC;
	[sflag:s16] =	ssyncadd.s32 $0xFFFFE000  }
.Ltmp2:
0xc0: {  	s10 =	sadd.s32 s9, s14;
	[bflag:$0x0] =	sbarrier.arrive $0xFFFF;
	(pc) =	sbr.rel @p0 .LBB2_2-.Ltmp2, $4  }
0xc1: {  	[hbm:s10@s23], [sflag:s15] =	dma.strided [spmem:s4@s22], $0x1400, s21, $0x8   }
0xc2: {  	_ =	swait.ge [sflag:s16], $0x1400  }
0xc3: {  	[sflag:s16] =	ssyncset.done $0x0  }
0xc4: {  	[sflag:s16] =	ssyncadd.s32 $0xFFFFEC00  }
0xc5: {  	s4 =	rddreg [dreg:$0xa]  }
0xc6: {  	s0 =	rddreg [dreg:$0x9];
	s4 =	sadd.s32 $0x1, s4  }
0xc7: {  	p0 =	sne.s32 s4, s0  }
.Ltmp3:
0xc8: {  	_ = 	snop;
	(pc) =	sbr.rel @p0 .LBB2_1-.Ltmp3, $1  }
0xc9: {  	_ =	sdelay $0x3  }
0xca: {  	_ =	sfence.sel $0x180000  }
0xcb: {  	[bflag:$0x0] =	sbarrier.arrive $0xFFFF  }
0xcc: {  	_ =	strace $0x90000050  }
0xcd: {  	s0 =	stileid.u32;
	[bflag:$0x2] =	sbarrier.arrive $0xFFFF  }
0xce: {  	p0 =	sne.s32 s0, $0x0;
	s0 =	rddreg [dreg:$0x3]  }
0xcf: {  	s0 =	sadd.s32 @!p0 $0x100000, s0  }
0xd0: {  	[sflag:s0] =	ssyncadd.tile.s32 @!p0 $0x1;
	_ =	shalt  }
.Lfunc_end2:
_tile_overlayer_lowered:
.L_overlay_start_2:
0xd1: {  	(tag) =	ssettag $0x2  }
0xd2: {  	s0 =	rddreg [dreg:$0x0];
	s2 =	stileid.u32  }
0xd3: {  	s1 =	rddreg [dreg:$0x1];
	p0 =	sne.s32 s2, $0x0  }
0xd4: {  	s3 =	rddreg [dreg:$0x2];
	[bflag:$0x3] =	sbarrier.arrive $0xFFFF;
	s2 =	simm.s32 @!p0 $0x1C03  }
0xd5: {  	[timem:s3], [sflag:s2] =	dma.local @!p0 [hbm:s0], s1  }
0xd6: {  	s0 =	simm.s32 @!p0 $0x3  }
0xd7: {  	_ =	swait.ge @!p0 [sflag:s0], s1  }
0xd8: {  	s1 =	ssub.s32 @!p0 $0x0, s1;
	[sflag:s0] =	ssyncset.done @!p0 $0x0  }
0xd9: {  	[sflag:s0] =	ssyncadd.s32 @!p0 s1  }
0xda: {  	[bflag:$0x3] =	sbarrier.arrive $0xFFFF  }
0xdb: {  	_ =	shalt  }

</sc_bundles>
